<compile_context>
chip_gen: v7x
topology: tpu7x:2x2x1
jax: 0.10.2.dev20260603
libtpu: 0.0.44.dev20260713+nightly
codegen_flags: <defaults>
</compile_context>

<pallas_src>
import functools

import jax
import jax.numpy as jnp
import numpy as np
from jax import lax
from jax.experimental import pallas as pl
from jax.experimental.pallas import tpu as pltpu
from jax.experimental.pallas import tpu_sc as plsc

N = 10000
E = 320000
D_IN = 128
D_H = 128
DH2 = 64
D_OUT = 40
D2P = 48
DT = 64

NC = 2
NS = 16
NW = NC * NS
K = 128
CPW = 80
EP = NW * CPW * K
NPAD = 10112
NPT = NPAD // NS
ZR = 158
NB = 8

_MESH = plsc.VectorSubcoreMesh(
    core_axis_name="c", subcore_axis_name="s", num_cores=NC, num_subcores=NS
)
_SC_PARAMS = pltpu.CompilerParams(
    use_tc_tiling_on_sc=False, needs_layout_passes=False
)

_PAD_DST = np.asarray(N + (np.arange(EP - E) % (NPAD - N)), np.int32)
_PAD_SRC = np.asarray((np.arange(EP - E) * 37) % N, np.int32)


def _fill(ref, nrows, ncols, value):
    val = jnp.full((16,), value, jnp.float32)

    def body(i, _):
        for j in range(ncols // 16):
            ref[i, pl.ds(j * 16, 16)] = val
        return 0

    lax.fori_loop(0, nrows, body, 0)


def _fill16(ref, nrows, ncols):
    val = jnp.zeros((32,), jnp.bfloat16)

    def body(i, _):
        for j in range(ncols // 32):
            ref[i, pl.ds(j * 32, 32)] = val
        return 0

    lax.fori_loop(0, nrows, body, 0)


def _zero_acc(acc, zbuf, s):
    for r in range(NPT // ZR):
        pltpu.sync_copy(zbuf, acc.at[pl.ds(s * NPT + r * ZR, ZR)])


def _scatter_pass(y_hbm, idxs, idxd, b16s, acc, sgs, sss):

    def body(t, _):
        gs = [
            pltpu.async_copy(y_hbm.at[idxs.at[NB * t + u]], b16s[u], sgs[u])
            for u in range(NB)
        ]
        ss = []
        for u in range(NB):
            gs[u].wait()
            ss.append(pltpu.async_copy(
                b16s[u], acc.at[idxd.at[NB * t + u]], sss[u], add=True))
        for s_ in ss:
            s_.wait()
        return 0

    lax.fori_loop(0, CPW // NB, body, 0)


@functools.partial(
    pl.kernel,
    out_type=jax.ShapeDtypeStruct((NC * NPAD, 16), jnp.float32),
    mesh=_MESH,
    scratch_types=[
        pltpu.VMEM((CPW, K), jnp.int32),
        pltpu.VMEM((K, 16), jnp.float32),
        pltpu.VMEM((ZR, 16), jnp.float32),
        pltpu.VMEM_SHARED((NPAD, 16), jnp.float32),
        pltpu.SemaphoreType.DMA,
    ],
    compiler_params=_SC_PARAMS,
)
def _deg_kernel(dst_hbm, out_hbm, idxd, ones_v, zbuf, acc, sem):
    c = lax.axis_index("c")
    s = lax.axis_index("s")
    wid = c * NS + s
    _fill(ones_v, K, 16, 1.0)
    _fill(zbuf, ZR, 16, 0.0)
    _zero_acc(acc, zbuf, s)
    plsc.subcore_barrier()
    pltpu.sync_copy(dst_hbm.at[pl.ds(wid * CPW, CPW)], idxd)

    def body(t, _):
        ds_ = [
            pltpu.async_copy(ones_v, acc.at[idxd.at[4 * t + u]], sem, add=True)
            for u in range(4)
        ]
        for d_ in ds_:
            d_.wait()
        return 0

    lax.fori_loop(0, CPW // 4, body, 0)
    plsc.subcore_barrier()
    pltpu.sync_copy(
        acc.at[pl.ds(s * NPT, NPT)], out_hbm.at[pl.ds(c * NPAD + s * NPT, NPT)]
    )


@functools.partial(
    pl.kernel,
    out_type=[
        jax.ShapeDtypeStruct((NC * NPAD, DT), jnp.bfloat16),
        jax.ShapeDtypeStruct((NC * NPAD, DT), jnp.bfloat16),
    ],
    mesh=_MESH,
    scratch_types=[
        pltpu.VMEM((CPW, K), jnp.int32),
        pltpu.VMEM((CPW, K), jnp.int32),
    ] + [pltpu.VMEM((K, DT), jnp.bfloat16)] * 8 + [
        pltpu.VMEM((ZR, DT), jnp.bfloat16),
        pltpu.VMEM_SHARED((NPAD, DT), jnp.bfloat16),
    ] + [pltpu.SemaphoreType.DMA] * 16,
    compiler_params=_SC_PARAMS,
)
def _prop1(ya_hbm, yb_hbm, src_hbm, dst_hbm, outa_hbm, outb_hbm, idxs, idxd,
           b0, b1, b2, b3, b4, b5, b6, b7, zbuf, acc, *sems):
    c = lax.axis_index("c")
    s = lax.axis_index("s")
    wid = c * NS + s
    _fill16(zbuf, ZR, DT)
    pltpu.sync_copy(src_hbm.at[pl.ds(wid * CPW, CPW)], idxs)
    pltpu.sync_copy(dst_hbm.at[pl.ds(wid * CPW, CPW)], idxd)
    for y_hbm, out_hbm in ((ya_hbm, outa_hbm), (yb_hbm, outb_hbm)):
        _zero_acc(acc, zbuf, s)
        plsc.subcore_barrier()
        _scatter_pass(y_hbm, idxs, idxd, (b0, b1, b2, b3, b4, b5, b6, b7),
                      acc, sems[:8], sems[8:])
        plsc.subcore_barrier()
        pltpu.sync_copy(
            acc.at[pl.ds(s * NPT, NPT)],
            out_hbm.at[pl.ds(c * NPAD + s * NPT, NPT)],
        )
        plsc.subcore_barrier()


@functools.partial(
    pl.kernel,
    out_type=jax.ShapeDtypeStruct((NC * NPAD, DT), jnp.bfloat16),
    mesh=_MESH,
    scratch_types=[
        pltpu.VMEM((CPW, K), jnp.int32),
        pltpu.VMEM((CPW, K), jnp.int32),
    ] + [pltpu.VMEM((K, DT), jnp.bfloat16)] * 8 + [
        pltpu.VMEM((ZR, DT), jnp.bfloat16),
        pltpu.VMEM_SHARED((NPAD, DT), jnp.bfloat16),
    ] + [pltpu.SemaphoreType.DMA] * 16,
    compiler_params=_SC_PARAMS,
)
def _prop2(y_hbm, src_hbm, dst_hbm, out_hbm, idxs, idxd, b0, b1, b2, b3,
           b4, b5, b6, b7, zbuf, acc, *sems):
    c = lax.axis_index("c")
    s = lax.axis_index("s")
    wid = c * NS + s
    _fill16(zbuf, ZR, DT)
    _zero_acc(acc, zbuf, s)
    plsc.subcore_barrier()
    pltpu.sync_copy(src_hbm.at[pl.ds(wid * CPW, CPW)], idxs)
    pltpu.sync_copy(dst_hbm.at[pl.ds(wid * CPW, CPW)], idxd)
    _scatter_pass(y_hbm, idxs, idxd, (b0, b1, b2, b3, b4, b5, b6, b7),
                  acc, sems[:8], sems[8:])
    plsc.subcore_barrier()
    pltpu.sync_copy(
        acc.at[pl.ds(s * NPT, NPT)], out_hbm.at[pl.ds(c * NPAD + s * NPT, NPT)]
    )


R = 1264
GRID = NPAD // R


def _tc1_body(dega_ref, degb_ref, x_ref, w1_ref, ya_ref, yb_ref, dinv_ref):
    deg = dega_ref[:, 0:1] + degb_ref[:, 0:1] + 1.0
    dinv = lax.rsqrt(deg)
    xw = jnp.dot(x_ref[...], w1_ref[...], preferred_element_type=jnp.float32)
    y1 = xw * dinv
    ya_ref[...] = y1[:, :DH2].astype(jnp.bfloat16)
    yb_ref[...] = y1[:, DH2:].astype(jnp.bfloat16)
    dinv_ref[...] = jnp.broadcast_to(dinv, (R, 8))


def _tc1(degp, xpad, w1):
    return pl.pallas_call(
        _tc1_body,
        grid=(GRID,),
        in_specs=[
            pl.BlockSpec((R, 16), lambda i: (i, 0)),
            pl.BlockSpec((R, 16), lambda i: (i + GRID, 0)),
            pl.BlockSpec((R, D_IN), lambda i: (i, 0)),
            pl.BlockSpec((D_IN, D_H), lambda i: (0, 0)),
        ],
        out_specs=[
            pl.BlockSpec((R, DT), lambda i: (i, 0)),
            pl.BlockSpec((R, DT), lambda i: (i, 0)),
            pl.BlockSpec((R, 8), lambda i: (i, 0)),
        ],
        out_shape=[
            jax.ShapeDtypeStruct((NPAD, DT), jnp.bfloat16),
            jax.ShapeDtypeStruct((NPAD, DT), jnp.bfloat16),
            jax.ShapeDtypeStruct((NPAD, 8), jnp.float32),
        ],
    )(degp, degp, xpad, w1)


def _tc2_body(za_a, za_b, zb_a, zb_b, ya_ref, yb_ref, dinv_ref, b1_ref,
              w2_ref, y2_ref):
    dinv = dinv_ref[:, 0:1]
    ya = ya_ref[...].astype(jnp.float32)
    yb = yb_ref[...].astype(jnp.float32)
    zlo = za_a[...].astype(jnp.float32) + za_b[...].astype(jnp.float32) + ya
    zhi = zb_a[...].astype(jnp.float32) + zb_b[...].astype(jnp.float32) + yb
    z = jnp.concatenate([zlo, zhi], axis=1)
    h = jnp.maximum(z * dinv + b1_ref[...], 0.0)
    y2 = jnp.dot(h, w2_ref[...], preferred_element_type=jnp.float32) * dinv
    y2_ref[...] = jnp.pad(y2, ((0, 0), (0, DT - D2P))).astype(jnp.bfloat16)


def _tc2(acca, accb, ya, yb, dinv, b1, w2p):
    halfa = pl.BlockSpec((R, DT), lambda i: (i, 0))
    halfb = pl.BlockSpec((R, DT), lambda i: (i + GRID, 0))
    return pl.pallas_call(
        _tc2_body,
        grid=(GRID,),
        in_specs=[
            halfa, halfb, halfa, halfb, halfa, halfa,
            pl.BlockSpec((R, 8), lambda i: (i, 0)),
            pl.BlockSpec((1, D_H), lambda i: (0, 0)),
            pl.BlockSpec((D_H, D2P), lambda i: (0, 0)),
        ],
        out_specs=pl.BlockSpec((R, DT), lambda i: (i, 0)),
        out_shape=jax.ShapeDtypeStruct((NPAD, DT), jnp.bfloat16),
    )(acca, acca, accb, accb, ya, yb, dinv, b1, w2p)


def _tc3_body(acca_ref, accb_ref, y2_ref, dinv_ref, b2_ref, out_ref):
    dinv = dinv_ref[:, 0:1]
    y2 = y2_ref[...].astype(jnp.float32)
    z = (acca_ref[...].astype(jnp.float32) + accb_ref[...].astype(jnp.float32)
         + y2) * dinv
    o = z[:, :D_OUT] + b2_ref[...]
    m = jnp.max(o, axis=1, keepdims=True)
    e = jnp.exp(o - m)
    out_ref[...] = e / jnp.sum(e, axis=1, keepdims=True)


def _tc3(acc2, y2, dinv, b2):
    return pl.pallas_call(
        _tc3_body,
        grid=(GRID,),
        in_specs=[
            pl.BlockSpec((R, DT), lambda i: (i, 0)),
            pl.BlockSpec((R, DT), lambda i: (i + GRID, 0)),
            pl.BlockSpec((R, DT), lambda i: (i, 0)),
            pl.BlockSpec((R, 8), lambda i: (i, 0)),
            pl.BlockSpec((1, D_OUT), lambda i: (0, 0)),
        ],
        out_specs=pl.BlockSpec((R, D_OUT), lambda i: (i, 0)),
        out_shape=jax.ShapeDtypeStruct((NPAD, D_OUT), jnp.float32),
    )(acc2, acc2, y2, dinv, b2)


def kernel(x, edge_index, W1, b1, W2, b2):
    src = jnp.concatenate([edge_index[0], jnp.asarray(_PAD_SRC)])
    dst = jnp.concatenate([edge_index[1], jnp.asarray(_PAD_DST)])
    src2 = src.reshape(NW * CPW, K)
    dst2 = dst.reshape(NW * CPW, K)
    w2p = jnp.pad(W2, ((0, 0), (0, D2P - D_OUT)))
    b1r = b1.reshape(1, D_H)
    b2r = b2.reshape(1, D_OUT)
    xpad = jnp.pad(x, ((0, NPAD - N), (0, 0)))
    degp = _deg_kernel(dst2)
    ya16, yb16, dinv = _tc1(degp, xpad, W1)
    acc1a, acc1b = _prop1(ya16, yb16, src2, dst2)
    y216 = _tc2(acc1a, acc1b, ya16, yb16, dinv, b1r, w2p)
    acc2 = _prop2(y216, src2, dst2)
    return _tc3(acc2, y216, dinv, b2r)[:N]

# --- scband reference (transcript-rebuilt; emitter-appended) ---
"""Pipeline reference for scband-gcn-25546465477207 (READ-ONLY COPY).

The authoritative reference and input builder live on the scoring server;
editing this copy changes nothing except your own understanding.
"""

import jax, jax.numpy as jnp
import numpy as np

N_NODES = 10000
E_EDGES = 320000
D_IN = 128
D_H = 128
D_OUT = 40


def gcn_conv(x, src, dst, W, b, num_nodes):
    # PyG GCNConv: add self-loops, symmetric normalization D^-1/2 (A+I) D^-1/2 X W + b
    loop = jnp.arange(num_nodes, dtype=src.dtype)
    src_sl = jnp.concatenate([src, loop])
    dst_sl = jnp.concatenate([dst, loop])
    deg = jnp.zeros((num_nodes,), dtype=x.dtype).at[dst_sl].add(1.0)
    deg_inv_sqrt = jnp.where(deg > 0, 1.0 / jnp.sqrt(deg), 0.0)
    norm = deg_inv_sqrt[src_sl] * deg_inv_sqrt[dst_sl]
    xw = x @ W
    msg = xw[src_sl] * norm[:, None]
    out = jnp.zeros((num_nodes, W.shape[1]), dtype=x.dtype).at[dst_sl].add(msg)
    return out + b


def setup_inputs(seed: int = 0) -> dict:
    key = jax.random.key(seed)
    k1, k2, k3, k4, k5, k6 = jax.random.split(key, 6)
    x = jax.random.normal(k1, (N_NODES, D_IN), dtype=jnp.float32)
    edge_index = jax.random.randint(k2, (2, E_EDGES), 0, N_NODES, dtype=jnp.int32)
    W1 = jax.random.normal(k3, (D_IN, D_H), dtype=jnp.float32) * (1.0 / np.sqrt(D_IN))
    b1 = jnp.zeros((D_H,), dtype=jnp.float32)
    W2 = jax.random.normal(k4, (D_H, D_OUT), dtype=jnp.float32) * (1.0 / np.sqrt(D_H))
    b2 = jnp.zeros((D_OUT,), dtype=jnp.float32)
    return {"x": x, "edge_index": edge_index, "W1": W1, "b1": b1, "W2": W2, "b2": b2}


def reference(x, edge_index, W1, b1, W2, b2):
    src = edge_index[0]
    dst = edge_index[1]
    h = jax.nn.relu(gcn_conv(x, src, dst, W1, b1, N_NODES))
    # dropout is a no-op in eval mode
    out = gcn_conv(h, src, dst, W2, b2, N_NODES)
    return jax.nn.softmax(out, axis=-1)

if __name__ == "__main__":
    import jax
    _d = setup_inputs()
    print(jax.jit(kernel)(*tuple(_d.values())))

</pallas_src>

<mosaic_0001>
#map = affine_map<(d0, d1) -> (0, 0)>
module attributes {stable_mosaic.version = 14 : i64} {
  func.func @_deg_kernel(%arg0: i32, %arg1: i32, %arg2: memref<2560x128xi32, #tpu.memory_space<hbm>>, %arg3: memref<20224x16xf32, #tpu.memory_space<hbm>>, %arg4: memref<80x128xi32, #tpu.memory_space<vmem>>, %arg5: memref<128x16xf32, #tpu.memory_space<vmem>>, %arg6: memref<158x16xf32, #tpu.memory_space<vmem>>, %arg7: memref<10112x16xf32, #tpu.memory_space<vmem_shared>>, %arg8: memref<!tpu.dma_semaphore, #tpu.memory_space<semaphore_mem>>) attributes {dimension_semantics = [#tpu.dimension_semantics<core_parallel>, #tpu.dimension_semantics<subcore_parallel>], iteration_bounds = array<i64: 2, 16>, scalar_prefetch = 0 : i64, scratch_operands = 5 : i64, tpu.core_type = #tpu.core_type<sc_vector_subcore>, window_params = [{transform_indices = #map}, {transform_indices = #map}]} {
    %mul3A = arith.constant 16 : i32
    %mul3A_0 = arith.muli %arg0, %mul3A : i32
    %add3A = arith.addi %mul3A_0, %arg1 : i32
    %broadcast_in_dim3A = arith.constant 1.000000e+00 : f32
    %broadcast_in_dim3A_1 = vector.broadcast %broadcast_in_dim3A : f32 to vector<16xf32>
    %scan3A = arith.constant 0 : i32
    %scan3A_2 = arith.constant 0 : i32
    %scan3A_3 = arith.constant 128 : i32
    %scan3A_4 = arith.addi %scan3A_2, %scan3A_3 : i32
    %scan3A_5 = arith.constant 1 : i32
    %scan3A_6 = scf.for %scan3A_50 = %scan3A_2 to %scan3A_4 step %scan3A_5 iter_args(%scan3A_51 = %scan3A) -> (i32)  : i32 {
      %swap3A = arith.index_cast %scan3A_50 : i32 to index
      %swap3A_52 = arith.constant 0 : index
      %swap3A_53 = tpu.vector_load %arg5[%swap3A, %swap3A_52] {strides = array<i32>} : memref<128x16xf32, #tpu.memory_space<vmem>>, vector<16xf32>,
      tpu.vector_store %arg5[%swap3A, %swap3A_52], %broadcast_in_dim3A_1 {strides = array<i32>} : memref<128x16xf32, #tpu.memory_space<vmem>>, vector<16xf32>,
      %scan3A_54 = arith.constant 0 : i32
      scf.yield %scan3A_54 : i32
    }
    %scan3A_7 = arith.constant 128 : i32
    %broadcast_in_dim3A_8 = arith.constant 0.000000e+00 : f32
    %broadcast_in_dim3A_9 = vector.broadcast %broadcast_in_dim3A_8 : f32 to vector<16xf32>
    %scan3A_10 = arith.constant 0 : i32
    %scan3A_11 = arith.constant 0 : i32
    %scan3A_12 = arith.constant 158 : i32
    %scan3A_13 = arith.addi %scan3A_11, %scan3A_12 : i32
    %scan3A_14 = arith.constant 1 : i32
    %scan3A_15 = scf.for %scan3A_50 = %scan3A_11 to %scan3A_13 step %scan3A_14 iter_args(%scan3A_51 = %scan3A_10) -> (i32)  : i32 {
      %swap3A = arith.index_cast %scan3A_50 : i32 to index
      %swap3A_52 = arith.constant 0 : index
      %swap3A_53 = tpu.vector_load %arg6[%swap3A, %swap3A_52] {strides = array<i32>} : memref<158x16xf32, #tpu.memory_space<vmem>>, vector<16xf32>,
      tpu.vector_store %arg6[%swap3A, %swap3A_52], %broadcast_in_dim3A_9 {strides = array<i32>} : memref<158x16xf32, #tpu.memory_space<vmem>>, vector<16xf32>,
      %scan3A_54 = arith.constant 0 : i32
      scf.yield %scan3A_54 : i32
    }
    %scan3A_16 = arith.constant 158 : i32
    %mul3A_17 = arith.constant 632 : i32
    %mul3A_18 = arith.muli %arg1, %mul3A_17 : i32
    %add3A_19 = arith.constant 0 : i32
    %add3A_20 = arith.addi %mul3A_18, %add3A_19 : i32
    "tpu.region"() ({
      %run_scoped3A = tpu.sem_alloc : memref<!tpu.dma_semaphore, #tpu.memory_space<semaphore_mem>>
      %dma_start3A = arith.constant 0 : i32
      %dma_start3A_50 = tpu.memref_slice %arg7[%add3A_20, %dma_start3A] : memref<10112x16xf32, #tpu.memory_space<vmem_shared>> -> memref<158x16xf32, #tpu.memory_space<vmem_shared>>
      %dma_start3A_51 = arith.constant 0 : i32
      %dma_start3A_52 = tpu.memref_slice %arg7[%add3A_20, %dma_start3A_51] : memref<10112x16xf32, #tpu.memory_space<vmem_shared>> -> memref<158x16xf32, #tpu.memory_space<vmem_shared>>
      tpu.enqueue_dma source(%arg6 : memref<158x16xf32, #tpu.memory_space<vmem>>) target(%dma_start3A_52 : memref<158x16xf32, #tpu.memory_space<vmem_shared>>) target_semaphore(%run_scoped3A : memref<!tpu.dma_semaphore, #tpu.memory_space<semaphore_mem>>)
      %dma_wait3A = arith.constant 0 : i32
      %dma_wait3A_53 = tpu.memref_slice %arg7[%add3A_20, %dma_wait3A] : memref<10112x16xf32, #tpu.memory_space<vmem_shared>> -> memref<158x16xf32, #tpu.memory_space<vmem_shared>>
      %dma_wait3A_54 = arith.constant 0 : i32
      %dma_wait3A_55 = tpu.memref_slice %arg7[%add3A_20, %dma_wait3A_54] : memref<10112x16xf32, #tpu.memory_space<vmem_shared>> -> memref<158x16xf32, #tpu.memory_space<vmem_shared>>
      tpu.wait_dma2 semaphore(%run_scoped3A : memref<!tpu.dma_semaphore, #tpu.memory_space<semaphore_mem>>) src(%arg6 : memref<158x16xf32, #tpu.memory_space<vmem>>) dst(%dma_wait3A_55 : memref<158x16xf32, #tpu.memory_space<vmem_shared>>)
      tpu.yield
    }) : () -> ()
    %mul3A_21 = arith.constant 632 : i32
    %mul3A_22 = arith.muli %arg1, %mul3A_21 : i32
    %add3A_23 = arith.constant 158 : i32
    %add3A_24 = arith.addi %mul3A_22, %add3A_23 : i32
    "tpu.region"() ({
      %run_scoped3A = tpu.sem_alloc : memref<!tpu.dma_semaphore, #tpu.memory_space<semaphore_mem>>
      %dma_start3A = arith.constant 0 : i32
      %dma_start3A_50 = tpu.memref_slice %arg7[%add3A_24, %dma_start3A] : memref<10112x16xf32, #tpu.memory_space<vmem_shared>> -> memref<158x16xf32, #tpu.memory_space<vmem_shared>>
      %dma_start3A_51 = arith.constant 0 : i32
      %dma_start3A_52 = tpu.memref_slice %arg7[%add3A_24, %dma_start3A_51] : memref<10112x16xf32, #tpu.memory_space<vmem_shared>> -> memref<158x16xf32, #tpu.memory_space<vmem_shared>>
      tpu.enqueue_dma source(%arg6 : memref<158x16xf32, #tpu.memory_space<vmem>>) target(%dma_start3A_52 : memref<158x16xf32, #tpu.memory_space<vmem_shared>>) target_semaphore(%run_scoped3A : memref<!tpu.dma_semaphore, #tpu.memory_space<semaphore_mem>>)
      %dma_wait3A = arith.constant 0 : i32
      %dma_wait3A_53 = tpu.memref_slice %arg7[%add3A_24, %dma_wait3A] : memref<10112x16xf32, #tpu.memory_space<vmem_shared>> -> memref<158x16xf32, #tpu.memory_space<vmem_shared>>
      %dma_wait3A_54 = arith.constant 0 : i32
      %dma_wait3A_55 = tpu.memref_slice %arg7[%add3A_24, %dma_wait3A_54] : memref<10112x16xf32, #tpu.memory_space<vmem_shared>> -> memref<158x16xf32, #tpu.memory_space<vmem_shared>>
      tpu.wait_dma2 semaphore(%run_scoped3A : memref<!tpu.dma_semaphore, #tpu.memory_space<semaphore_mem>>) src(%arg6 : memref<158x16xf32, #tpu.memory_space<vmem>>) dst(%dma_wait3A_55 : memref<158x16xf32, #tpu.memory_space<vmem_shared>>)
      tpu.yield
    }) : () -> ()
    %mul3A_25 = arith.constant 632 : i32
    %mul3A_26 = arith.muli %arg1, %mul3A_25 : i32
    %add3A_27 = arith.constant 316 : i32
    %add3A_28 = arith.addi %mul3A_26, %add3A_27 : i32
    "tpu.region"() ({
      %run_scoped3A = tpu.sem_alloc : memref<!tpu.dma_semaphore, #tpu.memory_space<semaphore_mem>>
      %dma_start3A = arith.constant 0 : i32
      %dma_start3A_50 = tpu.memref_slice %arg7[%add3A_28, %dma_start3A] : memref<10112x16xf32, #tpu.memory_space<vmem_shared>> -> memref<158x16xf32, #tpu.memory_space<vmem_shared>>
      %dma_start3A_51 = arith.constant 0 : i32
      %dma_start3A_52 = tpu.memref_slice %arg7[%add3A_28, %dma_start3A_51] : memref<10112x16xf32, #tpu.memory_space<vmem_shared>> -> memref<158x16xf32, #tpu.memory_space<vmem_shared>>
      tpu.enqueue_dma source(%arg6 : memref<158x16xf32, #tpu.memory_space<vmem>>) target(%dma_start3A_52 : memref<158x16xf32, #tpu.memory_space<vmem_shared>>) target_semaphore(%run_scoped3A : memref<!tpu.dma_semaphore, #tpu.memory_space<semaphore_mem>>)
      %dma_wait3A = arith.constant 0 : i32
      %dma_wait3A_53 = tpu.memref_slice %arg7[%add3A_28, %dma_wait3A] : memref<10112x16xf32, #tpu.memory_space<vmem_shared>> -> memref<158x16xf32, #tpu.memory_space<vmem_shared>>
      %dma_wait3A_54 = arith.constant 0 : i32
      %dma_wait3A_55 = tpu.memref_slice %arg7[%add3A_28, %dma_wait3A_54] : memref<10112x16xf32, #tpu.memory_space<vmem_shared>> -> memref<158x16xf32, #tpu.memory_space<vmem_shared>>
      tpu.wait_dma2 semaphore(%run_scoped3A : memref<!tpu.dma_semaphore, #tpu.memory_space<semaphore_mem>>) src(%arg6 : memref<158x16xf32, #tpu.memory_space<vmem>>) dst(%dma_wait3A_55 : memref<158x16xf32, #tpu.memory_space<vmem_shared>>)
      tpu.yield
    }) : () -> ()
    %mul3A_29 = arith.constant 632 : i32
    %mul3A_30 = arith.muli %arg1, %mul3A_29 : i32
    %add3A_31 = arith.constant 474 : i32
    %add3A_32 = arith.addi %mul3A_30, %add3A_31 : i32
    "tpu.region"() ({
      %run_scoped3A = tpu.sem_alloc : memref<!tpu.dma_semaphore, #tpu.memory_space<semaphore_mem>>
      %dma_start3A = arith.constant 0 : i32
      %dma_start3A_50 = tpu.memref_slice %arg7[%add3A_32, %dma_start3A] : memref<10112x16xf32, #tpu.memory_space<vmem_shared>> -> memref<158x16xf32, #tpu.memory_space<vmem_shared>>
      %dma_start3A_51 = arith.constant 0 : i32
      %dma_start3A_52 = tpu.memref_slice %arg7[%add3A_32, %dma_start3A_51] : memref<10112x16xf32, #tpu.memory_space<vmem_shared>> -> memref<158x16xf32, #tpu.memory_space<vmem_shared>>
      tpu.enqueue_dma source(%arg6 : memref<158x16xf32, #tpu.memory_space<vmem>>) target(%dma_start3A_52 : memref<158x16xf32, #tpu.memory_space<vmem_shared>>) target_semaphore(%run_scoped3A : memref<!tpu.dma_semaphore, #tpu.memory_space<semaphore_mem>>)
      %dma_wait3A = arith.constant 0 : i32
      %dma_wait3A_53 = tpu.memref_slice %arg7[%add3A_32, %dma_wait3A] : memref<10112x16xf32, #tpu.memory_space<vmem_shared>> -> memref<158x16xf32, #tpu.memory_space<vmem_shared>>
      %dma_wait3A_54 = arith.constant 0 : i32
      %dma_wait3A_55 = tpu.memref_slice %arg7[%add3A_32, %dma_wait3A_54] : memref<10112x16xf32, #tpu.memory_space<vmem_shared>> -> memref<158x16xf32, #tpu.memory_space<vmem_shared>>
      tpu.wait_dma2 semaphore(%run_scoped3A : memref<!tpu.dma_semaphore, #tpu.memory_space<semaphore_mem>>) src(%arg6 : memref<158x16xf32, #tpu.memory_space<vmem>>) dst(%dma_wait3A_55 : memref<158x16xf32, #tpu.memory_space<vmem_shared>>)
      tpu.yield
    }) : () -> ()
    %barrier3A = arith.constant 0 : index
    tpu.barrier barrier_id(%barrier3A)
    %mul3A_33 = arith.constant 80 : i32
    %mul3A_34 = arith.muli %add3A, %mul3A_33 : i32
    "tpu.region"() ({
      %run_scoped3A = tpu.sem_alloc : memref<!tpu.dma_semaphore, #tpu.memory_space<semaphore_mem>>
      %dma_start3A = arith.constant 0 : i32
      %dma_start3A_50 = tpu.memref_slice %arg2[%mul3A_34, %dma_start3A] : memref<2560x128xi32, #tpu.memory_space<hbm>> -> memref<80x128xi32, #tpu.memory_space<hbm>>
      %dma_start3A_51 = arith.constant 0 : i32
      %dma_start3A_52 = tpu.memref_slice %arg2[%mul3A_34, %dma_start3A_51] : memref<2560x128xi32, #tpu.memory_space<hbm>> -> memref<80x128xi32, #tpu.memory_space<hbm>>
      tpu.enqueue_dma source(%dma_start3A_52 : memref<80x128xi32, #tpu.memory_space<hbm>>) target(%arg4 : memref<80x128xi32, #tpu.memory_space<vmem>>) target_semaphore(%run_scoped3A : memref<!tpu.dma_semaphore, #tpu.memory_space<semaphore_mem>>)
      %dma_wait3A = arith.constant 0 : i32
      %dma_wait3A_53 = tpu.memref_slice %arg2[%mul3A_34, %dma_wait3A] : memref<2560x128xi32, #tpu.memory_space<hbm>> -> memref<80x128xi32, #tpu.memory_space<hbm>>
      %dma_wait3A_54 = arith.constant 0 : i32
      %dma_wait3A_55 = tpu.memref_slice %arg2[%mul3A_34, %dma_wait3A_54] : memref<2560x128xi32, #tpu.memory_space<hbm>> -> memref<80x128xi32, #tpu.memory_space<hbm>>
      tpu.wait_dma2 semaphore(%run_scoped3A : memref<!tpu.dma_semaphore, #tpu.memory_space<semaphore_mem>>) src(%dma_wait3A_55 : memref<80x128xi32, #tpu.memory_space<hbm>>) dst(%arg4 : memref<80x128xi32, #tpu.memory_space<vmem>>)
      tpu.yield
    }) : () -> ()
    %scan3A_35 = arith.constant 0 : i32
    %scan3A_36 = arith.constant 0 : i32
    %scan3A_37 = arith.constant 20 : i32
    %scan3A_38 = arith.addi %scan3A_36, %scan3A_37 : i32
    %scan3A_39 = arith.constant 1 : i32
    %scan3A_40 = scf.for %scan3A_50 = %scan3A_36 to %scan3A_38 step %scan3A_39 iter_args(%scan3A_51 = %scan3A_35) -> (i32)  : i32 {
      %mul3A_52 = arith.constant 4 : i32
      %mul3A_53 = arith.muli %mul3A_52, %scan3A_50 : i32
      %add3A_54 = arith.constant 0 : i32
      %add3A_55 = arith.addi %mul3A_53, %add3A_54 : i32
      %dma_start3A = arith.constant 0 : i32
      %dma_start3A_56 = tpu.memref_slice %arg4[%add3A_55, %dma_start3A] : memref<80x128xi32, #tpu.memory_space<vmem>> -> memref<1x128xi32, #tpu.memory_space<vmem>>
      %dma_start3A_57 = tpu.memref_squeeze %dma_start3A_56 : memref<1x128xi32, #tpu.memory_space<vmem>> -> memref<128xi32, #tpu.memory_space<vmem>>
      %dma_start3A_58 = arith.constant 0 : i32
      %dma_start3A_59 = arith.constant 0 : i32
      %dma_start3A_60 = tpu.memref_slice %arg7[%dma_start3A_58, %dma_start3A_59] : memref<10112x16xf32, #tpu.memory_space<vmem_shared>> -> memref<10112x16xf32, #tpu.memory_space<vmem_shared>>
      tpu.enqueue_indirect_dma source(%arg5 : memref<128x16xf32, #tpu.memory_space<vmem>>) target(%dma_start3A_60 : memref<10112x16xf32, #tpu.memory_space<vmem_shared>>) offsets(%dma_start3A_57 : memref<128xi32, #tpu.memory_space<vmem>>) semaphore(%arg8 : memref<!tpu.dma_semaphore, #tpu.memory_space<semaphore_mem>>) {add = true}
      %mul3A_61 = arith.constant 4 : i32
      %mul3A_62 = arith.muli %mul3A_61, %scan3A_50 : i32
      %add3A_63 = arith.constant 1 : i32
      %add3A_64 = arith.addi %mul3A_62, %add3A_63 : i32
      %dma_start3A_65 = arith.constant 0 : i32
      %dma_start3A_66 = tpu.memref_slice %arg4[%add3A_64, %dma_start3A_65] : memref<80x128xi32, #tpu.memory_space<vmem>> -> memref<1x128xi32, #tpu.memory_space<vmem>>
      %dma_start3A_67 = tpu.memref_squeeze %dma_start3A_66 : memref<1x128xi32, #tpu.memory_space<vmem>> -> memref<128xi32, #tpu.memory_space<vmem>>
      %dma_start3A_68 = arith.constant 0 : i32
      %dma_start3A_69 = arith.constant 0 : i32
      %dma_start3A_70 = tpu.memref_slice %arg7[%dma_start3A_68, %dma_start3A_69] : memref<10112x16xf32, #tpu.memory_space<vmem_shared>> -> memref<10112x16xf32, #tpu.memory_space<vmem_shared>>
      tpu.enqueue_indirect_dma source(%arg5 : memref<128x16xf32, #tpu.memory_space<vmem>>) target(%dma_start3A_70 : memref<10112x16xf32, #tpu.memory_space<vmem_shared>>) offsets(%dma_start3A_67 : memref<128xi32, #tpu.memory_space<vmem>>) semaphore(%arg8 : memref<!tpu.dma_semaphore, #tpu.memory_space<semaphore_mem>>) {add = true}
      %mul3A_71 = arith.constant 4 : i32
      %mul3A_72 = arith.muli %mul3A_71, %scan3A_50 : i32
      %add3A_73 = arith.constant 2 : i32
      %add3A_74 = arith.addi %mul3A_72, %add3A_73 : i32
      %dma_start3A_75 = arith.constant 0 : i32
      %dma_start3A_76 = tpu.memref_slice %arg4[%add3A_74, %dma_start3A_75] : memref<80x128xi32, #tpu.memory_space<vmem>> -> memref<1x128xi32, #tpu.memory_space<vmem>>
      %dma_start3A_77 = tpu.memref_squeeze %dma_start3A_76 : memref<1x128xi32, #tpu.memory_space<vmem>> -> memref<128xi32, #tpu.memory_space<vmem>>
      %dma_start3A_78 = arith.constant 0 : i32
      %dma_start3A_79 = arith.constant 0 : i32
      %dma_start3A_80 = tpu.memref_slice %arg7[%dma_start3A_78, %dma_start3A_79] : memref<10112x16xf32, #tpu.memory_space<vmem_shared>> -> memref<10112x16xf32, #tpu.memory_space<vmem_shared>>
      tpu.enqueue_indirect_dma source(%arg5 : memref<128x16xf32, #tpu.memory_space<vmem>>) target(%dma_start3A_80 : memref<10112x16xf32, #tpu.memory_space<vmem_shared>>) offsets(%dma_start3A_77 : memref<128xi32, #tpu.memory_space<vmem>>) semaphore(%arg8 : memref<!tpu.dma_semaphore, #tpu.memory_space<semaphore_mem>>) {add = true}
      %mul3A_81 = arith.constant 4 : i32
      %mul3A_82 = arith.muli %mul3A_81, %scan3A_50 : i32
      %add3A_83 = arith.constant 3 : i32
      %add3A_84 = arith.addi %mul3A_82, %add3A_83 : i32
      %dma_start3A_85 = arith.constant 0 : i32
      %dma_start3A_86 = tpu.memref_slice %arg4[%add3A_84, %dma_start3A_85] : memref<80x128xi32, #tpu.memory_space<vmem>> -> memref<1x128xi32, #tpu.memory_space<vmem>>
      %dma_start3A_87 = tpu.memref_squeeze %dma_start3A_86 : memref<1x128xi32, #tpu.memory_space<vmem>> -> memref<128xi32, #tpu.memory_space<vmem>>
      %dma_start3A_88 = arith.constant 0 : i32
      %dma_start3A_89 = arith.constant 0 : i32
      %dma_start3A_90 = tpu.memref_slice %arg7[%dma_start3A_88, %dma_start3A_89] : memref<10112x16xf32, #tpu.memory_space<vmem_shared>> -> memref<10112x16xf32, #tpu.memory_space<vmem_shared>>
      tpu.enqueue_indirect_dma source(%arg5 : memref<128x16xf32, #tpu.memory_space<vmem>>) target(%dma_start3A_90 : memref<10112x16xf32, #tpu.memory_space<vmem_shared>>) offsets(%dma_start3A_87 : memref<128xi32, #tpu.memory_space<vmem>>) semaphore(%arg8 : memref<!tpu.dma_semaphore, #tpu.memory_space<semaphore_mem>>) {add = true}
      %dma_wait3A = arith.constant 0 : i32
      %dma_wait3A_91 = tpu.memref_slice %arg4[%add3A_55, %dma_wait3A] : memref<80x128xi32, #tpu.memory_space<vmem>> -> memref<1x128xi32, #tpu.memory_space<vmem>>
      %dma_wait3A_92 = tpu.memref_squeeze %dma_wait3A_91 : memref<1x128xi32, #tpu.memory_space<vmem>> -> memref<128xi32, #tpu.memory_space<vmem>>
      %dma_wait3A_93 = arith.constant 0 : i32
      %dma_wait3A_94 = arith.constant 0 : i32
      %dma_wait3A_95 = tpu.memref_slice %arg7[%dma_wait3A_93, %dma_wait3A_94] : memref<10112x16xf32, #tpu.memory_space<vmem_shared>> -> memref<10112x16xf32, #tpu.memory_space<vmem_shared>>
      tpu.wait_indirect_dma semaphore(%arg8 : memref<!tpu.dma_semaphore, #tpu.memory_space<semaphore_mem>>) src(%arg5 : memref<128x16xf32, #tpu.memory_space<vmem>>) dst(%dma_wait3A_95 : memref<10112x16xf32, #tpu.memory_space<vmem_shared>>)
      %dma_wait3A_96 = arith.constant 0 : i32
      %dma_wait3A_97 = tpu.memref_slice %arg4[%add3A_64, %dma_wait3A_96] : memref<80x128xi32, #tpu.memory_space<vmem>> -> memref<1x128xi32, #tpu.memory_space<vmem>>
      %dma_wait3A_98 = tpu.memref_squeeze %dma_wait3A_97 : memref<1x128xi32, #tpu.memory_space<vmem>> -> memref<128xi32, #tpu.memory_space<vmem>>
      %dma_wait3A_99 = arith.constant 0 : i32
      %dma_wait3A_100 = arith.constant 0 : i32
      %dma_wait3A_101 = tpu.memref_slice %arg7[%dma_wait3A_99, %dma_wait3A_100] : memref<10112x16xf32, #tpu.memory_space<vmem_shared>> -> memref<10112x16xf32, #tpu.memory_space<vmem_shared>>
      tpu.wait_indirect_dma semaphore(%arg8 : memref<!tpu.dma_semaphore, #tpu.memory_space<semaphore_mem>>) src(%arg5 : memref<128x16xf32, #tpu.memory_space<vmem>>) dst(%dma_wait3A_101 : memref<10112x16xf32, #tpu.memory_space<vmem_shared>>)
      %dma_wait3A_102 = arith.constant 0 : i32
      %dma_wait3A_103 = tpu.memref_slice %arg4[%add3A_74, %dma_wait3A_102] : memref<80x128xi32, #tpu.memory_space<vmem>> -> memref<1x128xi32, #tpu.memory_space<vmem>>
      %dma_wait3A_104 = tpu.memref_squeeze %dma_wait3A_103 : memref<1x128xi32, #tpu.memory_space<vmem>> -> memref<128xi32, #tpu.memory_space<vmem>>
      %dma_wait3A_105 = arith.constant 0 : i32
      %dma_wait3A_106 = arith.constant 0 : i32
      %dma_wait3A_107 = tpu.memref_slice %arg7[%dma_wait3A_105, %dma_wait3A_106] : memref<10112x16xf32, #tpu.memory_space<vmem_shared>> -> memref<10112x16xf32, #tpu.memory_space<vmem_shared>>
      tpu.wait_indirect_dma semaphore(%arg8 : memref<!tpu.dma_semaphore, #tpu.memory_space<semaphore_mem>>) src(%arg5 : memref<128x16xf32, #tpu.memory_space<vmem>>) dst(%dma_wait3A_107 : memref<10112x16xf32, #tpu.memory_space<vmem_shared>>)
      %dma_wait3A_108 = arith.constant 0 : i32
      %dma_wait3A_109 = tpu.memref_slice %arg4[%add3A_84, %dma_wait3A_108] : memref<80x128xi32, #tpu.memory_space<vmem>> -> memref<1x128xi32, #tpu.memory_space<vmem>>
      %dma_wait3A_110 = tpu.memref_squeeze %dma_wait3A_109 : memref<1x128xi32, #tpu.memory_space<vmem>> -> memref<128xi32, #tpu.memory_space<vmem>>
      %dma_wait3A_111 = arith.constant 0 : i32
      %dma_wait3A_112 = arith.constant 0 : i32
      %dma_wait3A_113 = tpu.memref_slice %arg7[%dma_wait3A_111, %dma_wait3A_112] : memref<10112x16xf32, #tpu.memory_space<vmem_shared>> -> memref<10112x16xf32, #tpu.memory_space<vmem_shared>>
      tpu.wait_indirect_dma semaphore(%arg8 : memref<!tpu.dma_semaphore, #tpu.memory_space<semaphore_mem>>) src(%arg5 : memref<128x16xf32, #tpu.memory_space<vmem>>) dst(%dma_wait3A_113 : memref<10112x16xf32, #tpu.memory_space<vmem_shared>>)
      %scan3A_114 = arith.constant 0 : i32
      scf.yield %scan3A_114 : i32
    }
    %scan3A_41 = arith.constant 20 : i32
    %barrier3A_42 = arith.constant 0 : index
    tpu.barrier barrier_id(%barrier3A_42)
    %mul3A_43 = arith.constant 632 : i32
    %mul3A_44 = arith.muli %arg1, %mul3A_43 : i32
    %mul3A_45 = arith.constant 10112 : i32
    %mul3A_46 = arith.muli %arg0, %mul3A_45 : i32
    %mul3A_47 = arith.constant 632 : i32
    %mul3A_48 = arith.muli %arg1, %mul3A_47 : i32
    %add3A_49 = arith.addi %mul3A_46, %mul3A_48 : i32
    "tpu.region"() ({
      %run_scoped3A = tpu.sem_alloc : memref<!tpu.dma_semaphore, #tpu.memory_space<semaphore_mem>>
      %dma_start3A = arith.constant 0 : i32
      %dma_start3A_50 = tpu.memref_slice %arg3[%add3A_49, %dma_start3A] : memref<20224x16xf32, #tpu.memory_space<hbm>> -> memref<632x16xf32, #tpu.memory_space<hbm>>
      %dma_start3A_51 = arith.constant 0 : i32
      %dma_start3A_52 = tpu.memref_slice %arg7[%mul3A_44, %dma_start3A_51] : memref<10112x16xf32, #tpu.memory_space<vmem_shared>> -> memref<632x16xf32, #tpu.memory_space<vmem_shared>>
      tpu.enqueue_dma source(%dma_start3A_52 : memref<632x16xf32, #tpu.memory_space<vmem_shared>>) target(%dma_start3A_50 : memref<632x16xf32, #tpu.memory_space<hbm>>) target_semaphore(%run_scoped3A : memref<!tpu.dma_semaphore, #tpu.memory_space<semaphore_mem>>)
      %dma_wait3A = arith.constant 0 : i32
      %dma_wait3A_53 = tpu.memref_slice %arg3[%add3A_49, %dma_wait3A] : memref<20224x16xf32, #tpu.memory_space<hbm>> -> memref<632x16xf32, #tpu.memory_space<hbm>>
      %dma_wait3A_54 = arith.constant 0 : i32
      %dma_wait3A_55 = tpu.memref_slice %arg7[%mul3A_44, %dma_wait3A_54] : memref<10112x16xf32, #tpu.memory_space<vmem_shared>> -> memref<632x16xf32, #tpu.memory_space<vmem_shared>>
      tpu.wait_dma2 semaphore(%run_scoped3A : memref<!tpu.dma_semaphore, #tpu.memory_space<semaphore_mem>>) src(%dma_wait3A_55 : memref<632x16xf32, #tpu.memory_space<vmem_shared>>) dst(%dma_wait3A_53 : memref<632x16xf32, #tpu.memory_space<hbm>>)
      tpu.yield
    }) : () -> ()
    return
  }
}

#map = affine_map<(d0, d1) -> (0, 0)>
module attributes {stable_mosaic.version = 14 : i64} {
  func.func @_prop2(%arg0: i32, %arg1: i32, %arg2: memref<10112x64xbf16, #tpu.memory_space<hbm>>, %arg3: memref<2560x128xi32, #tpu.memory_space<hbm>>, %arg4: memref<2560x128xi32, #tpu.memory_space<hbm>>, %arg5: memref<20224x64xbf16, #tpu.memory_space<hbm>>, %arg6: memref<80x128xi32, #tpu.memory_space<vmem>>, %arg7: memref<80x128xi32, #tpu.memory_space<vmem>>, %arg8: memref<128x64xbf16, #tpu.memory_space<vmem>>, %arg9: memref<128x64xbf16, #tpu.memory_space<vmem>>, %arg10: memref<128x64xbf16, #tpu.memory_space<vmem>>, %arg11: memref<128x64xbf16, #tpu.memory_space<vmem>>, %arg12: memref<128x64xbf16, #tpu.memory_space<vmem>>, %arg13: memref<128x64xbf16, #tpu.memory_space<vmem>>, %arg14: memref<128x64xbf16, #tpu.memory_space<vmem>>, %arg15: memref<128x64xbf16, #tpu.memory_space<vmem>>, %arg16: memref<158x64xbf16, #tpu.memory_space<vmem>>, %arg17: memref<10112x64xbf16, #tpu.memory_space<vmem_shared>>, %arg18: memref<!tpu.dma_semaphore, #tpu.memory_space<semaphore_mem>>, %arg19: memref<!tpu.dma_semaphore, #tpu.memory_space<semaphore_mem>>, %arg20: memref<!tpu.dma_semaphore, #tpu.memory_space<semaphore_mem>>, %arg21: memref<!tpu.dma_semaphore, #tpu.memory_space<semaphore_mem>>, %arg22: memref<!tpu.dma_semaphore, #tpu.memory_space<semaphore_mem>>, %arg23: memref<!tpu.dma_semaphore, #tpu.memory_space<semaphore_mem>>, %arg24: memref<!tpu.dma_semaphore, #tpu.memory_space<semaphore_mem>>, %arg25: memref<!tpu.dma_semaphore, #tpu.memory_space<semaphore_mem>>, %arg26: memref<!tpu.dma_semaphore, #tpu.memory_space<semaphore_mem>>, %arg27: memref<!tpu.dma_semaphore, #tpu.memory_space<semaphore_mem>>, %arg28: memref<!tpu.dma_semaphore, #tpu.memory_space<semaphore_mem>>, %arg29: memref<!tpu.dma_semaphore, #tpu.memory_space<semaphore_mem>>, %arg30: memref<!tpu.dma_semaphore, #tpu.memory_space<semaphore_mem>>, %arg31: memref<!tpu.dma_semaphore, #tpu.memory_space<semaphore_mem>>, %arg32: memref<!tpu.dma_semaphore, #tpu.memory_space<semaphore_mem>>, %arg33: memref<!tpu.dma_semaphore, #tpu.memory_space<semaphore_mem>>) attributes {dimension_semantics = [#tpu.dimension_semantics<core_parallel>, #tpu.dimension_semantics<subcore_parallel>], iteration_bounds = array<i64: 2, 16>, scalar_prefetch = 0 : i64, scratch_operands = 28 : i64, tpu.core_type = #tpu.core_type<sc_vector_subcore>, window_params = [{transform_indices = #map}, {transform_indices = #map}, {transform_indices = #map}, {transform_indices = #map}]} {
    %mul3A = arith.constant 16 : i32
    %mul3A_0 = arith.muli %arg0, %mul3A : i32
    %add3A = arith.addi %mul3A_0, %arg1 : i32
    %broadcast_in_dim3A = arith.constant 0.000000e+00 : bf16
    %broadcast_in_dim3A_1 = vector.broadcast %broadcast_in_dim3A : bf16 to vector<32xbf16>
    %scan3A = arith.constant 0 : i32
    %scan3A_2 = arith.constant 0 : i32
    %scan3A_3 = arith.constant 158 : i32
    %scan3A_4 = arith.addi %scan3A_2, %scan3A_3 : i32
    %scan3A_5 = arith.constant 1 : i32
    %scan3A_6 = scf.for %scan3A_43 = %scan3A_2 to %scan3A_4 step %scan3A_5 iter_args(%scan3A_44 = %scan3A) -> (i32)  : i32 {
      %swap3A = arith.index_cast %scan3A_43 : i32 to index
      %swap3A_45 = arith.constant 0 : index
      %swap3A_46 = tpu.vector_load %arg16[%swap3A, %swap3A_45] {strides = array<i32>} : memref<158x64xbf16, #tpu.memory_space<vmem>>, vector<32xbf16>,
      tpu.vector_store %arg16[%swap3A, %swap3A_45], %broadcast_in_dim3A_1 {strides = array<i32>} : memref<158x64xbf16, #tpu.memory_space<vmem>>, vector<32xbf16>,
      %swap3A_47 = arith.index_cast %scan3A_43 : i32 to index
      %swap3A_48 = arith.constant 32 : index
      %swap3A_49 = tpu.vector_load %arg16[%swap3A_47, %swap3A_48] {strides = array<i32>} : memref<158x64xbf16, #tpu.memory_space<vmem>>, vector<32xbf16>,
      tpu.vector_store %arg16[%swap3A_47, %swap3A_48], %broadcast_in_dim3A_1 {strides = array<i32>} : memref<158x64xbf16, #tpu.memory_space<vmem>>, vector<32xbf16>,
      %scan3A_50 = arith.constant 0 : i32
      scf.yield %scan3A_50 : i32
    }
    %scan3A_7 = arith.constant 158 : i32
    %mul3A_8 = arith.constant 632 : i32
    %mul3A_9 = arith.muli %arg1, %mul3A_8 : i32
    %add3A_10 = arith.constant 0 : i32
    %add3A_11 = arith.addi %mul3A_9, %add3A_10 : i32
    "tpu.region"() ({
      %run_scoped3A = tpu.sem_alloc : memref<!tpu.dma_semaphore, #tpu.memory_space<semaphore_mem>>
      %dma_start3A = arith.constant 0 : i32
      %dma_start3A_43 = tpu.memref_slice %arg17[%add3A_11, %dma_start3A] : memref<10112x64xbf16, #tpu.memory_space<vmem_shared>> -> memref<158x64xbf16, #tpu.memory_space<vmem_shared>>
      %dma_start3A_44 = arith.constant 0 : i32
      %dma_start3A_45 = tpu.memref_slice %arg17[%add3A_11, %dma_start3A_44] : memref<10112x64xbf16, #tpu.memory_space<vmem_shared>> -> memref<158x64xbf16, #tpu.memory_space<vmem_shared>>
      tpu.enqueue_dma source(%arg16 : memref<158x64xbf16, #tpu.memory_space<vmem>>) target(%dma_start3A_45 : memref<158x64xbf16, #tpu.memory_space<vmem_shared>>) target_semaphore(%run_scoped3A : memref<!tpu.dma_semaphore, #tpu.memory_space<semaphore_mem>>)
      %dma_wait3A = arith.constant 0 : i32
      %dma_wait3A_46 = tpu.memref_slice %arg17[%add3A_11, %dma_wait3A] : memref<10112x64xbf16, #tpu.memory_space<vmem_shared>> -> memref<158x64xbf16, #tpu.memory_space<vmem_shared>>
      %dma_wait3A_47 = arith.constant 0 : i32
      %dma_wait3A_48 = tpu.memref_slice %arg17[%add3A_11, %dma_wait3A_47] : memref<10112x64xbf16, #tpu.memory_space<vmem_shared>> -> memref<158x64xbf16, #tpu.memory_space<vmem_shared>>
      tpu.wait_dma2 semaphore(%run_scoped3A : memref<!tpu.dma_semaphore, #tpu.memory_space<semaphore_mem>>) src(%arg16 : memref<158x64xbf16, #tpu.memory_space<vmem>>) dst(%dma_wait3A_48 : memref<158x64xbf16, #tpu.memory_space<vmem_shared>>)
      tpu.yield
    }) : () -> ()
    %mul3A_12 = arith.constant 632 : i32
    %mul3A_13 = arith.muli %arg1, %mul3A_12 : i32
    %add3A_14 = arith.constant 158 : i32
    %add3A_15 = arith.addi %mul3A_13, %add3A_14 : i32
    "tpu.region"() ({
      %run_scoped3A = tpu.sem_alloc : memref<!tpu.dma_semaphore, #tpu.memory_space<semaphore_mem>>
      %dma_start3A = arith.constant 0 : i32
      %dma_start3A_43 = tpu.memref_slice %arg17[%add3A_15, %dma_start3A] : memref<10112x64xbf16, #tpu.memory_space<vmem_shared>> -> memref<158x64xbf16, #tpu.memory_space<vmem_shared>>
      %dma_start3A_44 = arith.constant 0 : i32
      %dma_start3A_45 = tpu.memref_slice %arg17[%add3A_15, %dma_start3A_44] : memref<10112x64xbf16, #tpu.memory_space<vmem_shared>> -> memref<158x64xbf16, #tpu.memory_space<vmem_shared>>
      tpu.enqueue_dma source(%arg16 : memref<158x64xbf16, #tpu.memory_space<vmem>>) target(%dma_start3A_45 : memref<158x64xbf16, #tpu.memory_space<vmem_shared>>) target_semaphore(%run_scoped3A : memref<!tpu.dma_semaphore, #tpu.memory_space<semaphore_mem>>)
      %dma_wait3A = arith.constant 0 : i32
      %dma_wait3A_46 = tpu.memref_slice %arg17[%add3A_15, %dma_wait3A] : memref<10112x64xbf16, #tpu.memory_space<vmem_shared>> -> memref<158x64xbf16, #tpu.memory_space<vmem_shared>>
      %dma_wait3A_47 = arith.constant 0 : i32
      %dma_wait3A_48 = tpu.memref_slice %arg17[%add3A_15, %dma_wait3A_47] : memref<10112x64xbf16, #tpu.memory_space<vmem_shared>> -> memref<158x64xbf16, #tpu.memory_space<vmem_shared>>
      tpu.wait_dma2 semaphore(%run_scoped3A : memref<!tpu.dma_semaphore, #tpu.memory_space<semaphore_mem>>) src(%arg16 : memref<158x64xbf16, #tpu.memory_space<vmem>>) dst(%dma_wait3A_48 : memref<158x64xbf16, #tpu.memory_space<vmem_shared>>)
      tpu.yield
    }) : () -> ()
    %mul3A_16 = arith.constant 632 : i32
    %mul3A_17 = arith.muli %arg1, %mul3A_16 : i32
    %add3A_18 = arith.constant 316 : i32
    %add3A_19 = arith.addi %mul3A_17, %add3A_18 : i32
    "tpu.region"() ({
      %run_scoped3A = tpu.sem_alloc : memref<!tpu.dma_semaphore, #tpu.memory_space<semaphore_mem>>
      %dma_start3A = arith.constant 0 : i32
      %dma_start3A_43 = tpu.memref_slice %arg17[%add3A_19, %dma_start3A] : memref<10112x64xbf16, #tpu.memory_space<vmem_shared>> -> memref<158x64xbf16, #tpu.memory_space<vmem_shared>>
      %dma_start3A_44 = arith.constant 0 : i32
      %dma_start3A_45 = tpu.memref_slice %arg17[%add3A_19, %dma_start3A_44] : memref<10112x64xbf16, #tpu.memory_space<vmem_shared>> -> memref<158x64xbf16, #tpu.memory_space<vmem_shared>>
      tpu.enqueue_dma source(%arg16 : memref<158x64xbf16, #tpu.memory_space<vmem>>) target(%dma_start3A_45 : memref<158x64xbf16, #tpu.memory_space<vmem_shared>>) target_semaphore(%run_scoped3A : memref<!tpu.dma_semaphore, #tpu.memory_space<semaphore_mem>>)
      %dma_wait3A = arith.constant 0 : i32
      %dma_wait3A_46 = tpu.memref_slice %arg17[%add3A_19, %dma_wait3A] : memref<10112x64xbf16, #tpu.memory_space<vmem_shared>> -> memref<158x64xbf16, #tpu.memory_space<vmem_shared>>
      %dma_wait3A_47 = arith.constant 0 : i32
      %dma_wait3A_48 = tpu.memref_slice %arg17[%add3A_19, %dma_wait3A_47] : memref<10112x64xbf16, #tpu.memory_space<vmem_shared>> -> memref<158x64xbf16, #tpu.memory_space<vmem_shared>>
      tpu.wait_dma2 semaphore(%run_scoped3A : memref<!tpu.dma_semaphore, #tpu.memory_space<semaphore_mem>>) src(%arg16 : memref<158x64xbf16, #tpu.memory_space<vmem>>) dst(%dma_wait3A_48 : memref<158x64xbf16, #tpu.memory_space<vmem_shared>>)
      tpu.yield
    }) : () -> ()
    %mul3A_20 = arith.constant 632 : i32
    %mul3A_21 = arith.muli %arg1, %mul3A_20 : i32
    %add3A_22 = arith.constant 474 : i32
    %add3A_23 = arith.addi %mul3A_21, %add3A_22 : i32
    "tpu.region"() ({
      %run_scoped3A = tpu.sem_alloc : memref<!tpu.dma_semaphore, #tpu.memory_space<semaphore_mem>>
      %dma_start3A = arith.constant 0 : i32
      %dma_start3A_43 = tpu.memref_slice %arg17[%add3A_23, %dma_start3A] : memref<10112x64xbf16, #tpu.memory_space<vmem_shared>> -> memref<158x64xbf16, #tpu.memory_space<vmem_shared>>
      %dma_start3A_44 = arith.constant 0 : i32
      %dma_start3A_45 = tpu.memref_slice %arg17[%add3A_23, %dma_start3A_44] : memref<10112x64xbf16, #tpu.memory_space<vmem_shared>> -> memref<158x64xbf16, #tpu.memory_space<vmem_shared>>
      tpu.enqueue_dma source(%arg16 : memref<158x64xbf16, #tpu.memory_space<vmem>>) target(%dma_start3A_45 : memref<158x64xbf16, #tpu.memory_space<vmem_shared>>) target_semaphore(%run_scoped3A : memref<!tpu.dma_semaphore, #tpu.memory_space<semaphore_mem>>)
      %dma_wait3A = arith.constant 0 : i32
      %dma_wait3A_46 = tpu.memref_slice %arg17[%add3A_23, %dma_wait3A] : memref<10112x64xbf16, #tpu.memory_space<vmem_shared>> -> memref<158x64xbf16, #tpu.memory_space<vmem_shared>>
      %dma_wait3A_47 = arith.constant 0 : i32
      %dma_wait3A_48 = tpu.memref_slice %arg17[%add3A_23, %dma_wait3A_47] : memref<10112x64xbf16, #tpu.memory_space<vmem_shared>> -> memref<158x64xbf16, #tpu.memory_space<vmem_shared>>
      tpu.wait_dma2 semaphore(%run_scoped3A : memref<!tpu.dma_semaphore, #tpu.memory_space<semaphore_mem>>) src(%arg16 : memref<158x64xbf16, #tpu.memory_space<vmem>>) dst(%dma_wait3A_48 : memref<158x64xbf16, #tpu.memory_space<vmem_shared>>)
      tpu.yield
    }) : () -> ()
    %barrier3A = arith.constant 0 : index
    tpu.barrier barrier_id(%barrier3A)
    %mul3A_24 = arith.constant 80 : i32
    %mul3A_25 = arith.muli %add3A, %mul3A_24 : i32
    "tpu.region"() ({
      %run_scoped3A = tpu.sem_alloc : memref<!tpu.dma_semaphore, #tpu.memory_space<semaphore_mem>>
      %dma_start3A = arith.constant 0 : i32
      %dma_start3A_43 = tpu.memref_slice %arg3[%mul3A_25, %dma_start3A] : memref<2560x128xi32, #tpu.memory_space<hbm>> -> memref<80x128xi32, #tpu.memory_space<hbm>>
      %dma_start3A_44 = arith.constant 0 : i32
      %dma_start3A_45 = tpu.memref_slice %arg3[%mul3A_25, %dma_start3A_44] : memref<2560x128xi32, #tpu.memory_space<hbm>> -> memref<80x128xi32, #tpu.memory_space<hbm>>
      tpu.enqueue_dma source(%dma_start3A_45 : memref<80x128xi32, #tpu.memory_space<hbm>>) target(%arg6 : memref<80x128xi32, #tpu.memory_space<vmem>>) target_semaphore(%run_scoped3A : memref<!tpu.dma_semaphore, #tpu.memory_space<semaphore_mem>>)
      %dma_wait3A = arith.constant 0 : i32
      %dma_wait3A_46 = tpu.memref_slice %arg3[%mul3A_25, %dma_wait3A] : memref<2560x128xi32, #tpu.memory_space<hbm>> -> memref<80x128xi32, #tpu.memory_space<hbm>>
      %dma_wait3A_47 = arith.constant 0 : i32
      %dma_wait3A_48 = tpu.memref_slice %arg3[%mul3A_25, %dma_wait3A_47] : memref<2560x128xi32, #tpu.memory_space<hbm>> -> memref<80x128xi32, #tpu.memory_space<hbm>>
      tpu.wait_dma2 semaphore(%run_scoped3A : memref<!tpu.dma_semaphore, #tpu.memory_space<semaphore_mem>>) src(%dma_wait3A_48 : memref<80x128xi32, #tpu.memory_space<hbm>>) dst(%arg6 : memref<80x128xi32, #tpu.memory_space<vmem>>)
      tpu.yield
    }) : () -> ()
    %mul3A_26 = arith.constant 80 : i32
    %mul3A_27 = arith.muli %add3A, %mul3A_26 : i32
    "tpu.region"() ({
      %run_scoped3A = tpu.sem_alloc : memref<!tpu.dma_semaphore, #tpu.memory_space<semaphore_mem>>
      %dma_start3A = arith.constant 0 : i32
      %dma_start3A_43 = tpu.memref_slice %arg4[%mul3A_27, %dma_start3A] : memref<2560x128xi32, #tpu.memory_space<hbm>> -> memref<80x128xi32, #tpu.memory_space<hbm>>
      %dma_start3A_44 = arith.constant 0 : i32
      %dma_start3A_45 = tpu.memref_slice %arg4[%mul3A_27, %dma_start3A_44] : memref<2560x128xi32, #tpu.memory_space<hbm>> -> memref<80x128xi32, #tpu.memory_space<hbm>>
      tpu.enqueue_dma source(%dma_start3A_45 : memref<80x128xi32, #tpu.memory_space<hbm>>) target(%arg7 : memref<80x128xi32, #tpu.memory_space<vmem>>) target_semaphore(%run_scoped3A : memref<!tpu.dma_semaphore, #tpu.memory_space<semaphore_mem>>)
      %dma_wait3A = arith.constant 0 : i32
      %dma_wait3A_46 = tpu.memref_slice %arg4[%mul3A_27, %dma_wait3A] : memref<2560x128xi32, #tpu.memory_space<hbm>> -> memref<80x128xi32, #tpu.memory_space<hbm>>
      %dma_wait3A_47 = arith.constant 0 : i32
      %dma_wait3A_48 = tpu.memref_slice %arg4[%mul3A_27, %dma_wait3A_47] : memref<2560x128xi32, #tpu.memory_space<hbm>> -> memref<80x128xi32, #tpu.memory_space<hbm>>
      tpu.wait_dma2 semaphore(%run_scoped3A : memref<!tpu.dma_semaphore, #tpu.memory_space<semaphore_mem>>) src(%dma_wait3A_48 : memref<80x128xi32, #tpu.memory_space<hbm>>) dst(%arg7 : memref<80x128xi32, #tpu.memory_space<vmem>>)
      tpu.yield
    }) : () -> ()
    %scan3A_28 = arith.constant 0 : i32
    %scan3A_29 = arith.constant 0 : i32
    %scan3A_30 = arith.constant 10 : i32
    %scan3A_31 = arith.addi %scan3A_29, %scan3A_30 : i32
    %scan3A_32 = arith.constant 1 : i32
    %scan3A_33 = scf.for %scan3A_43 = %scan3A_29 to %scan3A_31 step %scan3A_32 iter_args(%scan3A_44 = %scan3A_28) -> (i32)  : i32 {
      %mul3A_45 = arith.constant 8 : i32
      %mul3A_46 = arith.muli %mul3A_45, %scan3A_43 : i32
      %add3A_47 = arith.constant 0 : i32
      %add3A_48 = arith.addi %mul3A_46, %add3A_47 : i32
      %dma_start3A = arith.constant 0 : i32
      %dma_start3A_49 = tpu.memref_slice %arg6[%add3A_48, %dma_start3A] : memref<80x128xi32, #tpu.memory_space<vmem>> -> memref<1x128xi32, #tpu.memory_space<vmem>>
      %dma_start3A_50 = tpu.memref_squeeze %dma_start3A_49 : memref<1x128xi32, #tpu.memory_space<vmem>> -> memref<128xi32, #tpu.memory_space<vmem>>
      %dma_start3A_51 = arith.constant 0 : i32
      %dma_start3A_52 = arith.constant 0 : i32
      %dma_start3A_53 = tpu.memref_slice %arg2[%dma_start3A_51, %dma_start3A_52] : memref<10112x64xbf16, #tpu.memory_space<hbm>> -> memref<10112x64xbf16, #tpu.memory_space<hbm>>
      tpu.enqueue_indirect_dma source(%dma_start3A_53 : memref<10112x64xbf16, #tpu.memory_space<hbm>>) target(%arg8 : memref<128x64xbf16, #tpu.memory_space<vmem>>) offsets(%dma_start3A_50 : memref<128xi32, #tpu.memory_space<vmem>>) semaphore(%arg18 : memref<!tpu.dma_semaphore, #tpu.memory_space<semaphore_mem>>)
      %mul3A_54 = arith.constant 8 : i32
      %mul3A_55 = arith.muli %mul3A_54, %scan3A_43 : i32
      %add3A_56 = arith.constant 1 : i32
      %add3A_57 = arith.addi %mul3A_55, %add3A_56 : i32
      %dma_start3A_58 = arith.constant 0 : i32
      %dma_start3A_59 = tpu.memref_slice %arg6[%add3A_57, %dma_start3A_58] : memref<80x128xi32, #tpu.memory_space<vmem>> -> memref<1x128xi32, #tpu.memory_space<vmem>>
      %dma_start3A_60 = tpu.memref_squeeze %dma_start3A_59 : memref<1x128xi32, #tpu.memory_space<vmem>> -> memref<128xi32, #tpu.memory_space<vmem>>
      %dma_start3A_61 = arith.constant 0 : i32
      %dma_start3A_62 = arith.constant 0 : i32
      %dma_start3A_63 = tpu.memref_slice %arg2[%dma_start3A_61, %dma_start3A_62] : memref<10112x64xbf16, #tpu.memory_space<hbm>> -> memref<10112x64xbf16, #tpu.memory_space<hbm>>
      tpu.enqueue_indirect_dma source(%dma_start3A_63 : memref<10112x64xbf16, #tpu.memory_space<hbm>>) target(%arg9 : memref<128x64xbf16, #tpu.memory_space<vmem>>) offsets(%dma_start3A_60 : memref<128xi32, #tpu.memory_space<vmem>>) semaphore(%arg19 : memref<!tpu.dma_semaphore, #tpu.memory_space<semaphore_mem>>)
      %mul3A_64 = arith.constant 8 : i32
      %mul3A_65 = arith.muli %mul3A_64, %scan3A_43 : i32
      %add3A_66 = arith.constant 2 : i32
      %add3A_67 = arith.addi %mul3A_65, %add3A_66 : i32
      %dma_start3A_68 = arith.constant 0 : i32
      %dma_start3A_69 = tpu.memref_slice %arg6[%add3A_67, %dma_start3A_68] : memref<80x128xi32, #tpu.memory_space<vmem>> -> memref<1x128xi32, #tpu.memory_space<vmem>>
      %dma_start3A_70 = tpu.memref_squeeze %dma_start3A_69 : memref<1x128xi32, #tpu.memory_space<vmem>> -> memref<128xi32, #tpu.memory_space<vmem>>
      %dma_start3A_71 = arith.constant 0 : i32
      %dma_start3A_72 = arith.constant 0 : i32
      %dma_start3A_73 = tpu.memref_slice %arg2[%dma_start3A_71, %dma_start3A_72] : memref<10112x64xbf16, #tpu.memory_space<hbm>> -> memref<10112x64xbf16, #tpu.memory_space<hbm>>
      tpu.enqueue_indirect_dma source(%dma_start3A_73 : memref<10112x64xbf16, #tpu.memory_space<hbm>>) target(%arg10 : memref<128x64xbf16, #tpu.memory_space<vmem>>) offsets(%dma_start3A_70 : memref<128xi32, #tpu.memory_space<vmem>>) semaphore(%arg20 : memref<!tpu.dma_semaphore, #tpu.memory_space<semaphore_mem>>)
      %mul3A_74 = arith.constant 8 : i32
      %mul3A_75 = arith.muli %mul3A_74, %scan3A_43 : i32
      %add3A_76 = arith.constant 3 : i32
      %add3A_77 = arith.addi %mul3A_75, %add3A_76 : i32
      %dma_start3A_78 = arith.constant 0 : i32
      %dma_start3A_79 = tpu.memref_slice %arg6[%add3A_77, %dma_start3A_78] : memref<80x128xi32, #tpu.memory_space<vmem>> -> memref<1x128xi32, #tpu.memory_space<vmem>>
      %dma_start3A_80 = tpu.memref_squeeze %dma_start3A_79 : memref<1x128xi32, #tpu.memory_space<vmem>> -> memref<128xi32, #tpu.memory_space<vmem>>
      %dma_start3A_81 = arith.constant 0 : i32
      %dma_start3A_82 = arith.constant 0 : i32
      %dma_start3A_83 = tpu.memref_slice %arg2[%dma_start3A_81, %dma_start3A_82] : memref<10112x64xbf16, #tpu.memory_space<hbm>> -> memref<10112x64xbf16, #tpu.memory_space<hbm>>
      tpu.enqueue_indirect_dma source(%dma_start3A_83 : memref<10112x64xbf16, #tpu.memory_space<hbm>>) target(%arg11 : memref<128x64xbf16, #tpu.memory_space<vmem>>) offsets(%dma_start3A_80 : memref<128xi32, #tpu.memory_space<vmem>>) semaphore(%arg21 : memref<!tpu.dma_semaphore, #tpu.memory_space<semaphore_mem>>)
      %mul3A_84 = arith.constant 8 : i32
      %mul3A_85 = arith.muli %mul3A_84, %scan3A_43 : i32
      %add3A_86 = arith.constant 4 : i32
      %add3A_87 = arith.addi %mul3A_85, %add3A_86 : i32
      %dma_start3A_88 = arith.constant 0 : i32
      %dma_start3A_89 = tpu.memref_slice %arg6[%add3A_87, %dma_start3A_88] : memref<80x128xi32, #tpu.memory_space<vmem>> -> memref<1x128xi32, #tpu.memory_space<vmem>>
      %dma_start3A_90 = tpu.memref_squeeze %dma_start3A_89 : memref<1x128xi32, #tpu.memory_space<vmem>> -> memref<128xi32, #tpu.memory_space<vmem>>
      %dma_start3A_91 = arith.constant 0 : i32
      %dma_start3A_92 = arith.constant 0 : i32
      %dma_start3A_93 = tpu.memref_slice %arg2[%dma_start3A_91, %dma_start3A_92] : memref<10112x64xbf16, #tpu.memory_space<hbm>> -> memref<10112x64xbf16, #tpu.memory_space<hbm>>
      tpu.enqueue_indirect_dma source(%dma_start3A_93 : memref<10112x64xbf16, #tpu.memory_space<hbm>>) target(%arg12 : memref<128x64xbf16, #tpu.memory_space<vmem>>) offsets(%dma_start3A_90 : memref<128xi32, #tpu.memory_space<vmem>>) semaphore(%arg22 : memref<!tpu.dma_semaphore, #tpu.memory_space<semaphore_mem>>)
      %mul3A_94 = arith.constant 8 : i32
      %mul3A_95 = arith.muli %mul3A_94, %scan3A_43 : i32
      %add3A_96 = arith.constant 5 : i32
      %add3A_97 = arith.addi %mul3A_95, %add3A_96 : i32
      %dma_start3A_98 = arith.constant 0 : i32
      %dma_start3A_99 = tpu.memref_slice %arg6[%add3A_97, %dma_start3A_98] : memref<80x128xi32, #tpu.memory_space<vmem>> -> memref<1x128xi32, #tpu.memory_space<vmem>>
      %dma_start3A_100 = tpu.memref_squeeze %dma_start3A_99 : memref<1x128xi32, #tpu.memory_space<vmem>> -> memref<128xi32, #tpu.memory_space<vmem>>
      %dma_start3A_101 = arith.constant 0 : i32
      %dma_start3A_102 = arith.constant 0 : i32
      %dma_start3A_103 = tpu.memref_slice %arg2[%dma_start3A_101, %dma_start3A_102] : memref<10112x64xbf16, #tpu.memory_space<hbm>> -> memref<10112x64xbf16, #tpu.memory_space<hbm>>
      tpu.enqueue_indirect_dma source(%dma_start3A_103 : memref<10112x64xbf16, #tpu.memory_space<hbm>>) target(%arg13 : memref<128x64xbf16, #tpu.memory_space<vmem>>) offsets(%dma_start3A_100 : memref<128xi32, #tpu.memory_space<vmem>>) semaphore(%arg23 : memref<!tpu.dma_semaphore, #tpu.memory_space<semaphore_mem>>)
      %mul3A_104 = arith.constant 8 : i32
      %mul3A_105 = arith.muli %mul3A_104, %scan3A_43 : i32
      %add3A_106 = arith.constant 6 : i32
      %add3A_107 = arith.addi %mul3A_105, %add3A_106 : i32
      %dma_start3A_108 = arith.constant 0 : i32
      %dma_start3A_109 = tpu.memref_slice %arg6[%add3A_107, %dma_start3A_108] : memref<80x128xi32, #tpu.memory_space<vmem>> -> memref<1x128xi32, #tpu.memory_space<vmem>>
      %dma_start3A_110 = tpu.memref_squeeze %dma_start3A_109 : memref<1x128xi32, #tpu.memory_space<vmem>> -> memref<128xi32, #tpu.memory_space<vmem>>
      %dma_start3A_111 = arith.constant 0 : i32
      %dma_start3A_112 = arith.constant 0 : i32
      %dma_start3A_113 = tpu.memref_slice %arg2[%dma_start3A_111, %dma_start3A_112] : memref<10112x64xbf16, #tpu.memory_space<hbm>> -> memref<10112x64xbf16, #tpu.memory_space<hbm>>
      tpu.enqueue_indirect_dma source(%dma_start3A_113 : memref<10112x64xbf16, #tpu.memory_space<hbm>>) target(%arg14 : memref<128x64xbf16, #tpu.memory_space<vmem>>) offsets(%dma_start3A_110 : memref<128xi32, #tpu.memory_space<vmem>>) semaphore(%arg24 : memref<!tpu.dma_semaphore, #tpu.memory_space<semaphore_mem>>)
      %mul3A_114 = arith.constant 8 : i32
      %mul3A_115 = arith.muli %mul3A_114, %scan3A_43 : i32
      %add3A_116 = arith.constant 7 : i32
      %add3A_117 = arith.addi %mul3A_115, %add3A_116 : i32
      %dma_start3A_118 = arith.constant 0 : i32
      %dma_start3A_119 = tpu.memref_slice %arg6[%add3A_117, %dma_start3A_118] : memref<80x128xi32, #tpu.memory_space<vmem>> -> memref<1x128xi32, #tpu.memory_space<vmem>>
      %dma_start3A_120 = tpu.memref_squeeze %dma_start3A_119 : memref<1x128xi32, #tpu.memory_space<vmem>> -> memref<128xi32, #tpu.memory_space<vmem>>
      %dma_start3A_121 = arith.constant 0 : i32
      %dma_start3A_122 = arith.constant 0 : i32
      %dma_start3A_123 = tpu.memref_slice %arg2[%dma_start3A_121, %dma_start3A_122] : memref<10112x64xbf16, #tpu.memory_space<hbm>> -> memref<10112x64xbf16, #tpu.memory_space<hbm>>
      tpu.enqueue_indirect_dma source(%dma_start3A_123 : memref<10112x64xbf16, #tpu.memory_space<hbm>>) target(%arg15 : memref<128x64xbf16, #tpu.memory_space<vmem>>) offsets(%dma_start3A_120 : memref<128xi32, #tpu.memory_space<vmem>>) semaphore(%arg25 : memref<!tpu.dma_semaphore, #tpu.memory_space<semaphore_mem>>)
      %dma_wait3A = arith.constant 0 : i32
      %dma_wait3A_124 = tpu.memref_slice %arg6[%add3A_48, %dma_wait3A] : memref<80x128xi32, #tpu.memory_space<vmem>> -> memref<1x128xi32, #tpu.memory_space<vmem>>
      %dma_wait3A_125 = tpu.memref_squeeze %dma_wait3A_124 : memref<1x128xi32, #tpu.memory_space<vmem>> -> memref<128xi32, #tpu.memory_space<vmem>>
      %dma_wait3A_126 = arith.constant 0 : i32
      %dma_wait3A_127 = arith.constant 0 : i32
      %dma_wait3A_128 = tpu.memref_slice %arg2[%dma_wait3A_126, %dma_wait3A_127] : memref<10112x64xbf16, #tpu.memory_space<hbm>> -> memref<10112x64xbf16, #tpu.memory_space<hbm>>
      tpu.wait_indirect_dma semaphore(%arg18 : memref<!tpu.dma_semaphore, #tpu.memory_space<semaphore_mem>>) src(%dma_wait3A_128 : memref<10112x64xbf16, #tpu.memory_space<hbm>>) dst(%arg8 : memref<128x64xbf16, #tpu.memory_space<vmem>>)
      %mul3A_129 = arith.constant 8 : i32
      %mul3A_130 = arith.muli %mul3A_129, %scan3A_43 : i32
      %add3A_131 = arith.constant 0 : i32
      %add3A_132 = arith.addi %mul3A_130, %add3A_131 : i32
      %dma_start3A_133 = arith.constant 0 : i32
      %dma_start3A_134 = tpu.memref_slice %arg7[%add3A_132, %dma_start3A_133] : memref<80x128xi32, #tpu.memory_space<vmem>> -> memref<1x128xi32, #tpu.memory_space<vmem>>
      %dma_start3A_135 = tpu.memref_squeeze %dma_start3A_134 : memref<1x128xi32, #tpu.memory_space<vmem>> -> memref<128xi32, #tpu.memory_space<vmem>>
      %dma_start3A_136 = arith.constant 0 : i32
      %dma_start3A_137 = arith.constant 0 : i32
      %dma_start3A_138 = tpu.memref_slice %arg17[%dma_start3A_136, %dma_start3A_137] : memref<10112x64xbf16, #tpu.memory_space<vmem_shared>> -> memref<10112x64xbf16, #tpu.memory_space<vmem_shared>>
      tpu.enqueue_indirect_dma source(%arg8 : memref<128x64xbf16, #tpu.memory_space<vmem>>) target(%dma_start3A_138 : memref<10112x64xbf16, #tpu.memory_space<vmem_shared>>) offsets(%dma_start3A_135 : memref<128xi32, #tpu.memory_space<vmem>>) semaphore(%arg26 : memref<!tpu.dma_semaphore, #tpu.memory_space<semaphore_mem>>) {add = true}
      %dma_wait3A_139 = arith.constant 0 : i32
      %dma_wait3A_140 = tpu.memref_slice %arg6[%add3A_57, %dma_wait3A_139] : memref<80x128xi32, #tpu.memory_space<vmem>> -> memref<1x128xi32, #tpu.memory_space<vmem>>
      %dma_wait3A_141 = tpu.memref_squeeze %dma_wait3A_140 : memref<1x128xi32, #tpu.memory_space<vmem>> -> memref<128xi32, #tpu.memory_space<vmem>>
      %dma_wait3A_142 = arith.constant 0 : i32
      %dma_wait3A_143 = arith.constant 0 : i32
      %dma_wait3A_144 = tpu.memref_slice %arg2[%dma_wait3A_142, %dma_wait3A_143] : memref<10112x64xbf16, #tpu.memory_space<hbm>> -> memref<10112x64xbf16, #tpu.memory_space<hbm>>
      tpu.wait_indirect_dma semaphore(%arg19 : memref<!tpu.dma_semaphore, #tpu.memory_space<semaphore_mem>>) src(%dma_wait3A_144 : memref<10112x64xbf16, #tpu.memory_space<hbm>>) dst(%arg9 : memref<128x64xbf16, #tpu.memory_space<vmem>>)
      %mul3A_145 = arith.constant 8 : i32
      %mul3A_146 = arith.muli %mul3A_145, %scan3A_43 : i32
      %add3A_147 = arith.constant 1 : i32
      %add3A_148 = arith.addi %mul3A_146, %add3A_147 : i32
      %dma_start3A_149 = arith.constant 0 : i32
      %dma_start3A_150 = tpu.memref_slice %arg7[%add3A_148, %dma_start3A_149] : memref<80x128xi32, #tpu.memory_space<vmem>> -> memref<1x128xi32, #tpu.memory_space<vmem>>
      %dma_start3A_151 = tpu.memref_squeeze %dma_start3A_150 : memref<1x128xi32, #tpu.memory_space<vmem>> -> memref<128xi32, #tpu.memory_space<vmem>>
      %dma_start3A_152 = arith.constant 0 : i32
      %dma_start3A_153 = arith.constant 0 : i32
      %dma_start3A_154 = tpu.memref_slice %arg17[%dma_start3A_152, %dma_start3A_153] : memref<10112x64xbf16, #tpu.memory_space<vmem_shared>> -> memref<10112x64xbf16, #tpu.memory_space<vmem_shared>>
      tpu.enqueue_indirect_dma source(%arg9 : memref<128x64xbf16, #tpu.memory_space<vmem>>) target(%dma_start3A_154 : memref<10112x64xbf16, #tpu.memory_space<vmem_shared>>) offsets(%dma_start3A_151 : memref<128xi32, #tpu.memory_space<vmem>>) semaphore(%arg27 : memref<!tpu.dma_semaphore, #tpu.memory_space<semaphore_mem>>) {add = true}
      %dma_wait3A_155 = arith.constant 0 : i32
      %dma_wait3A_156 = tpu.memref_slice %arg6[%add3A_67, %dma_wait3A_155] : memref<80x128xi32, #tpu.memory_space<vmem>> -> memref<1x128xi32, #tpu.memory_space<vmem>>
      %dma_wait3A_157 = tpu.memref_squeeze %dma_wait3A_156 : memref<1x128xi32, #tpu.memory_space<vmem>> -> memref<128xi32, #tpu.memory_space<vmem>>
      %dma_wait3A_158 = arith.constant 0 : i32
      %dma_wait3A_159 = arith.constant 0 : i32
      %dma_wait3A_160 = tpu.memref_slice %arg2[%dma_wait3A_158, %dma_wait3A_159] : memref<10112x64xbf16, #tpu.memory_space<hbm>> -> memref<10112x64xbf16, #tpu.memory_space<hbm>>
      tpu.wait_indirect_dma semaphore(%arg20 : memref<!tpu.dma_semaphore, #tpu.memory_space<semaphore_mem>>) src(%dma_wait3A_160 : memref<10112x64xbf16, #tpu.memory_space<hbm>>) dst(%arg10 : memref<128x64xbf16, #tpu.memory_space<vmem>>)
      %mul3A_161 = arith.constant 8 : i32
      %mul3A_162 = arith.muli %mul3A_161, %scan3A_43 : i32
      %add3A_163 = arith.constant 2 : i32
      %add3A_164 = arith.addi %mul3A_162, %add3A_163 : i32
      %dma_start3A_165 = arith.constant 0 : i32
      %dma_start3A_166 = tpu.memref_slice %arg7[%add3A_164, %dma_start3A_165] : memref<80x128xi32, #tpu.memory_space<vmem>> -> memref<1x128xi32, #tpu.memory_space<vmem>>
      %dma_start3A_167 = tpu.memref_squeeze %dma_start3A_166 : memref<1x128xi32, #tpu.memory_space<vmem>> -> memref<128xi32, #tpu.memory_space<vmem>>
      %dma_start3A_168 = arith.constant 0 : i32
      %dma_start3A_169 = arith.constant 0 : i32
      %dma_start3A_170 = tpu.memref_slice %arg17[%dma_start3A_168, %dma_start3A_169] : memref<10112x64xbf16, #tpu.memory_space<vmem_shared>> -> memref<10112x64xbf16, #tpu.memory_space<vmem_shared>>
      tpu.enqueue_indirect_dma source(%arg10 : memref<128x64xbf16, #tpu.memory_space<vmem>>) target(%dma_start3A_170 : memref<10112x64xbf16, #tpu.memory_space<vmem_shared>>) offsets(%dma_start3A_167 : memref<128xi32, #tpu.memory_space<vmem>>) semaphore(%arg28 : memref<!tpu.dma_semaphore, #tpu.memory_space<semaphore_mem>>) {add = true}
      %dma_wait3A_171 = arith.constant 0 : i32
      %dma_wait3A_172 = tpu.memref_slice %arg6[%add3A_77, %dma_wait3A_171] : memref<80x128xi32, #tpu.memory_space<vmem>> -> memref<1x128xi32, #tpu.memory_space<vmem>>
      %dma_wait3A_173 = tpu.memref_squeeze %dma_wait3A_172 : memref<1x128xi32, #tpu.memory_space<vmem>> -> memref<128xi32, #tpu.memory_space<vmem>>
      %dma_wait3A_174 = arith.constant 0 : i32
      %dma_wait3A_175 = arith.constant 0 : i32
      %dma_wait3A_176 = tpu.memref_slice %arg2[%dma_wait3A_174, %dma_wait3A_175] : memref<10112x64xbf16, #tpu.memory_space<hbm>> -> memref<10112x64xbf16, #tpu.memory_space<hbm>>
      tpu.wait_indirect_dma semaphore(%arg21 : memref<!tpu.dma_semaphore, #tpu.memory_space<semaphore_mem>>) src(%dma_wait3A_176 : memref<10112x64xbf16, #tpu.memory_space<hbm>>) dst(%arg11 : memref<128x64xbf16, #tpu.memory_space<vmem>>)
      %mul3A_177 = arith.constant 8 : i32
      %mul3A_178 = arith.muli %mul3A_177, %scan3A_43 : i32
      %add3A_179 = arith.constant 3 : i32
      %add3A_180 = arith.addi %mul3A_178, %add3A_179 : i32
      %dma_start3A_181 = arith.constant 0 : i32
      %dma_start3A_182 = tpu.memref_slice %arg7[%add3A_180, %dma_start3A_181] : memref<80x128xi32, #tpu.memory_space<vmem>> -> memref<1x128xi32, #tpu.memory_space<vmem>>
      %dma_start3A_183 = tpu.memref_squeeze %dma_start3A_182 : memref<1x128xi32, #tpu.memory_space<vmem>> -> memref<128xi32, #tpu.memory_space<vmem>>
      %dma_start3A_184 = arith.constant 0 : i32
      %dma_start3A_185 = arith.constant 0 : i32
      %dma_start3A_186 = tpu.memref_slice %arg17[%dma_start3A_184, %dma_start3A_185] : memref<10112x64xbf16, #tpu.memory_space<vmem_shared>> -> memref<10112x64xbf16, #tpu.memory_space<vmem_shared>>
      tpu.enqueue_indirect_dma source(%arg11 : memref<128x64xbf16, #tpu.memory_space<vmem>>) target(%dma_start3A_186 : memref<10112x64xbf16, #tpu.memory_space<vmem_shared>>) offsets(%dma_start3A_183 : memref<128xi32, #tpu.memory_space<vmem>>) semaphore(%arg29 : memref<!tpu.dma_semaphore, #tpu.memory_space<semaphore_mem>>) {add = true}
      %dma_wait3A_187 = arith.constant 0 : i32
      %dma_wait3A_188 = tpu.memref_slice %arg6[%add3A_87, %dma_wait3A_187] : memref<80x128xi32, #tpu.memory_space<vmem>> -> memref<1x128xi32, #tpu.memory_space<vmem>>
      %dma_wait3A_189 = tpu.memref_squeeze %dma_wait3A_188 : memref<1x128xi32, #tpu.memory_space<vmem>> -> memref<128xi32, #tpu.memory_space<vmem>>
      %dma_wait3A_190 = arith.constant 0 : i32
      %dma_wait3A_191 = arith.constant 0 : i32
      %dma_wait3A_192 = tpu.memref_slice %arg2[%dma_wait3A_190, %dma_wait3A_191] : memref<10112x64xbf16, #tpu.memory_space<hbm>> -> memref<10112x64xbf16, #tpu.memory_space<hbm>>
      tpu.wait_indirect_dma semaphore(%arg22 : memref<!tpu.dma_semaphore, #tpu.memory_space<semaphore_mem>>) src(%dma_wait3A_192 : memref<10112x64xbf16, #tpu.memory_space<hbm>>) dst(%arg12 : memref<128x64xbf16, #tpu.memory_space<vmem>>)
      %mul3A_193 = arith.constant 8 : i32
      %mul3A_194 = arith.muli %mul3A_193, %scan3A_43 : i32
      %add3A_195 = arith.constant 4 : i32
      %add3A_196 = arith.addi %mul3A_194, %add3A_195 : i32
      %dma_start3A_197 = arith.constant 0 : i32
      %dma_start3A_198 = tpu.memref_slice %arg7[%add3A_196, %dma_start3A_197] : memref<80x128xi32, #tpu.memory_space<vmem>> -> memref<1x128xi32, #tpu.memory_space<vmem>>
      %dma_start3A_199 = tpu.memref_squeeze %dma_start3A_198 : memref<1x128xi32, #tpu.memory_space<vmem>> -> memref<128xi32, #tpu.memory_space<vmem>>
      %dma_start3A_200 = arith.constant 0 : i32
      %dma_start3A_201 = arith.constant 0 : i32
      %dma_start3A_202 = tpu.memref_slice %arg17[%dma_start3A_200, %dma_start3A_201] : memref<10112x64xbf16, #tpu.memory_space<vmem_shared>> -> memref<10112x64xbf16, #tpu.memory_space<vmem_shared>>
      tpu.enqueue_indirect_dma source(%arg12 : memref<128x64xbf16, #tpu.memory_space<vmem>>) target(%dma_start3A_202 : memref<10112x64xbf16, #tpu.memory_space<vmem_shared>>) offsets(%dma_start3A_199 : memref<128xi32, #tpu.memory_space<vmem>>) semaphore(%arg30 : memref<!tpu.dma_semaphore, #tpu.memory_space<semaphore_mem>>) {add = true}
      %dma_wait3A_203 = arith.constant 0 : i32
      %dma_wait3A_204 = tpu.memref_slice %arg6[%add3A_97, %dma_wait3A_203] : memref<80x128xi32, #tpu.memory_space<vmem>> -> memref<1x128xi32, #tpu.memory_space<vmem>>
      %dma_wait3A_205 = tpu.memref_squeeze %dma_wait3A_204 : memref<1x128xi32, #tpu.memory_space<vmem>> -> memref<128xi32, #tpu.memory_space<vmem>>
      %dma_wait3A_206 = arith.constant 0 : i32
      %dma_wait3A_207 = arith.constant 0 : i32
      %dma_wait3A_208 = tpu.memref_slice %arg2[%dma_wait3A_206, %dma_wait3A_207] : memref<10112x64xbf16, #tpu.memory_space<hbm>> -> memref<10112x64xbf16, #tpu.memory_space<hbm>>
      tpu.wait_indirect_dma semaphore(%arg23 : memref<!tpu.dma_semaphore, #tpu.memory_space<semaphore_mem>>) src(%dma_wait3A_208 : memref<10112x64xbf16, #tpu.memory_space<hbm>>) dst(%arg13 : memref<128x64xbf16, #tpu.memory_space<vmem>>)
      %mul3A_209 = arith.constant 8 : i32
      %mul3A_210 = arith.muli %mul3A_209, %scan3A_43 : i32
      %add3A_211 = arith.constant 5 : i32
      %add3A_212 = arith.addi %mul3A_210, %add3A_211 : i32
      %dma_start3A_213 = arith.constant 0 : i32
      %dma_start3A_214 = tpu.memref_slice %arg7[%add3A_212, %dma_start3A_213] : memref<80x128xi32, #tpu.memory_space<vmem>> -> memref<1x128xi32, #tpu.memory_space<vmem>>
      %dma_start3A_215 = tpu.memref_squeeze %dma_start3A_214 : memref<1x128xi32, #tpu.memory_space<vmem>> -> memref<128xi32, #tpu.memory_space<vmem>>
      %dma_start3A_216 = arith.constant 0 : i32
      %dma_start3A_217 = arith.constant 0 : i32
      %dma_start3A_218 = tpu.memref_slice %arg17[%dma_start3A_216, %dma_start3A_217] : memref<10112x64xbf16, #tpu.memory_space<vmem_shared>> -> memref<10112x64xbf16, #tpu.memory_space<vmem_shared>>
      tpu.enqueue_indirect_dma source(%arg13 : memref<128x64xbf16, #tpu.memory_space<vmem>>) target(%dma_start3A_218 : memref<10112x64xbf16, #tpu.memory_space<vmem_shared>>) offsets(%dma_start3A_215 : memref<128xi32, #tpu.memory_space<vmem>>) semaphore(%arg31 : memref<!tpu.dma_semaphore, #tpu.memory_space<semaphore_mem>>) {add = true}
      %dma_wait3A_219 = arith.constant 0 : i32
      %dma_wait3A_220 = tpu.memref_slice %arg6[%add3A_107, %dma_wait3A_219] : memref<80x128xi32, #tpu.memory_space<vmem>> -> memref<1x128xi32, #tpu.memory_space<vmem>>
      %dma_wait3A_221 = tpu.memref_squeeze %dma_wait3A_220 : memref<1x128xi32, #tpu.memory_space<vmem>> -> memref<128xi32, #tpu.memory_space<vmem>>
      %dma_wait3A_222 = arith.constant 0 : i32
      %dma_wait3A_223 = arith.constant 0 : i32
      %dma_wait3A_224 = tpu.memref_slice %arg2[%dma_wait3A_222, %dma_wait3A_223] : memref<10112x64xbf16, #tpu.memory_space<hbm>> -> memref<10112x64xbf16, #tpu.memory_space<hbm>>
      tpu.wait_indirect_dma semaphore(%arg24 : memref<!tpu.dma_semaphore, #tpu.memory_space<semaphore_mem>>) src(%dma_wait3A_224 : memref<10112x64xbf16, #tpu.memory_space<hbm>>) dst(%arg14 : memref<128x64xbf16, #tpu.memory_space<vmem>>)
      %mul3A_225 = arith.constant 8 : i32
      %mul3A_226 = arith.muli %mul3A_225, %scan3A_43 : i32
      %add3A_227 = arith.constant 6 : i32
      %add3A_228 = arith.addi %mul3A_226, %add3A_227 : i32
      %dma_start3A_229 = arith.constant 0 : i32
      %dma_start3A_230 = tpu.memref_slice %arg7[%add3A_228, %dma_start3A_229] : memref<80x128xi32, #tpu.memory_space<vmem>> -> memref<1x128xi32, #tpu.memory_space<vmem>>
      %dma_start3A_231 = tpu.memref_squeeze %dma_start3A_230 : memref<1x128xi32, #tpu.memory_space<vmem>> -> memref<128xi32, #tpu.memory_space<vmem>>
      %dma_start3A_232 = arith.constant 0 : i32
      %dma_start3A_233 = arith.constant 0 : i32
      %dma_start3A_234 = tpu.memref_slice %arg17[%dma_start3A_232, %dma_start3A_233] : memref<10112x64xbf16, #tpu.memory_space<vmem_shared>> -> memref<10112x64xbf16, #tpu.memory_space<vmem_shared>>
      tpu.enqueue_indirect_dma source(%arg14 : memref<128x64xbf16, #tpu.memory_space<vmem>>) target(%dma_start3A_234 : memref<10112x64xbf16, #tpu.memory_space<vmem_shared>>) offsets(%dma_start3A_231 : memref<128xi32, #tpu.memory_space<vmem>>) semaphore(%arg32 : memref<!tpu.dma_semaphore, #tpu.memory_space<semaphore_mem>>) {add = true}
      %dma_wait3A_235 = arith.constant 0 : i32
      %dma_wait3A_236 = tpu.memref_slice %arg6[%add3A_117, %dma_wait3A_235] : memref<80x128xi32, #tpu.memory_space<vmem>> -> memref<1x128xi32, #tpu.memory_space<vmem>>
      %dma_wait3A_237 = tpu.memref_squeeze %dma_wait3A_236 : memref<1x128xi32, #tpu.memory_space<vmem>> -> memref<128xi32, #tpu.memory_space<vmem>>
      %dma_wait3A_238 = arith.constant 0 : i32
      %dma_wait3A_239 = arith.constant 0 : i32
      %dma_wait3A_240 = tpu.memref_slice %arg2[%dma_wait3A_238, %dma_wait3A_239] : memref<10112x64xbf16, #tpu.memory_space<hbm>> -> memref<10112x64xbf16, #tpu.memory_space<hbm>>
      tpu.wait_indirect_dma semaphore(%arg25 : memref<!tpu.dma_semaphore, #tpu.memory_space<semaphore_mem>>) src(%dma_wait3A_240 : memref<10112x64xbf16, #tpu.memory_space<hbm>>) dst(%arg15 : memref<128x64xbf16, #tpu.memory_space<vmem>>)
      %mul3A_241 = arith.constant 8 : i32
      %mul3A_242 = arith.muli %mul3A_241, %scan3A_43 : i32
      %add3A_243 = arith.constant 7 : i32
      %add3A_244 = arith.addi %mul3A_242, %add3A_243 : i32
      %dma_start3A_245 = arith.constant 0 : i32
      %dma_start3A_246 = tpu.memref_slice %arg7[%add3A_244, %dma_start3A_245] : memref<80x128xi32, #tpu.memory_space<vmem>> -> memref<1x128xi32, #tpu.memory_space<vmem>>
      %dma_start3A_247 = tpu.memref_squeeze %dma_start3A_246 : memref<1x128xi32, #tpu.memory_space<vmem>> -> memref<128xi32, #tpu.memory_space<vmem>>
      %dma_start3A_248 = arith.constant 0 : i32
      %dma_start3A_249 = arith.constant 0 : i32
      %dma_start3A_250 = tpu.memref_slice %arg17[%dma_start3A_248, %dma_start3A_249] : memref<10112x64xbf16, #tpu.memory_space<vmem_shared>> -> memref<10112x64xbf16, #tpu.memory_space<vmem_shared>>
      tpu.enqueue_indirect_dma source(%arg15 : memref<128x64xbf16, #tpu.memory_space<vmem>>) target(%dma_start3A_250 : memref<10112x64xbf16, #tpu.memory_space<vmem_shared>>) offsets(%dma_start3A_247 : memref<128xi32, #tpu.memory_space<vmem>>) semaphore(%arg33 : memref<!tpu.dma_semaphore, #tpu.memory_space<semaphore_mem>>) {add = true}
      %dma_wait3A_251 = arith.constant 0 : i32
      %dma_wait3A_252 = tpu.memref_slice %arg7[%add3A_132, %dma_wait3A_251] : memref<80x128xi32, #tpu.memory_space<vmem>> -> memref<1x128xi32, #tpu.memory_space<vmem>>
      %dma_wait3A_253 = tpu.memref_squeeze %dma_wait3A_252 : memref<1x128xi32, #tpu.memory_space<vmem>> -> memref<128xi32, #tpu.memory_space<vmem>>
      %dma_wait3A_254 = arith.constant 0 : i32
      %dma_wait3A_255 = arith.constant 0 : i32
      %dma_wait3A_256 = tpu.memref_slice %arg17[%dma_wait3A_254, %dma_wait3A_255] : memref<10112x64xbf16, #tpu.memory_space<vmem_shared>> -> memref<10112x64xbf16, #tpu.memory_space<vmem_shared>>
      tpu.wait_indirect_dma semaphore(%arg26 : memref<!tpu.dma_semaphore, #tpu.memory_space<semaphore_mem>>) src(%arg8 : memref<128x64xbf16, #tpu.memory_space<vmem>>) dst(%dma_wait3A_256 : memref<10112x64xbf16, #tpu.memory_space<vmem_shared>>)
      %dma_wait3A_257 = arith.constant 0 : i32
      %dma_wait3A_258 = tpu.memref_slice %arg7[%add3A_148, %dma_wait3A_257] : memref<80x128xi32, #tpu.memory_space<vmem>> -> memref<1x128xi32, #tpu.memory_space<vmem>>
      %dma_wait3A_259 = tpu.memref_squeeze %dma_wait3A_258 : memref<1x128xi32, #tpu.memory_space<vmem>> -> memref<128xi32, #tpu.memory_space<vmem>>
      %dma_wait3A_260 = arith.constant 0 : i32
      %dma_wait3A_261 = arith.constant 0 : i32
      %dma_wait3A_262 = tpu.memref_slice %arg17[%dma_wait3A_260, %dma_wait3A_261] : memref<10112x64xbf16, #tpu.memory_space<vmem_shared>> -> memref<10112x64xbf16, #tpu.memory_space<vmem_shared>>
      tpu.wait_indirect_dma semaphore(%arg27 : memref<!tpu.dma_semaphore, #tpu.memory_space<semaphore_mem>>) src(%arg9 : memref<128x64xbf16, #tpu.memory_space<vmem>>) dst(%dma_wait3A_262 : memref<10112x64xbf16, #tpu.memory_space<vmem_shared>>)
      %dma_wait3A_263 = arith.constant 0 : i32
      %dma_wait3A_264 = tpu.memref_slice %arg7[%add3A_164, %dma_wait3A_263] : memref<80x128xi32, #tpu.memory_space<vmem>> -> memref<1x128xi32, #tpu.memory_space<vmem>>
      %dma_wait3A_265 = tpu.memref_squeeze %dma_wait3A_264 : memref<1x128xi32, #tpu.memory_space<vmem>> -> memref<128xi32, #tpu.memory_space<vmem>>
      %dma_wait3A_266 = arith.constant 0 : i32
      %dma_wait3A_267 = arith.constant 0 : i32
      %dma_wait3A_268 = tpu.memref_slice %arg17[%dma_wait3A_266, %dma_wait3A_267] : memref<10112x64xbf16, #tpu.memory_space<vmem_shared>> -> memref<10112x64xbf16, #tpu.memory_space<vmem_shared>>
      tpu.wait_indirect_dma semaphore(%arg28 : memref<!tpu.dma_semaphore, #tpu.memory_space<semaphore_mem>>) src(%arg10 : memref<128x64xbf16, #tpu.memory_space<vmem>>) dst(%dma_wait3A_268 : memref<10112x64xbf16, #tpu.memory_space<vmem_shared>>)
      %dma_wait3A_269 = arith.constant 0 : i32
      %dma_wait3A_270 = tpu.memref_slice %arg7[%add3A_180, %dma_wait3A_269] : memref<80x128xi32, #tpu.memory_space<vmem>> -> memref<1x128xi32, #tpu.memory_space<vmem>>
      %dma_wait3A_271 = tpu.memref_squeeze %dma_wait3A_270 : memref<1x128xi32, #tpu.memory_space<vmem>> -> memref<128xi32, #tpu.memory_space<vmem>>
      %dma_wait3A_272 = arith.constant 0 : i32
      %dma_wait3A_273 = arith.constant 0 : i32
      %dma_wait3A_274 = tpu.memref_slice %arg17[%dma_wait3A_272, %dma_wait3A_273] : memref<10112x64xbf16, #tpu.memory_space<vmem_shared>> -> memref<10112x64xbf16, #tpu.memory_space<vmem_shared>>
      tpu.wait_indirect_dma semaphore(%arg29 : memref<!tpu.dma_semaphore, #tpu.memory_space<semaphore_mem>>) src(%arg11 : memref<128x64xbf16, #tpu.memory_space<vmem>>) dst(%dma_wait3A_274 : memref<10112x64xbf16, #tpu.memory_space<vmem_shared>>)
      %dma_wait3A_275 = arith.constant 0 : i32
      %dma_wait3A_276 = tpu.memref_slice %arg7[%add3A_196, %dma_wait3A_275] : memref<80x128xi32, #tpu.memory_space<vmem>> -> memref<1x128xi32, #tpu.memory_space<vmem>>
      %dma_wait3A_277 = tpu.memref_squeeze %dma_wait3A_276 : memref<1x128xi32, #tpu.memory_space<vmem>> -> memref<128xi32, #tpu.memory_space<vmem>>
      %dma_wait3A_278 = arith.constant 0 : i32
      %dma_wait3A_279 = arith.constant 0 : i32
      %dma_wait3A_280 = tpu.memref_slice %arg17[%dma_wait3A_278, %dma_wait3A_279] : memref<10112x64xbf16, #tpu.memory_space<vmem_shared>> -> memref<10112x64xbf16, #tpu.memory_space<vmem_shared>>
      tpu.wait_indirect_dma semaphore(%arg30 : memref<!tpu.dma_semaphore, #tpu.memory_space<semaphore_mem>>) src(%arg12 : memref<128x64xbf16, #tpu.memory_space<vmem>>) dst(%dma_wait3A_280 : memref<10112x64xbf16, #tpu.memory_space<vmem_shared>>)
      %dma_wait3A_281 = arith.constant 0 : i32
      %dma_wait3A_282 = tpu.memref_slice %arg7[%add3A_212, %dma_wait3A_281] : memref<80x128xi32, #tpu.memory_space<vmem>> -> memref<1x128xi32, #tpu.memory_space<vmem>>
      %dma_wait3A_283 = tpu.memref_squeeze %dma_wait3A_282 : memref<1x128xi32, #tpu.memory_space<vmem>> -> memref<128xi32, #tpu.memory_space<vmem>>
      %dma_wait3A_284 = arith.constant 0 : i32
      %dma_wait3A_285 = arith.constant 0 : i32
      %dma_wait3A_286 = tpu.memref_slice %arg17[%dma_wait3A_284, %dma_wait3A_285] : memref<10112x64xbf16, #tpu.memory_space<vmem_shared>> -> memref<10112x64xbf16, #tpu.memory_space<vmem_shared>>
      tpu.wait_indirect_dma semaphore(%arg31 : memref<!tpu.dma_semaphore, #tpu.memory_space<semaphore_mem>>) src(%arg13 : memref<128x64xbf16, #tpu.memory_space<vmem>>) dst(%dma_wait3A_286 : memref<10112x64xbf16, #tpu.memory_space<vmem_shared>>)
      %dma_wait3A_287 = arith.constant 0 : i32
      %dma_wait3A_288 = tpu.memref_slice %arg7[%add3A_228, %dma_wait3A_287] : memref<80x128xi32, #tpu.memory_space<vmem>> -> memref<1x128xi32, #tpu.memory_space<vmem>>
      %dma_wait3A_289 = tpu.memref_squeeze %dma_wait3A_288 : memref<1x128xi32, #tpu.memory_space<vmem>> -> memref<128xi32, #tpu.memory_space<vmem>>
      %dma_wait3A_290 = arith.constant 0 : i32
      %dma_wait3A_291 = arith.constant 0 : i32
      %dma_wait3A_292 = tpu.memref_slice %arg17[%dma_wait3A_290, %dma_wait3A_291] : memref<10112x64xbf16, #tpu.memory_space<vmem_shared>> -> memref<10112x64xbf16, #tpu.memory_space<vmem_shared>>
      tpu.wait_indirect_dma semaphore(%arg32 : memref<!tpu.dma_semaphore, #tpu.memory_space<semaphore_mem>>) src(%arg14 : memref<128x64xbf16, #tpu.memory_space<vmem>>) dst(%dma_wait3A_292 : memref<10112x64xbf16, #tpu.memory_space<vmem_shared>>)
      %dma_wait3A_293 = arith.constant 0 : i32
      %dma_wait3A_294 = tpu.memref_slice %arg7[%add3A_244, %dma_wait3A_293] : memref<80x128xi32, #tpu.memory_space<vmem>> -> memref<1x128xi32, #tpu.memory_space<vmem>>
      %dma_wait3A_295 = tpu.memref_squeeze %dma_wait3A_294 : memref<1x128xi32, #tpu.memory_space<vmem>> -> memref<128xi32, #tpu.memory_space<vmem>>
      %dma_wait3A_296 = arith.constant 0 : i32
      %dma_wait3A_297 = arith.constant 0 : i32
      %dma_wait3A_298 = tpu.memref_slice %arg17[%dma_wait3A_296, %dma_wait3A_297] : memref<10112x64xbf16, #tpu.memory_space<vmem_shared>> -> memref<10112x64xbf16, #tpu.memory_space<vmem_shared>>
      tpu.wait_indirect_dma semaphore(%arg33 : memref<!tpu.dma_semaphore, #tpu.memory_space<semaphore_mem>>) src(%arg15 : memref<128x64xbf16, #tpu.memory_space<vmem>>) dst(%dma_wait3A_298 : memref<10112x64xbf16, #tpu.memory_space<vmem_shared>>)
      %scan3A_299 = arith.constant 0 : i32
      scf.yield %scan3A_299 : i32
    }
    %scan3A_34 = arith.constant 10 : i32
    %barrier3A_35 = arith.constant 0 : index
    tpu.barrier barrier_id(%barrier3A_35)
    %mul3A_36 = arith.constant 632 : i32
    %mul3A_37 = arith.muli %arg1, %mul3A_36 : i32
    %mul3A_38 = arith.constant 10112 : i32
    %mul3A_39 = arith.muli %arg0, %mul3A_38 : i32
    %mul3A_40 = arith.constant 632 : i32
    %mul3A_41 = arith.muli %arg1, %mul3A_40 : i32
    %add3A_42 = arith.addi %mul3A_39, %mul3A_41 : i32
    "tpu.region"() ({
      %run_scoped3A = tpu.sem_alloc : memref<!tpu.dma_semaphore, #tpu.memory_space<semaphore_mem>>
      %dma_start3A = arith.constant 0 : i32
      %dma_start3A_43 = tpu.memref_slice %arg5[%add3A_42, %dma_start3A] : memref<20224x64xbf16, #tpu.memory_space<hbm>> -> memref<632x64xbf16, #tpu.memory_space<hbm>>
      %dma_start3A_44 = arith.constant 0 : i32
      %dma_start3A_45 = tpu.memref_slice %arg17[%mul3A_37, %dma_start3A_44] : memref<10112x64xbf16, #tpu.memory_space<vmem_shared>> -> memref<632x64xbf16, #tpu.memory_space<vmem_shared>>
      tpu.enqueue_dma source(%dma_start3A_45 : memref<632x64xbf16, #tpu.memory_space<vmem_shared>>) target(%dma_start3A_43 : memref<632x64xbf16, #tpu.memory_space<hbm>>) target_semaphore(%run_scoped3A : memref<!tpu.dma_semaphore, #tpu.memory_space<semaphore_mem>>)
      %dma_wait3A = arith.constant 0 : i32
      %dma_wait3A_46 = tpu.memref_slice %arg5[%add3A_42, %dma_wait3A] : memref<20224x64xbf16, #tpu.memory_space<hbm>> -> memref<632x64xbf16, #tpu.memory_space<hbm>>
      %dma_wait3A_47 = arith.constant 0 : i32
      %dma_wait3A_48 = tpu.memref_slice %arg17[%mul3A_37, %dma_wait3A_47] : memref<10112x64xbf16, #tpu.memory_space<vmem_shared>> -> memref<632x64xbf16, #tpu.memory_space<vmem_shared>>
      tpu.wait_dma2 semaphore(%run_scoped3A : memref<!tpu.dma_semaphore, #tpu.memory_space<semaphore_mem>>) src(%dma_wait3A_48 : memref<632x64xbf16, #tpu.memory_space<vmem_shared>>) dst(%dma_wait3A_46 : memref<632x64xbf16, #tpu.memory_space<hbm>>)
      tpu.yield
    }) : () -> ()
    return
  }
}

#map = affine_map<(d0, d1) -> (0, 0)>
module attributes {stable_mosaic.version = 14 : i64} {
  func.func @_prop1(%arg0: i32, %arg1: i32, %arg2: memref<10112x64xbf16, #tpu.memory_space<hbm>>, %arg3: memref<10112x64xbf16, #tpu.memory_space<hbm>>, %arg4: memref<2560x128xi32, #tpu.memory_space<hbm>>, %arg5: memref<2560x128xi32, #tpu.memory_space<hbm>>, %arg6: memref<20224x64xbf16, #tpu.memory_space<hbm>>, %arg7: memref<20224x64xbf16, #tpu.memory_space<hbm>>, %arg8: memref<80x128xi32, #tpu.memory_space<vmem>>, %arg9: memref<80x128xi32, #tpu.memory_space<vmem>>, %arg10: memref<128x64xbf16, #tpu.memory_space<vmem>>, %arg11: memref<128x64xbf16, #tpu.memory_space<vmem>>, %arg12: memref<128x64xbf16, #tpu.memory_space<vmem>>, %arg13: memref<128x64xbf16, #tpu.memory_space<vmem>>, %arg14: memref<128x64xbf16, #tpu.memory_space<vmem>>, %arg15: memref<128x64xbf16, #tpu.memory_space<vmem>>, %arg16: memref<128x64xbf16, #tpu.memory_space<vmem>>, %arg17: memref<128x64xbf16, #tpu.memory_space<vmem>>, %arg18: memref<158x64xbf16, #tpu.memory_space<vmem>>, %arg19: memref<10112x64xbf16, #tpu.memory_space<vmem_shared>>, %arg20: memref<!tpu.dma_semaphore, #tpu.memory_space<semaphore_mem>>, %arg21: memref<!tpu.dma_semaphore, #tpu.memory_space<semaphore_mem>>, %arg22: memref<!tpu.dma_semaphore, #tpu.memory_space<semaphore_mem>>, %arg23: memref<!tpu.dma_semaphore, #tpu.memory_space<semaphore_mem>>, %arg24: memref<!tpu.dma_semaphore, #tpu.memory_space<semaphore_mem>>, %arg25: memref<!tpu.dma_semaphore, #tpu.memory_space<semaphore_mem>>, %arg26: memref<!tpu.dma_semaphore, #tpu.memory_space<semaphore_mem>>, %arg27: memref<!tpu.dma_semaphore, #tpu.memory_space<semaphore_mem>>, %arg28: memref<!tpu.dma_semaphore, #tpu.memory_space<semaphore_mem>>, %arg29: memref<!tpu.dma_semaphore, #tpu.memory_space<semaphore_mem>>, %arg30: memref<!tpu.dma_semaphore, #tpu.memory_space<semaphore_mem>>, %arg31: memref<!tpu.dma_semaphore, #tpu.memory_space<semaphore_mem>>, %arg32: memref<!tpu.dma_semaphore, #tpu.memory_space<semaphore_mem>>, %arg33: memref<!tpu.dma_semaphore, #tpu.memory_space<semaphore_mem>>, %arg34: memref<!tpu.dma_semaphore, #tpu.memory_space<semaphore_mem>>, %arg35: memref<!tpu.dma_semaphore, #tpu.memory_space<semaphore_mem>>) attributes {dimension_semantics = [#tpu.dimension_semantics<core_parallel>, #tpu.dimension_semantics<subcore_parallel>], iteration_bounds = array<i64: 2, 16>, scalar_prefetch = 0 : i64, scratch_operands = 28 : i64, tpu.core_type = #tpu.core_type<sc_vector_subcore>, window_params = [{transform_indices = #map}, {transform_indices = #map}, {transform_indices = #map}, {transform_indices = #map}, {transform_indices = #map}, {transform_indices = #map}]} {
    %mul3A = arith.constant 16 : i32
    %mul3A_0 = arith.muli %arg0, %mul3A : i32
    %add3A = arith.addi %mul3A_0, %arg1 : i32
    %broadcast_in_dim3A = arith.constant 0.000000e+00 : bf16
    %broadcast_in_dim3A_1 = vector.broadcast %broadcast_in_dim3A : bf16 to vector<32xbf16>
    %scan3A = arith.constant 0 : i32
    %scan3A_2 = arith.constant 0 : i32
    %scan3A_3 = arith.constant 158 : i32
    %scan3A_4 = arith.addi %scan3A_2, %scan3A_3 : i32
    %scan3A_5 = arith.constant 1 : i32
    %scan3A_6 = scf.for %scan3A_77 = %scan3A_2 to %scan3A_4 step %scan3A_5 iter_args(%scan3A_78 = %scan3A) -> (i32)  : i32 {
      %swap3A = arith.index_cast %scan3A_77 : i32 to index
      %swap3A_79 = arith.constant 0 : index
      %swap3A_80 = tpu.vector_load %arg18[%swap3A, %swap3A_79] {strides = array<i32>} : memref<158x64xbf16, #tpu.memory_space<vmem>>, vector<32xbf16>,
      tpu.vector_store %arg18[%swap3A, %swap3A_79], %broadcast_in_dim3A_1 {strides = array<i32>} : memref<158x64xbf16, #tpu.memory_space<vmem>>, vector<32xbf16>,
      %swap3A_81 = arith.index_cast %scan3A_77 : i32 to index
      %swap3A_82 = arith.constant 32 : index
      %swap3A_83 = tpu.vector_load %arg18[%swap3A_81, %swap3A_82] {strides = array<i32>} : memref<158x64xbf16, #tpu.memory_space<vmem>>, vector<32xbf16>,
      tpu.vector_store %arg18[%swap3A_81, %swap3A_82], %broadcast_in_dim3A_1 {strides = array<i32>} : memref<158x64xbf16, #tpu.memory_space<vmem>>, vector<32xbf16>,
      %scan3A_84 = arith.constant 0 : i32
      scf.yield %scan3A_84 : i32
    }
    %scan3A_7 = arith.constant 158 : i32
    %mul3A_8 = arith.constant 80 : i32
    %mul3A_9 = arith.muli %add3A, %mul3A_8 : i32
    "tpu.region"() ({
      %run_scoped3A = tpu.sem_alloc : memref<!tpu.dma_semaphore, #tpu.memory_space<semaphore_mem>>
      %dma_start3A = arith.constant 0 : i32
      %dma_start3A_77 = tpu.memref_slice %arg4[%mul3A_9, %dma_start3A] : memref<2560x128xi32, #tpu.memory_space<hbm>> -> memref<80x128xi32, #tpu.memory_space<hbm>>
      %dma_start3A_78 = arith.constant 0 : i32
      %dma_start3A_79 = tpu.memref_slice %arg4[%mul3A_9, %dma_start3A_78] : memref<2560x128xi32, #tpu.memory_space<hbm>> -> memref<80x128xi32, #tpu.memory_space<hbm>>
      tpu.enqueue_dma source(%dma_start3A_79 : memref<80x128xi32, #tpu.memory_space<hbm>>) target(%arg8 : memref<80x128xi32, #tpu.memory_space<vmem>>) target_semaphore(%run_scoped3A : memref<!tpu.dma_semaphore, #tpu.memory_space<semaphore_mem>>)
      %dma_wait3A = arith.constant 0 : i32
      %dma_wait3A_80 = tpu.memref_slice %arg4[%mul3A_9, %dma_wait3A] : memref<2560x128xi32, #tpu.memory_space<hbm>> -> memref<80x128xi32, #tpu.memory_space<hbm>>
      %dma_wait3A_81 = arith.constant 0 : i32
      %dma_wait3A_82 = tpu.memref_slice %arg4[%mul3A_9, %dma_wait3A_81] : memref<2560x128xi32, #tpu.memory_space<hbm>> -> memref<80x128xi32, #tpu.memory_space<hbm>>
      tpu.wait_dma2 semaphore(%run_scoped3A : memref<!tpu.dma_semaphore, #tpu.memory_space<semaphore_mem>>) src(%dma_wait3A_82 : memref<80x128xi32, #tpu.memory_space<hbm>>) dst(%arg8 : memref<80x128xi32, #tpu.memory_space<vmem>>)
      tpu.yield
    }) : () -> ()
    %mul3A_10 = arith.constant 80 : i32
    %mul3A_11 = arith.muli %add3A, %mul3A_10 : i32
    "tpu.region"() ({
      %run_scoped3A = tpu.sem_alloc : memref<!tpu.dma_semaphore, #tpu.memory_space<semaphore_mem>>
      %dma_start3A = arith.constant 0 : i32
      %dma_start3A_77 = tpu.memref_slice %arg5[%mul3A_11, %dma_start3A] : memref<2560x128xi32, #tpu.memory_space<hbm>> -> memref<80x128xi32, #tpu.memory_space<hbm>>
      %dma_start3A_78 = arith.constant 0 : i32
      %dma_start3A_79 = tpu.memref_slice %arg5[%mul3A_11, %dma_start3A_78] : memref<2560x128xi32, #tpu.memory_space<hbm>> -> memref<80x128xi32, #tpu.memory_space<hbm>>
      tpu.enqueue_dma source(%dma_start3A_79 : memref<80x128xi32, #tpu.memory_space<hbm>>) target(%arg9 : memref<80x128xi32, #tpu.memory_space<vmem>>) target_semaphore(%run_scoped3A : memref<!tpu.dma_semaphore, #tpu.memory_space<semaphore_mem>>)
      %dma_wait3A = arith.constant 0 : i32
      %dma_wait3A_80 = tpu.memref_slice %arg5[%mul3A_11, %dma_wait3A] : memref<2560x128xi32, #tpu.memory_space<hbm>> -> memref<80x128xi32, #tpu.memory_space<hbm>>
      %dma_wait3A_81 = arith.constant 0 : i32
      %dma_wait3A_82 = tpu.memref_slice %arg5[%mul3A_11, %dma_wait3A_81] : memref<2560x128xi32, #tpu.memory_space<hbm>> -> memref<80x128xi32, #tpu.memory_space<hbm>>
      tpu.wait_dma2 semaphore(%run_scoped3A : memref<!tpu.dma_semaphore, #tpu.memory_space<semaphore_mem>>) src(%dma_wait3A_82 : memref<80x128xi32, #tpu.memory_space<hbm>>) dst(%arg9 : memref<80x128xi32, #tpu.memory_space<vmem>>)
      tpu.yield
    }) : () -> ()
    %mul3A_12 = arith.constant 632 : i32
    %mul3A_13 = arith.muli %arg1, %mul3A_12 : i32
    %add3A_14 = arith.constant 0 : i32
    %add3A_15 = arith.addi %mul3A_13, %add3A_14 : i32
    "tpu.region"() ({
      %run_scoped3A = tpu.sem_alloc : memref<!tpu.dma_semaphore, #tpu.memory_space<semaphore_mem>>
      %dma_start3A = arith.constant 0 : i32
      %dma_start3A_77 = tpu.memref_slice %arg19[%add3A_15, %dma_start3A] : memref<10112x64xbf16, #tpu.memory_space<vmem_shared>> -> memref<158x64xbf16, #tpu.memory_space<vmem_shared>>
      %dma_start3A_78 = arith.constant 0 : i32
      %dma_start3A_79 = tpu.memref_slice %arg19[%add3A_15, %dma_start3A_78] : memref<10112x64xbf16, #tpu.memory_space<vmem_shared>> -> memref<158x64xbf16, #tpu.memory_space<vmem_shared>>
      tpu.enqueue_dma source(%arg18 : memref<158x64xbf16, #tpu.memory_space<vmem>>) target(%dma_start3A_79 : memref<158x64xbf16, #tpu.memory_space<vmem_shared>>) target_semaphore(%run_scoped3A : memref<!tpu.dma_semaphore, #tpu.memory_space<semaphore_mem>>)
      %dma_wait3A = arith.constant 0 : i32
      %dma_wait3A_80 = tpu.memref_slice %arg19[%add3A_15, %dma_wait3A] : memref<10112x64xbf16, #tpu.memory_space<vmem_shared>> -> memref<158x64xbf16, #tpu.memory_space<vmem_shared>>
      %dma_wait3A_81 = arith.constant 0 : i32
      %dma_wait3A_82 = tpu.memref_slice %arg19[%add3A_15, %dma_wait3A_81] : memref<10112x64xbf16, #tpu.memory_space<vmem_shared>> -> memref<158x64xbf16, #tpu.memory_space<vmem_shared>>
      tpu.wait_dma2 semaphore(%run_scoped3A : memref<!tpu.dma_semaphore, #tpu.memory_space<semaphore_mem>>) src(%arg18 : memref<158x64xbf16, #tpu.memory_space<vmem>>) dst(%dma_wait3A_82 : memref<158x64xbf16, #tpu.memory_space<vmem_shared>>)
      tpu.yield
    }) : () -> ()
    %mul3A_16 = arith.constant 632 : i32
    %mul3A_17 = arith.muli %arg1, %mul3A_16 : i32
    %add3A_18 = arith.constant 158 : i32
    %add3A_19 = arith.addi %mul3A_17, %add3A_18 : i32
    "tpu.region"() ({
      %run_scoped3A = tpu.sem_alloc : memref<!tpu.dma_semaphore, #tpu.memory_space<semaphore_mem>>
      %dma_start3A = arith.constant 0 : i32
      %dma_start3A_77 = tpu.memref_slice %arg19[%add3A_19, %dma_start3A] : memref<10112x64xbf16, #tpu.memory_space<vmem_shared>> -> memref<158x64xbf16, #tpu.memory_space<vmem_shared>>
      %dma_start3A_78 = arith.constant 0 : i32
      %dma_start3A_79 = tpu.memref_slice %arg19[%add3A_19, %dma_start3A_78] : memref<10112x64xbf16, #tpu.memory_space<vmem_shared>> -> memref<158x64xbf16, #tpu.memory_space<vmem_shared>>
      tpu.enqueue_dma source(%arg18 : memref<158x64xbf16, #tpu.memory_space<vmem>>) target(%dma_start3A_79 : memref<158x64xbf16, #tpu.memory_space<vmem_shared>>) target_semaphore(%run_scoped3A : memref<!tpu.dma_semaphore, #tpu.memory_space<semaphore_mem>>)
      %dma_wait3A = arith.constant 0 : i32
      %dma_wait3A_80 = tpu.memref_slice %arg19[%add3A_19, %dma_wait3A] : memref<10112x64xbf16, #tpu.memory_space<vmem_shared>> -> memref<158x64xbf16, #tpu.memory_space<vmem_shared>>
      %dma_wait3A_81 = arith.constant 0 : i32
      %dma_wait3A_82 = tpu.memref_slice %arg19[%add3A_19, %dma_wait3A_81] : memref<10112x64xbf16, #tpu.memory_space<vmem_shared>> -> memref<158x64xbf16, #tpu.memory_space<vmem_shared>>
      tpu.wait_dma2 semaphore(%run_scoped3A : memref<!tpu.dma_semaphore, #tpu.memory_space<semaphore_mem>>) src(%arg18 : memref<158x64xbf16, #tpu.memory_space<vmem>>) dst(%dma_wait3A_82 : memref<158x64xbf16, #tpu.memory_space<vmem_shared>>)
      tpu.yield
    }) : () -> ()
    %mul3A_20 = arith.constant 632 : i32
    %mul3A_21 = arith.muli %arg1, %mul3A_20 : i32
    %add3A_22 = arith.constant 316 : i32
    %add3A_23 = arith.addi %mul3A_21, %add3A_22 : i32
    "tpu.region"() ({
      %run_scoped3A = tpu.sem_alloc : memref<!tpu.dma_semaphore, #tpu.memory_space<semaphore_mem>>
      %dma_start3A = arith.constant 0 : i32
      %dma_start3A_77 = tpu.memref_slice %arg19[%add3A_23, %dma_start3A] : memref<10112x64xbf16, #tpu.memory_space<vmem_shared>> -> memref<158x64xbf16, #tpu.memory_space<vmem_shared>>
      %dma_start3A_78 = arith.constant 0 : i32
      %dma_start3A_79 = tpu.memref_slice %arg19[%add3A_23, %dma_start3A_78] : memref<10112x64xbf16, #tpu.memory_space<vmem_shared>> -> memref<158x64xbf16, #tpu.memory_space<vmem_shared>>
      tpu.enqueue_dma source(%arg18 : memref<158x64xbf16, #tpu.memory_space<vmem>>) target(%dma_start3A_79 : memref<158x64xbf16, #tpu.memory_space<vmem_shared>>) target_semaphore(%run_scoped3A : memref<!tpu.dma_semaphore, #tpu.memory_space<semaphore_mem>>)
      %dma_wait3A = arith.constant 0 : i32
      %dma_wait3A_80 = tpu.memref_slice %arg19[%add3A_23, %dma_wait3A] : memref<10112x64xbf16, #tpu.memory_space<vmem_shared>> -> memref<158x64xbf16, #tpu.memory_space<vmem_shared>>
      %dma_wait3A_81 = arith.constant 0 : i32
      %dma_wait3A_82 = tpu.memref_slice %arg19[%add3A_23, %dma_wait3A_81] : memref<10112x64xbf16, #tpu.memory_space<vmem_shared>> -> memref<158x64xbf16, #tpu.memory_space<vmem_shared>>
      tpu.wait_dma2 semaphore(%run_scoped3A : memref<!tpu.dma_semaphore, #tpu.memory_space<semaphore_mem>>) src(%arg18 : memref<158x64xbf16, #tpu.memory_space<vmem>>) dst(%dma_wait3A_82 : memref<158x64xbf16, #tpu.memory_space<vmem_shared>>)
      tpu.yield
    }) : () -> ()
    %mul3A_24 = arith.constant 632 : i32
    %mul3A_25 = arith.muli %arg1, %mul3A_24 : i32
    %add3A_26 = arith.constant 474 : i32
    %add3A_27 = arith.addi %mul3A_25, %add3A_26 : i32
    "tpu.region"() ({
      %run_scoped3A = tpu.sem_alloc : memref<!tpu.dma_semaphore, #tpu.memory_space<semaphore_mem>>
      %dma_start3A = arith.constant 0 : i32
      %dma_start3A_77 = tpu.memref_slice %arg19[%add3A_27, %dma_start3A] : memref<10112x64xbf16, #tpu.memory_space<vmem_shared>> -> memref<158x64xbf16, #tpu.memory_space<vmem_shared>>
      %dma_start3A_78 = arith.constant 0 : i32
      %dma_start3A_79 = tpu.memref_slice %arg19[%add3A_27, %dma_start3A_78] : memref<10112x64xbf16, #tpu.memory_space<vmem_shared>> -> memref<158x64xbf16, #tpu.memory_space<vmem_shared>>
      tpu.enqueue_dma source(%arg18 : memref<158x64xbf16, #tpu.memory_space<vmem>>) target(%dma_start3A_79 : memref<158x64xbf16, #tpu.memory_space<vmem_shared>>) target_semaphore(%run_scoped3A : memref<!tpu.dma_semaphore, #tpu.memory_space<semaphore_mem>>)
      %dma_wait3A = arith.constant 0 : i32
      %dma_wait3A_80 = tpu.memref_slice %arg19[%add3A_27, %dma_wait3A] : memref<10112x64xbf16, #tpu.memory_space<vmem_shared>> -> memref<158x64xbf16, #tpu.memory_space<vmem_shared>>
      %dma_wait3A_81 = arith.constant 0 : i32
      %dma_wait3A_82 = tpu.memref_slice %arg19[%add3A_27, %dma_wait3A_81] : memref<10112x64xbf16, #tpu.memory_space<vmem_shared>> -> memref<158x64xbf16, #tpu.memory_space<vmem_shared>>
      tpu.wait_dma2 semaphore(%run_scoped3A : memref<!tpu.dma_semaphore, #tpu.memory_space<semaphore_mem>>) src(%arg18 : memref<158x64xbf16, #tpu.memory_space<vmem>>) dst(%dma_wait3A_82 : memref<158x64xbf16, #tpu.memory_space<vmem_shared>>)
      tpu.yield
    }) : () -> ()
    %barrier3A = arith.constant 0 : index
    tpu.barrier barrier_id(%barrier3A)
    %scan3A_28 = arith.constant 0 : i32
    %scan3A_29 = arith.constant 0 : i32
    %scan3A_30 = arith.constant 10 : i32
    %scan3A_31 = arith.addi %scan3A_29, %scan3A_30 : i32
    %scan3A_32 = arith.constant 1 : i32
    %scan3A_33 = scf.for %scan3A_77 = %scan3A_29 to %scan3A_31 step %scan3A_32 iter_args(%scan3A_78 = %scan3A_28) -> (i32)  : i32 {
      %mul3A_79 = arith.constant 8 : i32
      %mul3A_80 = arith.muli %mul3A_79, %scan3A_77 : i32
      %add3A_81 = arith.constant 0 : i32
      %add3A_82 = arith.addi %mul3A_80, %add3A_81 : i32
      %dma_start3A = arith.constant 0 : i32
      %dma_start3A_83 = tpu.memref_slice %arg8[%add3A_82, %dma_start3A] : memref<80x128xi32, #tpu.memory_space<vmem>> -> memref<1x128xi32, #tpu.memory_space<vmem>>
      %dma_start3A_84 = tpu.memref_squeeze %dma_start3A_83 : memref<1x128xi32, #tpu.memory_space<vmem>> -> memref<128xi32, #tpu.memory_space<vmem>>
      %dma_start3A_85 = arith.constant 0 : i32
      %dma_start3A_86 = arith.constant 0 : i32
      %dma_start3A_87 = tpu.memref_slice %arg2[%dma_start3A_85, %dma_start3A_86] : memref<10112x64xbf16, #tpu.memory_space<hbm>> -> memref<10112x64xbf16, #tpu.memory_space<hbm>>
      tpu.enqueue_indirect_dma source(%dma_start3A_87 : memref<10112x64xbf16, #tpu.memory_space<hbm>>) target(%arg10 : memref<128x64xbf16, #tpu.memory_space<vmem>>) offsets(%dma_start3A_84 : memref<128xi32, #tpu.memory_space<vmem>>) semaphore(%arg20 : memref<!tpu.dma_semaphore, #tpu.memory_space<semaphore_mem>>)
      %mul3A_88 = arith.constant 8 : i32
      %mul3A_89 = arith.muli %mul3A_88, %scan3A_77 : i32
      %add3A_90 = arith.constant 1 : i32
      %add3A_91 = arith.addi %mul3A_89, %add3A_90 : i32
      %dma_start3A_92 = arith.constant 0 : i32
      %dma_start3A_93 = tpu.memref_slice %arg8[%add3A_91, %dma_start3A_92] : memref<80x128xi32, #tpu.memory_space<vmem>> -> memref<1x128xi32, #tpu.memory_space<vmem>>
      %dma_start3A_94 = tpu.memref_squeeze %dma_start3A_93 : memref<1x128xi32, #tpu.memory_space<vmem>> -> memref<128xi32, #tpu.memory_space<vmem>>
      %dma_start3A_95 = arith.constant 0 : i32
      %dma_start3A_96 = arith.constant 0 : i32
      %dma_start3A_97 = tpu.memref_slice %arg2[%dma_start3A_95, %dma_start3A_96] : memref<10112x64xbf16, #tpu.memory_space<hbm>> -> memref<10112x64xbf16, #tpu.memory_space<hbm>>
      tpu.enqueue_indirect_dma source(%dma_start3A_97 : memref<10112x64xbf16, #tpu.memory_space<hbm>>) target(%arg11 : memref<128x64xbf16, #tpu.memory_space<vmem>>) offsets(%dma_start3A_94 : memref<128xi32, #tpu.memory_space<vmem>>) semaphore(%arg21 : memref<!tpu.dma_semaphore, #tpu.memory_space<semaphore_mem>>)
      %mul3A_98 = arith.constant 8 : i32
      %mul3A_99 = arith.muli %mul3A_98, %scan3A_77 : i32
      %add3A_100 = arith.constant 2 : i32
      %add3A_101 = arith.addi %mul3A_99, %add3A_100 : i32
      %dma_start3A_102 = arith.constant 0 : i32
      %dma_start3A_103 = tpu.memref_slice %arg8[%add3A_101, %dma_start3A_102] : memref<80x128xi32, #tpu.memory_space<vmem>> -> memref<1x128xi32, #tpu.memory_space<vmem>>
      %dma_start3A_104 = tpu.memref_squeeze %dma_start3A_103 : memref<1x128xi32, #tpu.memory_space<vmem>> -> memref<128xi32, #tpu.memory_space<vmem>>
      %dma_start3A_105 = arith.constant 0 : i32
      %dma_start3A_106 = arith.constant 0 : i32
      %dma_start3A_107 = tpu.memref_slice %arg2[%dma_start3A_105, %dma_start3A_106] : memref<10112x64xbf16, #tpu.memory_space<hbm>> -> memref<10112x64xbf16, #tpu.memory_space<hbm>>
      tpu.enqueue_indirect_dma source(%dma_start3A_107 : memref<10112x64xbf16, #tpu.memory_space<hbm>>) target(%arg12 : memref<128x64xbf16, #tpu.memory_space<vmem>>) offsets(%dma_start3A_104 : memref<128xi32, #tpu.memory_space<vmem>>) semaphore(%arg22 : memref<!tpu.dma_semaphore, #tpu.memory_space<semaphore_mem>>)
      %mul3A_108 = arith.constant 8 : i32
      %mul3A_109 = arith.muli %mul3A_108, %scan3A_77 : i32
      %add3A_110 = arith.constant 3 : i32
      %add3A_111 = arith.addi %mul3A_109, %add3A_110 : i32
      %dma_start3A_112 = arith.constant 0 : i32
      %dma_start3A_113 = tpu.memref_slice %arg8[%add3A_111, %dma_start3A_112] : memref<80x128xi32, #tpu.memory_space<vmem>> -> memref<1x128xi32, #tpu.memory_space<vmem>>
      %dma_start3A_114 = tpu.memref_squeeze %dma_start3A_113 : memref<1x128xi32, #tpu.memory_space<vmem>> -> memref<128xi32, #tpu.memory_space<vmem>>
      %dma_start3A_115 = arith.constant 0 : i32
      %dma_start3A_116 = arith.constant 0 : i32
      %dma_start3A_117 = tpu.memref_slice %arg2[%dma_start3A_115, %dma_start3A_116] : memref<10112x64xbf16, #tpu.memory_space<hbm>> -> memref<10112x64xbf16, #tpu.memory_space<hbm>>
      tpu.enqueue_indirect_dma source(%dma_start3A_117 : memref<10112x64xbf16, #tpu.memory_space<hbm>>) target(%arg13 : memref<128x64xbf16, #tpu.memory_space<vmem>>) offsets(%dma_start3A_114 : memref<128xi32, #tpu.memory_space<vmem>>) semaphore(%arg23 : memref<!tpu.dma_semaphore, #tpu.memory_space<semaphore_mem>>)
      %mul3A_118 = arith.constant 8 : i32
      %mul3A_119 = arith.muli %mul3A_118, %scan3A_77 : i32
      %add3A_120 = arith.constant 4 : i32
      %add3A_121 = arith.addi %mul3A_119, %add3A_120 : i32
      %dma_start3A_122 = arith.constant 0 : i32
      %dma_start3A_123 = tpu.memref_slice %arg8[%add3A_121, %dma_start3A_122] : memref<80x128xi32, #tpu.memory_space<vmem>> -> memref<1x128xi32, #tpu.memory_space<vmem>>
      %dma_start3A_124 = tpu.memref_squeeze %dma_start3A_123 : memref<1x128xi32, #tpu.memory_space<vmem>> -> memref<128xi32, #tpu.memory_space<vmem>>
      %dma_start3A_125 = arith.constant 0 : i32
      %dma_start3A_126 = arith.constant 0 : i32
      %dma_start3A_127 = tpu.memref_slice %arg2[%dma_start3A_125, %dma_start3A_126] : memref<10112x64xbf16, #tpu.memory_space<hbm>> -> memref<10112x64xbf16, #tpu.memory_space<hbm>>
      tpu.enqueue_indirect_dma source(%dma_start3A_127 : memref<10112x64xbf16, #tpu.memory_space<hbm>>) target(%arg14 : memref<128x64xbf16, #tpu.memory_space<vmem>>) offsets(%dma_start3A_124 : memref<128xi32, #tpu.memory_space<vmem>>) semaphore(%arg24 : memref<!tpu.dma_semaphore, #tpu.memory_space<semaphore_mem>>)
      %mul3A_128 = arith.constant 8 : i32
      %mul3A_129 = arith.muli %mul3A_128, %scan3A_77 : i32
      %add3A_130 = arith.constant 5 : i32
      %add3A_131 = arith.addi %mul3A_129, %add3A_130 : i32
      %dma_start3A_132 = arith.constant 0 : i32
      %dma_start3A_133 = tpu.memref_slice %arg8[%add3A_131, %dma_start3A_132] : memref<80x128xi32, #tpu.memory_space<vmem>> -> memref<1x128xi32, #tpu.memory_space<vmem>>
      %dma_start3A_134 = tpu.memref_squeeze %dma_start3A_133 : memref<1x128xi32, #tpu.memory_space<vmem>> -> memref<128xi32, #tpu.memory_space<vmem>>
      %dma_start3A_135 = arith.constant 0 : i32
      %dma_start3A_136 = arith.constant 0 : i32
      %dma_start3A_137 = tpu.memref_slice %arg2[%dma_start3A_135, %dma_start3A_136] : memref<10112x64xbf16, #tpu.memory_space<hbm>> -> memref<10112x64xbf16, #tpu.memory_space<hbm>>
      tpu.enqueue_indirect_dma source(%dma_start3A_137 : memref<10112x64xbf16, #tpu.memory_space<hbm>>) target(%arg15 : memref<128x64xbf16, #tpu.memory_space<vmem>>) offsets(%dma_start3A_134 : memref<128xi32, #tpu.memory_space<vmem>>) semaphore(%arg25 : memref<!tpu.dma_semaphore, #tpu.memory_space<semaphore_mem>>)
      %mul3A_138 = arith.constant 8 : i32
      %mul3A_139 = arith.muli %mul3A_138, %scan3A_77 : i32
      %add3A_140 = arith.constant 6 : i32
      %add3A_141 = arith.addi %mul3A_139, %add3A_140 : i32
      %dma_start3A_142 = arith.constant 0 : i32
      %dma_start3A_143 = tpu.memref_slice %arg8[%add3A_141, %dma_start3A_142] : memref<80x128xi32, #tpu.memory_space<vmem>> -> memref<1x128xi32, #tpu.memory_space<vmem>>
      %dma_start3A_144 = tpu.memref_squeeze %dma_start3A_143 : memref<1x128xi32, #tpu.memory_space<vmem>> -> memref<128xi32, #tpu.memory_space<vmem>>
      %dma_start3A_145 = arith.constant 0 : i32
      %dma_start3A_146 = arith.constant 0 : i32
      %dma_start3A_147 = tpu.memref_slice %arg2[%dma_start3A_145, %dma_start3A_146] : memref<10112x64xbf16, #tpu.memory_space<hbm>> -> memref<10112x64xbf16, #tpu.memory_space<hbm>>
      tpu.enqueue_indirect_dma source(%dma_start3A_147 : memref<10112x64xbf16, #tpu.memory_space<hbm>>) target(%arg16 : memref<128x64xbf16, #tpu.memory_space<vmem>>) offsets(%dma_start3A_144 : memref<128xi32, #tpu.memory_space<vmem>>) semaphore(%arg26 : memref<!tpu.dma_semaphore, #tpu.memory_space<semaphore_mem>>)
      %mul3A_148 = arith.constant 8 : i32
      %mul3A_149 = arith.muli %mul3A_148, %scan3A_77 : i32
      %add3A_150 = arith.constant 7 : i32
      %add3A_151 = arith.addi %mul3A_149, %add3A_150 : i32
      %dma_start3A_152 = arith.constant 0 : i32
      %dma_start3A_153 = tpu.memref_slice %arg8[%add3A_151, %dma_start3A_152] : memref<80x128xi32, #tpu.memory_space<vmem>> -> memref<1x128xi32, #tpu.memory_space<vmem>>
      %dma_start3A_154 = tpu.memref_squeeze %dma_start3A_153 : memref<1x128xi32, #tpu.memory_space<vmem>> -> memref<128xi32, #tpu.memory_space<vmem>>
      %dma_start3A_155 = arith.constant 0 : i32
      %dma_start3A_156 = arith.constant 0 : i32
      %dma_start3A_157 = tpu.memref_slice %arg2[%dma_start3A_155, %dma_start3A_156] : memref<10112x64xbf16, #tpu.memory_space<hbm>> -> memref<10112x64xbf16, #tpu.memory_space<hbm>>
      tpu.enqueue_indirect_dma source(%dma_start3A_157 : memref<10112x64xbf16, #tpu.memory_space<hbm>>) target(%arg17 : memref<128x64xbf16, #tpu.memory_space<vmem>>) offsets(%dma_start3A_154 : memref<128xi32, #tpu.memory_space<vmem>>) semaphore(%arg27 : memref<!tpu.dma_semaphore, #tpu.memory_space<semaphore_mem>>)
      %dma_wait3A = arith.constant 0 : i32
      %dma_wait3A_158 = tpu.memref_slice %arg8[%add3A_82, %dma_wait3A] : memref<80x128xi32, #tpu.memory_space<vmem>> -> memref<1x128xi32, #tpu.memory_space<vmem>>
      %dma_wait3A_159 = tpu.memref_squeeze %dma_wait3A_158 : memref<1x128xi32, #tpu.memory_space<vmem>> -> memref<128xi32, #tpu.memory_space<vmem>>
      %dma_wait3A_160 = arith.constant 0 : i32
      %dma_wait3A_161 = arith.constant 0 : i32
      %dma_wait3A_162 = tpu.memref_slice %arg2[%dma_wait3A_160, %dma_wait3A_161] : memref<10112x64xbf16, #tpu.memory_space<hbm>> -> memref<10112x64xbf16, #tpu.memory_space<hbm>>
      tpu.wait_indirect_dma semaphore(%arg20 : memref<!tpu.dma_semaphore, #tpu.memory_space<semaphore_mem>>) src(%dma_wait3A_162 : memref<10112x64xbf16, #tpu.memory_space<hbm>>) dst(%arg10 : memref<128x64xbf16, #tpu.memory_space<vmem>>)
      %mul3A_163 = arith.constant 8 : i32
      %mul3A_164 = arith.muli %mul3A_163, %scan3A_77 : i32
      %add3A_165 = arith.constant 0 : i32
      %add3A_166 = arith.addi %mul3A_164, %add3A_165 : i32
      %dma_start3A_167 = arith.constant 0 : i32
      %dma_start3A_168 = tpu.memref_slice %arg9[%add3A_166, %dma_start3A_167] : memref<80x128xi32, #tpu.memory_space<vmem>> -> memref<1x128xi32, #tpu.memory_space<vmem>>
      %dma_start3A_169 = tpu.memref_squeeze %dma_start3A_168 : memref<1x128xi32, #tpu.memory_space<vmem>> -> memref<128xi32, #tpu.memory_space<vmem>>
      %dma_start3A_170 = arith.constant 0 : i32
      %dma_start3A_171 = arith.constant 0 : i32
      %dma_start3A_172 = tpu.memref_slice %arg19[%dma_start3A_170, %dma_start3A_171] : memref<10112x64xbf16, #tpu.memory_space<vmem_shared>> -> memref<10112x64xbf16, #tpu.memory_space<vmem_shared>>
      tpu.enqueue_indirect_dma source(%arg10 : memref<128x64xbf16, #tpu.memory_space<vmem>>) target(%dma_start3A_172 : memref<10112x64xbf16, #tpu.memory_space<vmem_shared>>) offsets(%dma_start3A_169 : memref<128xi32, #tpu.memory_space<vmem>>) semaphore(%arg28 : memref<!tpu.dma_semaphore, #tpu.memory_space<semaphore_mem>>) {add = true}
      %dma_wait3A_173 = arith.constant 0 : i32
      %dma_wait3A_174 = tpu.memref_slice %arg8[%add3A_91, %dma_wait3A_173] : memref<80x128xi32, #tpu.memory_space<vmem>> -> memref<1x128xi32, #tpu.memory_space<vmem>>
      %dma_wait3A_175 = tpu.memref_squeeze %dma_wait3A_174 : memref<1x128xi32, #tpu.memory_space<vmem>> -> memref<128xi32, #tpu.memory_space<vmem>>
      %dma_wait3A_176 = arith.constant 0 : i32
      %dma_wait3A_177 = arith.constant 0 : i32
      %dma_wait3A_178 = tpu.memref_slice %arg2[%dma_wait3A_176, %dma_wait3A_177] : memref<10112x64xbf16, #tpu.memory_space<hbm>> -> memref<10112x64xbf16, #tpu.memory_space<hbm>>
      tpu.wait_indirect_dma semaphore(%arg21 : memref<!tpu.dma_semaphore, #tpu.memory_space<semaphore_mem>>) src(%dma_wait3A_178 : memref<10112x64xbf16, #tpu.memory_space<hbm>>) dst(%arg11 : memref<128x64xbf16, #tpu.memory_space<vmem>>)
      %mul3A_179 = arith.constant 8 : i32
      %mul3A_180 = arith.muli %mul3A_179, %scan3A_77 : i32
      %add3A_181 = arith.constant 1 : i32
      %add3A_182 = arith.addi %mul3A_180, %add3A_181 : i32
      %dma_start3A_183 = arith.constant 0 : i32
      %dma_start3A_184 = tpu.memref_slice %arg9[%add3A_182, %dma_start3A_183] : memref<80x128xi32, #tpu.memory_space<vmem>> -> memref<1x128xi32, #tpu.memory_space<vmem>>
      %dma_start3A_185 = tpu.memref_squeeze %dma_start3A_184 : memref<1x128xi32, #tpu.memory_space<vmem>> -> memref<128xi32, #tpu.memory_space<vmem>>
      %dma_start3A_186 = arith.constant 0 : i32
      %dma_start3A_187 = arith.constant 0 : i32
      %dma_start3A_188 = tpu.memref_slice %arg19[%dma_start3A_186, %dma_start3A_187] : memref<10112x64xbf16, #tpu.memory_space<vmem_shared>> -> memref<10112x64xbf16, #tpu.memory_space<vmem_shared>>
      tpu.enqueue_indirect_dma source(%arg11 : memref<128x64xbf16, #tpu.memory_space<vmem>>) target(%dma_start3A_188 : memref<10112x64xbf16, #tpu.memory_space<vmem_shared>>) offsets(%dma_start3A_185 : memref<128xi32, #tpu.memory_space<vmem>>) semaphore(%arg29 : memref<!tpu.dma_semaphore, #tpu.memory_space<semaphore_mem>>) {add = true}
      %dma_wait3A_189 = arith.constant 0 : i32
      %dma_wait3A_190 = tpu.memref_slice %arg8[%add3A_101, %dma_wait3A_189] : memref<80x128xi32, #tpu.memory_space<vmem>> -> memref<1x128xi32, #tpu.memory_space<vmem>>
      %dma_wait3A_191 = tpu.memref_squeeze %dma_wait3A_190 : memref<1x128xi32, #tpu.memory_space<vmem>> -> memref<128xi32, #tpu.memory_space<vmem>>
      %dma_wait3A_192 = arith.constant 0 : i32
      %dma_wait3A_193 = arith.constant 0 : i32
      %dma_wait3A_194 = tpu.memref_slice %arg2[%dma_wait3A_192, %dma_wait3A_193] : memref<10112x64xbf16, #tpu.memory_space<hbm>> -> memref<10112x64xbf16, #tpu.memory_space<hbm>>
      tpu.wait_indirect_dma semaphore(%arg22 : memref<!tpu.dma_semaphore, #tpu.memory_space<semaphore_mem>>) src(%dma_wait3A_194 : memref<10112x64xbf16, #tpu.memory_space<hbm>>) dst(%arg12 : memref<128x64xbf16, #tpu.memory_space<vmem>>)
      %mul3A_195 = arith.constant 8 : i32
      %mul3A_196 = arith.muli %mul3A_195, %scan3A_77 : i32
      %add3A_197 = arith.constant 2 : i32
      %add3A_198 = arith.addi %mul3A_196, %add3A_197 : i32
      %dma_start3A_199 = arith.constant 0 : i32
      %dma_start3A_200 = tpu.memref_slice %arg9[%add3A_198, %dma_start3A_199] : memref<80x128xi32, #tpu.memory_space<vmem>> -> memref<1x128xi32, #tpu.memory_space<vmem>>
      %dma_start3A_201 = tpu.memref_squeeze %dma_start3A_200 : memref<1x128xi32, #tpu.memory_space<vmem>> -> memref<128xi32, #tpu.memory_space<vmem>>
      %dma_start3A_202 = arith.constant 0 : i32
      %dma_start3A_203 = arith.constant 0 : i32
      %dma_start3A_204 = tpu.memref_slice %arg19[%dma_start3A_202, %dma_start3A_203] : memref<10112x64xbf16, #tpu.memory_space<vmem_shared>> -> memref<10112x64xbf16, #tpu.memory_space<vmem_shared>>
      tpu.enqueue_indirect_dma source(%arg12 : memref<128x64xbf16, #tpu.memory_space<vmem>>) target(%dma_start3A_204 : memref<10112x64xbf16, #tpu.memory_space<vmem_shared>>) offsets(%dma_start3A_201 : memref<128xi32, #tpu.memory_space<vmem>>) semaphore(%arg30 : memref<!tpu.dma_semaphore, #tpu.memory_space<semaphore_mem>>) {add = true}
      %dma_wait3A_205 = arith.constant 0 : i32
      %dma_wait3A_206 = tpu.memref_slice %arg8[%add3A_111, %dma_wait3A_205] : memref<80x128xi32, #tpu.memory_space<vmem>> -> memref<1x128xi32, #tpu.memory_space<vmem>>
      %dma_wait3A_207 = tpu.memref_squeeze %dma_wait3A_206 : memref<1x128xi32, #tpu.memory_space<vmem>> -> memref<128xi32, #tpu.memory_space<vmem>>
      %dma_wait3A_208 = arith.constant 0 : i32
      %dma_wait3A_209 = arith.constant 0 : i32
      %dma_wait3A_210 = tpu.memref_slice %arg2[%dma_wait3A_208, %dma_wait3A_209] : memref<10112x64xbf16, #tpu.memory_space<hbm>> -> memref<10112x64xbf16, #tpu.memory_space<hbm>>
      tpu.wait_indirect_dma semaphore(%arg23 : memref<!tpu.dma_semaphore, #tpu.memory_space<semaphore_mem>>) src(%dma_wait3A_210 : memref<10112x64xbf16, #tpu.memory_space<hbm>>) dst(%arg13 : memref<128x64xbf16, #tpu.memory_space<vmem>>)
      %mul3A_211 = arith.constant 8 : i32
      %mul3A_212 = arith.muli %mul3A_211, %scan3A_77 : i32
      %add3A_213 = arith.constant 3 : i32
      %add3A_214 = arith.addi %mul3A_212, %add3A_213 : i32
      %dma_start3A_215 = arith.constant 0 : i32
      %dma_start3A_216 = tpu.memref_slice %arg9[%add3A_214, %dma_start3A_215] : memref<80x128xi32, #tpu.memory_space<vmem>> -> memref<1x128xi32, #tpu.memory_space<vmem>>
      %dma_start3A_217 = tpu.memref_squeeze %dma_start3A_216 : memref<1x128xi32, #tpu.memory_space<vmem>> -> memref<128xi32, #tpu.memory_space<vmem>>
      %dma_start3A_218 = arith.constant 0 : i32
      %dma_start3A_219 = arith.constant 0 : i32
      %dma_start3A_220 = tpu.memref_slice %arg19[%dma_start3A_218, %dma_start3A_219] : memref<10112x64xbf16, #tpu.memory_space<vmem_shared>> -> memref<10112x64xbf16, #tpu.memory_space<vmem_shared>>
      tpu.enqueue_indirect_dma source(%arg13 : memref<128x64xbf16, #tpu.memory_space<vmem>>) target(%dma_start3A_220 : memref<10112x64xbf16, #tpu.memory_space<vmem_shared>>) offsets(%dma_start3A_217 : memref<128xi32, #tpu.memory_space<vmem>>) semaphore(%arg31 : memref<!tpu.dma_semaphore, #tpu.memory_space<semaphore_mem>>) {add = true}
      %dma_wait3A_221 = arith.constant 0 : i32
      %dma_wait3A_222 = tpu.memref_slice %arg8[%add3A_121, %dma_wait3A_221] : memref<80x128xi32, #tpu.memory_space<vmem>> -> memref<1x128xi32, #tpu.memory_space<vmem>>
      %dma_wait3A_223 = tpu.memref_squeeze %dma_wait3A_222 : memref<1x128xi32, #tpu.memory_space<vmem>> -> memref<128xi32, #tpu.memory_space<vmem>>
      %dma_wait3A_224 = arith.constant 0 : i32
      %dma_wait3A_225 = arith.constant 0 : i32
      %dma_wait3A_226 = tpu.memref_slice %arg2[%dma_wait3A_224, %dma_wait3A_225] : memref<10112x64xbf16, #tpu.memory_space<hbm>> -> memref<10112x64xbf16, #tpu.memory_space<hbm>>
      tpu.wait_indirect_dma semaphore(%arg24 : memref<!tpu.dma_semaphore, #tpu.memory_space<semaphore_mem>>) src(%dma_wait3A_226 : memref<10112x64xbf16, #tpu.memory_space<hbm>>) dst(%arg14 : memref<128x64xbf16, #tpu.memory_space<vmem>>)
      %mul3A_227 = arith.constant 8 : i32
      %mul3A_228 = arith.muli %mul3A_227, %scan3A_77 : i32
      %add3A_229 = arith.constant 4 : i32
      %add3A_230 = arith.addi %mul3A_228, %add3A_229 : i32
      %dma_start3A_231 = arith.constant 0 : i32
      %dma_start3A_232 = tpu.memref_slice %arg9[%add3A_230, %dma_start3A_231] : memref<80x128xi32, #tpu.memory_space<vmem>> -> memref<1x128xi32, #tpu.memory_space<vmem>>
      %dma_start3A_233 = tpu.memref_squeeze %dma_start3A_232 : memref<1x128xi32, #tpu.memory_space<vmem>> -> memref<128xi32, #tpu.memory_space<vmem>>
      %dma_start3A_234 = arith.constant 0 : i32
      %dma_start3A_235 = arith.constant 0 : i32
      %dma_start3A_236 = tpu.memref_slice %arg19[%dma_start3A_234, %dma_start3A_235] : memref<10112x64xbf16, #tpu.memory_space<vmem_shared>> -> memref<10112x64xbf16, #tpu.memory_space<vmem_shared>>
      tpu.enqueue_indirect_dma source(%arg14 : memref<128x64xbf16, #tpu.memory_space<vmem>>) target(%dma_start3A_236 : memref<10112x64xbf16, #tpu.memory_space<vmem_shared>>) offsets(%dma_start3A_233 : memref<128xi32, #tpu.memory_space<vmem>>) semaphore(%arg32 : memref<!tpu.dma_semaphore, #tpu.memory_space<semaphore_mem>>) {add = true}
      %dma_wait3A_237 = arith.constant 0 : i32
      %dma_wait3A_238 = tpu.memref_slice %arg8[%add3A_131, %dma_wait3A_237] : memref<80x128xi32, #tpu.memory_space<vmem>> -> memref<1x128xi32, #tpu.memory_space<vmem>>
      %dma_wait3A_239 = tpu.memref_squeeze %dma_wait3A_238 : memref<1x128xi32, #tpu.memory_space<vmem>> -> memref<128xi32, #tpu.memory_space<vmem>>
      %dma_wait3A_240 = arith.constant 0 : i32
      %dma_wait3A_241 = arith.constant 0 : i32
      %dma_wait3A_242 = tpu.memref_slice %arg2[%dma_wait3A_240, %dma_wait3A_241] : memref<10112x64xbf16, #tpu.memory_space<hbm>> -> memref<10112x64xbf16, #tpu.memory_space<hbm>>
      tpu.wait_indirect_dma semaphore(%arg25 : memref<!tpu.dma_semaphore, #tpu.memory_space<semaphore_mem>>) src(%dma_wait3A_242 : memref<10112x64xbf16, #tpu.memory_space<hbm>>) dst(%arg15 : memref<128x64xbf16, #tpu.memory_space<vmem>>)
      %mul3A_243 = arith.constant 8 : i32
      %mul3A_244 = arith.muli %mul3A_243, %scan3A_77 : i32
      %add3A_245 = arith.constant 5 : i32
      %add3A_246 = arith.addi %mul3A_244, %add3A_245 : i32
      %dma_start3A_247 = arith.constant 0 : i32
      %dma_start3A_248 = tpu.memref_slice %arg9[%add3A_246, %dma_start3A_247] : memref<80x128xi32, #tpu.memory_space<vmem>> -> memref<1x128xi32, #tpu.memory_space<vmem>>
      %dma_start3A_249 = tpu.memref_squeeze %dma_start3A_248 : memref<1x128xi32, #tpu.memory_space<vmem>> -> memref<128xi32, #tpu.memory_space<vmem>>
      %dma_start3A_250 = arith.constant 0 : i32
      %dma_start3A_251 = arith.constant 0 : i32
      %dma_start3A_252 = tpu.memref_slice %arg19[%dma_start3A_250, %dma_start3A_251] : memref<10112x64xbf16, #tpu.memory_space<vmem_shared>> -> memref<10112x64xbf16, #tpu.memory_space<vmem_shared>>
      tpu.enqueue_indirect_dma source(%arg15 : memref<128x64xbf16, #tpu.memory_space<vmem>>) target(%dma_start3A_252 : memref<10112x64xbf16, #tpu.memory_space<vmem_shared>>) offsets(%dma_start3A_249 : memref<128xi32, #tpu.memory_space<vmem>>) semaphore(%arg33 : memref<!tpu.dma_semaphore, #tpu.memory_space<semaphore_mem>>) {add = true}
      %dma_wait3A_253 = arith.constant 0 : i32
      %dma_wait3A_254 = tpu.memref_slice %arg8[%add3A_141, %dma_wait3A_253] : memref<80x128xi32, #tpu.memory_space<vmem>> -> memref<1x128xi32, #tpu.memory_space<vmem>>
      %dma_wait3A_255 = tpu.memref_squeeze %dma_wait3A_254 : memref<1x128xi32, #tpu.memory_space<vmem>> -> memref<128xi32, #tpu.memory_space<vmem>>
      %dma_wait3A_256 = arith.constant 0 : i32
      %dma_wait3A_257 = arith.constant 0 : i32
      %dma_wait3A_258 = tpu.memref_slice %arg2[%dma_wait3A_256, %dma_wait3A_257] : memref<10112x64xbf16, #tpu.memory_space<hbm>> -> memref<10112x64xbf16, #tpu.memory_space<hbm>>
      tpu.wait_indirect_dma semaphore(%arg26 : memref<!tpu.dma_semaphore, #tpu.memory_space<semaphore_mem>>) src(%dma_wait3A_258 : memref<10112x64xbf16, #tpu.memory_space<hbm>>) dst(%arg16 : memref<128x64xbf16, #tpu.memory_space<vmem>>)
      %mul3A_259 = arith.constant 8 : i32
      %mul3A_260 = arith.muli %mul3A_259, %scan3A_77 : i32
      %add3A_261 = arith.constant 6 : i32
      %add3A_262 = arith.addi %mul3A_260, %add3A_261 : i32
      %dma_start3A_263 = arith.constant 0 : i32
      %dma_start3A_264 = tpu.memref_slice %arg9[%add3A_262, %dma_start3A_263] : memref<80x128xi32, #tpu.memory_space<vmem>> -> memref<1x128xi32, #tpu.memory_space<vmem>>
      %dma_start3A_265 = tpu.memref_squeeze %dma_start3A_264 : memref<1x128xi32, #tpu.memory_space<vmem>> -> memref<128xi32, #tpu.memory_space<vmem>>
      %dma_start3A_266 = arith.constant 0 : i32
      %dma_start3A_267 = arith.constant 0 : i32
      %dma_start3A_268 = tpu.memref_slice %arg19[%dma_start3A_266, %dma_start3A_267] : memref<10112x64xbf16, #tpu.memory_space<vmem_shared>> -> memref<10112x64xbf16, #tpu.memory_space<vmem_shared>>
      tpu.enqueue_indirect_dma source(%arg16 : memref<128x64xbf16, #tpu.memory_space<vmem>>) target(%dma_start3A_268 : memref<10112x64xbf16, #tpu.memory_space<vmem_shared>>) offsets(%dma_start3A_265 : memref<128xi32, #tpu.memory_space<vmem>>) semaphore(%arg34 : memref<!tpu.dma_semaphore, #tpu.memory_space<semaphore_mem>>) {add = true}
      %dma_wait3A_269 = arith.constant 0 : i32
      %dma_wait3A_270 = tpu.memref_slice %arg8[%add3A_151, %dma_wait3A_269] : memref<80x128xi32, #tpu.memory_space<vmem>> -> memref<1x128xi32, #tpu.memory_space<vmem>>
      %dma_wait3A_271 = tpu.memref_squeeze %dma_wait3A_270 : memref<1x128xi32, #tpu.memory_space<vmem>> -> memref<128xi32, #tpu.memory_space<vmem>>
      %dma_wait3A_272 = arith.constant 0 : i32
      %dma_wait3A_273 = arith.constant 0 : i32
      %dma_wait3A_274 = tpu.memref_slice %arg2[%dma_wait3A_272, %dma_wait3A_273] : memref<10112x64xbf16, #tpu.memory_space<hbm>> -> memref<10112x64xbf16, #tpu.memory_space<hbm>>
      tpu.wait_indirect_dma semaphore(%arg27 : memref<!tpu.dma_semaphore, #tpu.memory_space<semaphore_mem>>) src(%dma_wait3A_274 : memref<10112x64xbf16, #tpu.memory_space<hbm>>) dst(%arg17 : memref<128x64xbf16, #tpu.memory_space<vmem>>)
      %mul3A_275 = arith.constant 8 : i32
      %mul3A_276 = arith.muli %mul3A_275, %scan3A_77 : i32
      %add3A_277 = arith.constant 7 : i32
      %add3A_278 = arith.addi %mul3A_276, %add3A_277 : i32
      %dma_start3A_279 = arith.constant 0 : i32
      %dma_start3A_280 = tpu.memref_slice %arg9[%add3A_278, %dma_start3A_279] : memref<80x128xi32, #tpu.memory_space<vmem>> -> memref<1x128xi32, #tpu.memory_space<vmem>>
      %dma_start3A_281 = tpu.memref_squeeze %dma_start3A_280 : memref<1x128xi32, #tpu.memory_space<vmem>> -> memref<128xi32, #tpu.memory_space<vmem>>
      %dma_start3A_282 = arith.constant 0 : i32
      %dma_start3A_283 = arith.constant 0 : i32
      %dma_start3A_284 = tpu.memref_slice %arg19[%dma_start3A_282, %dma_start3A_283] : memref<10112x64xbf16, #tpu.memory_space<vmem_shared>> -> memref<10112x64xbf16, #tpu.memory_space<vmem_shared>>
      tpu.enqueue_indirect_dma source(%arg17 : memref<128x64xbf16, #tpu.memory_space<vmem>>) target(%dma_start3A_284 : memref<10112x64xbf16, #tpu.memory_space<vmem_shared>>) offsets(%dma_start3A_281 : memref<128xi32, #tpu.memory_space<vmem>>) semaphore(%arg35 : memref<!tpu.dma_semaphore, #tpu.memory_space<semaphore_mem>>) {add = true}
      %dma_wait3A_285 = arith.constant 0 : i32
      %dma_wait3A_286 = tpu.memref_slice %arg9[%add3A_166, %dma_wait3A_285] : memref<80x128xi32, #tpu.memory_space<vmem>> -> memref<1x128xi32, #tpu.memory_space<vmem>>
      %dma_wait3A_287 = tpu.memref_squeeze %dma_wait3A_286 : memref<1x128xi32, #tpu.memory_space<vmem>> -> memref<128xi32, #tpu.memory_space<vmem>>
      %dma_wait3A_288 = arith.constant 0 : i32
      %dma_wait3A_289 = arith.constant 0 : i32
      %dma_wait3A_290 = tpu.memref_slice %arg19[%dma_wait3A_288, %dma_wait3A_289] : memref<10112x64xbf16, #tpu.memory_space<vmem_shared>> -> memref<10112x64xbf16, #tpu.memory_space<vmem_shared>>
      tpu.wait_indirect_dma semaphore(%arg28 : memref<!tpu.dma_semaphore, #tpu.memory_space<semaphore_mem>>) src(%arg10 : memref<128x64xbf16, #tpu.memory_space<vmem>>) dst(%dma_wait3A_290 : memref<10112x64xbf16, #tpu.memory_space<vmem_shared>>)
      %dma_wait3A_291 = arith.constant 0 : i32
      %dma_wait3A_292 = tpu.memref_slice %arg9[%add3A_182, %dma_wait3A_291] : memref<80x128xi32, #tpu.memory_space<vmem>> -> memref<1x128xi32, #tpu.memory_space<vmem>>
      %dma_wait3A_293 = tpu.memref_squeeze %dma_wait3A_292 : memref<1x128xi32, #tpu.memory_space<vmem>> -> memref<128xi32, #tpu.memory_space<vmem>>
      %dma_wait3A_294 = arith.constant 0 : i32
      %dma_wait3A_295 = arith.constant 0 : i32
      %dma_wait3A_296 = tpu.memref_slice %arg19[%dma_wait3A_294, %dma_wait3A_295] : memref<10112x64xbf16, #tpu.memory_space<vmem_shared>> -> memref<10112x64xbf16, #tpu.memory_space<vmem_shared>>
      tpu.wait_indirect_dma semaphore(%arg29 : memref<!tpu.dma_semaphore, #tpu.memory_space<semaphore_mem>>) src(%arg11 : memref<128x64xbf16, #tpu.memory_space<vmem>>) dst(%dma_wait3A_296 : memref<10112x64xbf16, #tpu.memory_space<vmem_shared>>)
      %dma_wait3A_297 = arith.constant 0 : i32
      %dma_wait3A_298 = tpu.memref_slice %arg9[%add3A_198, %dma_wait3A_297] : memref<80x128xi32, #tpu.memory_space<vmem>> -> memref<1x128xi32, #tpu.memory_space<vmem>>
      %dma_wait3A_299 = tpu.memref_squeeze %dma_wait3A_298 : memref<1x128xi32, #tpu.memory_space<vmem>> -> memref<128xi32, #tpu.memory_space<vmem>>
      %dma_wait3A_300 = arith.constant 0 : i32
      %dma_wait3A_301 = arith.constant 0 : i32
      %dma_wait3A_302 = tpu.memref_slice %arg19[%dma_wait3A_300, %dma_wait3A_301] : memref<10112x64xbf16, #tpu.memory_space<vmem_shared>> -> memref<10112x64xbf16, #tpu.memory_space<vmem_shared>>
      tpu.wait_indirect_dma semaphore(%arg30 : memref<!tpu.dma_semaphore, #tpu.memory_space<semaphore_mem>>) src(%arg12 : memref<128x64xbf16, #tpu.memory_space<vmem>>) dst(%dma_wait3A_302 : memref<10112x64xbf16, #tpu.memory_space<vmem_shared>>)
      %dma_wait3A_303 = arith.constant 0 : i32
      %dma_wait3A_304 = tpu.memref_slice %arg9[%add3A_214, %dma_wait3A_303] : memref<80x128xi32, #tpu.memory_space<vmem>> -> memref<1x128xi32, #tpu.memory_space<vmem>>
      %dma_wait3A_305 = tpu.memref_squeeze %dma_wait3A_304 : memref<1x128xi32, #tpu.memory_space<vmem>> -> memref<128xi32, #tpu.memory_space<vmem>>
      %dma_wait3A_306 = arith.constant 0 : i32
      %dma_wait3A_307 = arith.constant 0 : i32
      %dma_wait3A_308 = tpu.memref_slice %arg19[%dma_wait3A_306, %dma_wait3A_307] : memref<10112x64xbf16, #tpu.memory_space<vmem_shared>> -> memref<10112x64xbf16, #tpu.memory_space<vmem_shared>>
      tpu.wait_indirect_dma semaphore(%arg31 : memref<!tpu.dma_semaphore, #tpu.memory_space<semaphore_mem>>) src(%arg13 : memref<128x64xbf16, #tpu.memory_space<vmem>>) dst(%dma_wait3A_308 : memref<10112x64xbf16, #tpu.memory_space<vmem_shared>>)
      %dma_wait3A_309 = arith.constant 0 : i32
      %dma_wait3A_310 = tpu.memref_slice %arg9[%add3A_230, %dma_wait3A_309] : memref<80x128xi32, #tpu.memory_space<vmem>> -> memref<1x128xi32, #tpu.memory_space<vmem>>
      %dma_wait3A_311 = tpu.memref_squeeze %dma_wait3A_310 : memref<1x128xi32, #tpu.memory_space<vmem>> -> memref<128xi32, #tpu.memory_space<vmem>>
      %dma_wait3A_312 = arith.constant 0 : i32
      %dma_wait3A_313 = arith.constant 0 : i32
      %dma_wait3A_314 = tpu.memref_slice %arg19[%dma_wait3A_312, %dma_wait3A_313] : memref<10112x64xbf16, #tpu.memory_space<vmem_shared>> -> memref<10112x64xbf16, #tpu.memory_space<vmem_shared>>
      tpu.wait_indirect_dma semaphore(%arg32 : memref<!tpu.dma_semaphore, #tpu.memory_space<semaphore_mem>>) src(%arg14 : memref<128x64xbf16, #tpu.memory_space<vmem>>) dst(%dma_wait3A_314 : memref<10112x64xbf16, #tpu.memory_space<vmem_shared>>)
      %dma_wait3A_315 = arith.constant 0 : i32
      %dma_wait3A_316 = tpu.memref_slice %arg9[%add3A_246, %dma_wait3A_315] : memref<80x128xi32, #tpu.memory_space<vmem>> -> memref<1x128xi32, #tpu.memory_space<vmem>>
      %dma_wait3A_317 = tpu.memref_squeeze %dma_wait3A_316 : memref<1x128xi32, #tpu.memory_space<vmem>> -> memref<128xi32, #tpu.memory_space<vmem>>
      %dma_wait3A_318 = arith.constant 0 : i32
      %dma_wait3A_319 = arith.constant 0 : i32
      %dma_wait3A_320 = tpu.memref_slice %arg19[%dma_wait3A_318, %dma_wait3A_319] : memref<10112x64xbf16, #tpu.memory_space<vmem_shared>> -> memref<10112x64xbf16, #tpu.memory_space<vmem_shared>>
      tpu.wait_indirect_dma semaphore(%arg33 : memref<!tpu.dma_semaphore, #tpu.memory_space<semaphore_mem>>) src(%arg15 : memref<128x64xbf16, #tpu.memory_space<vmem>>) dst(%dma_wait3A_320 : memref<10112x64xbf16, #tpu.memory_space<vmem_shared>>)
      %dma_wait3A_321 = arith.constant 0 : i32
      %dma_wait3A_322 = tpu.memref_slice %arg9[%add3A_262, %dma_wait3A_321] : memref<80x128xi32, #tpu.memory_space<vmem>> -> memref<1x128xi32, #tpu.memory_space<vmem>>
      %dma_wait3A_323 = tpu.memref_squeeze %dma_wait3A_322 : memref<1x128xi32, #tpu.memory_space<vmem>> -> memref<128xi32, #tpu.memory_space<vmem>>
      %dma_wait3A_324 = arith.constant 0 : i32
      %dma_wait3A_325 = arith.constant 0 : i32
      %dma_wait3A_326 = tpu.memref_slice %arg19[%dma_wait3A_324, %dma_wait3A_325] : memref<10112x64xbf16, #tpu.memory_space<vmem_shared>> -> memref<10112x64xbf16, #tpu.memory_space<vmem_shared>>
      tpu.wait_indirect_dma semaphore(%arg34 : memref<!tpu.dma_semaphore, #tpu.memory_space<semaphore_mem>>) src(%arg16 : memref<128x64xbf16, #tpu.memory_space<vmem>>) dst(%dma_wait3A_326 : memref<10112x64xbf16, #tpu.memory_space<vmem_shared>>)
      %dma_wait3A_327 = arith.constant 0 : i32
      %dma_wait3A_328 = tpu.memref_slice %arg9[%add3A_278, %dma_wait3A_327] : memref<80x128xi32, #tpu.memory_space<vmem>> -> memref<1x128xi32, #tpu.memory_space<vmem>>
      %dma_wait3A_329 = tpu.memref_squeeze %dma_wait3A_328 : memref<1x128xi32, #tpu.memory_space<vmem>> -> memref<128xi32, #tpu.memory_space<vmem>>
      %dma_wait3A_330 = arith.constant 0 : i32
      %dma_wait3A_331 = arith.constant 0 : i32
      %dma_wait3A_332 = tpu.memref_slice %arg19[%dma_wait3A_330, %dma_wait3A_331] : memref<10112x64xbf16, #tpu.memory_space<vmem_shared>> -> memref<10112x64xbf16, #tpu.memory_space<vmem_shared>>
      tpu.wait_indirect_dma semaphore(%arg35 : memref<!tpu.dma_semaphore, #tpu.memory_space<semaphore_mem>>) src(%arg17 : memref<128x64xbf16, #tpu.memory_space<vmem>>) dst(%dma_wait3A_332 : memref<10112x64xbf16, #tpu.memory_space<vmem_shared>>)
      %scan3A_333 = arith.constant 0 : i32
      scf.yield %scan3A_333 : i32
    }
    %scan3A_34 = arith.constant 10 : i32
    %barrier3A_35 = arith.constant 0 : index
    tpu.barrier barrier_id(%barrier3A_35)
    %mul3A_36 = arith.constant 632 : i32
    %mul3A_37 = arith.muli %arg1, %mul3A_36 : i32
    %mul3A_38 = arith.constant 10112 : i32
    %mul3A_39 = arith.muli %arg0, %mul3A_38 : i32
    %mul3A_40 = arith.constant 632 : i32
    %mul3A_41 = arith.muli %arg1, %mul3A_40 : i32
    %add3A_42 = arith.addi %mul3A_39, %mul3A_41 : i32
    "tpu.region"() ({
      %run_scoped3A = tpu.sem_alloc : memref<!tpu.dma_semaphore, #tpu.memory_space<semaphore_mem>>
      %dma_start3A = arith.constant 0 : i32
      %dma_start3A_77 = tpu.memref_slice %arg6[%add3A_42, %dma_start3A] : memref<20224x64xbf16, #tpu.memory_space<hbm>> -> memref<632x64xbf16, #tpu.memory_space<hbm>>
      %dma_start3A_78 = arith.constant 0 : i32
      %dma_start3A_79 = tpu.memref_slice %arg19[%mul3A_37, %dma_start3A_78] : memref<10112x64xbf16, #tpu.memory_space<vmem_shared>> -> memref<632x64xbf16, #tpu.memory_space<vmem_shared>>
      tpu.enqueue_dma source(%dma_start3A_79 : memref<632x64xbf16, #tpu.memory_space<vmem_shared>>) target(%dma_start3A_77 : memref<632x64xbf16, #tpu.memory_space<hbm>>) target_semaphore(%run_scoped3A : memref<!tpu.dma_semaphore, #tpu.memory_space<semaphore_mem>>)
      %dma_wait3A = arith.constant 0 : i32
      %dma_wait3A_80 = tpu.memref_slice %arg6[%add3A_42, %dma_wait3A] : memref<20224x64xbf16, #tpu.memory_space<hbm>> -> memref<632x64xbf16, #tpu.memory_space<hbm>>
      %dma_wait3A_81 = arith.constant 0 : i32
      %dma_wait3A_82 = tpu.memref_slice %arg19[%mul3A_37, %dma_wait3A_81] : memref<10112x64xbf16, #tpu.memory_space<vmem_shared>> -> memref<632x64xbf16, #tpu.memory_space<vmem_shared>>
      tpu.wait_dma2 semaphore(%run_scoped3A : memref<!tpu.dma_semaphore, #tpu.memory_space<semaphore_mem>>) src(%dma_wait3A_82 : memref<632x64xbf16, #tpu.memory_space<vmem_shared>>) dst(%dma_wait3A_80 : memref<632x64xbf16, #tpu.memory_space<hbm>>)
      tpu.yield
    }) : () -> ()
    %barrier3A_43 = arith.constant 0 : index
    tpu.barrier barrier_id(%barrier3A_43)
    %mul3A_44 = arith.constant 632 : i32
    %mul3A_45 = arith.muli %arg1, %mul3A_44 : i32
    %add3A_46 = arith.constant 0 : i32
    %add3A_47 = arith.addi %mul3A_45, %add3A_46 : i32
    "tpu.region"() ({
      %run_scoped3A = tpu.sem_alloc : memref<!tpu.dma_semaphore, #tpu.memory_space<semaphore_mem>>
      %dma_start3A = arith.constant 0 : i32
      %dma_start3A_77 = tpu.memref_slice %arg19[%add3A_47, %dma_start3A] : memref<10112x64xbf16, #tpu.memory_space<vmem_shared>> -> memref<158x64xbf16, #tpu.memory_space<vmem_shared>>
      %dma_start3A_78 = arith.constant 0 : i32
      %dma_start3A_79 = tpu.memref_slice %arg19[%add3A_47, %dma_start3A_78] : memref<10112x64xbf16, #tpu.memory_space<vmem_shared>> -> memref<158x64xbf16, #tpu.memory_space<vmem_shared>>
      tpu.enqueue_dma source(%arg18 : memref<158x64xbf16, #tpu.memory_space<vmem>>) target(%dma_start3A_79 : memref<158x64xbf16, #tpu.memory_space<vmem_shared>>) target_semaphore(%run_scoped3A : memref<!tpu.dma_semaphore, #tpu.memory_space<semaphore_mem>>)
      %dma_wait3A = arith.constant 0 : i32
      %dma_wait3A_80 = tpu.memref_slice %arg19[%add3A_47, %dma_wait3A] : memref<10112x64xbf16, #tpu.memory_space<vmem_shared>> -> memref<158x64xbf16, #tpu.memory_space<vmem_shared>>
      %dma_wait3A_81 = arith.constant 0 : i32
      %dma_wait3A_82 = tpu.memref_slice %arg19[%add3A_47, %dma_wait3A_81] : memref<10112x64xbf16, #tpu.memory_space<vmem_shared>> -> memref<158x64xbf16, #tpu.memory_space<vmem_shared>>
      tpu.wait_dma2 semaphore(%run_scoped3A : memref<!tpu.dma_semaphore, #tpu.memory_space<semaphore_mem>>) src(%arg18 : memref<158x64xbf16, #tpu.memory_space<vmem>>) dst(%dma_wait3A_82 : memref<158x64xbf16, #tpu.memory_space<vmem_shared>>)
      tpu.yield
    }) : () -> ()
    %mul3A_48 = arith.constant 632 : i32
    %mul3A_49 = arith.muli %arg1, %mul3A_48 : i32
    %add3A_50 = arith.constant 158 : i32
    %add3A_51 = arith.addi %mul3A_49, %add3A_50 : i32
    "tpu.region"() ({
      %run_scoped3A = tpu.sem_alloc : memref<!tpu.dma_semaphore, #tpu.memory_space<semaphore_mem>>
      %dma_start3A = arith.constant 0 : i32
      %dma_start3A_77 = tpu.memref_slice %arg19[%add3A_51, %dma_start3A] : memref<10112x64xbf16, #tpu.memory_space<vmem_shared>> -> memref<158x64xbf16, #tpu.memory_space<vmem_shared>>
      %dma_start3A_78 = arith.constant 0 : i32
      %dma_start3A_79 = tpu.memref_slice %arg19[%add3A_51, %dma_start3A_78] : memref<10112x64xbf16, #tpu.memory_space<vmem_shared>> -> memref<158x64xbf16, #tpu.memory_space<vmem_shared>>
      tpu.enqueue_dma source(%arg18 : memref<158x64xbf16, #tpu.memory_space<vmem>>) target(%dma_start3A_79 : memref<158x64xbf16, #tpu.memory_space<vmem_shared>>) target_semaphore(%run_scoped3A : memref<!tpu.dma_semaphore, #tpu.memory_space<semaphore_mem>>)
      %dma_wait3A = arith.constant 0 : i32
      %dma_wait3A_80 = tpu.memref_slice %arg19[%add3A_51, %dma_wait3A] : memref<10112x64xbf16, #tpu.memory_space<vmem_shared>> -> memref<158x64xbf16, #tpu.memory_space<vmem_shared>>
      %dma_wait3A_81 = arith.constant 0 : i32
      %dma_wait3A_82 = tpu.memref_slice %arg19[%add3A_51, %dma_wait3A_81] : memref<10112x64xbf16, #tpu.memory_space<vmem_shared>> -> memref<158x64xbf16, #tpu.memory_space<vmem_shared>>
      tpu.wait_dma2 semaphore(%run_scoped3A : memref<!tpu.dma_semaphore, #tpu.memory_space<semaphore_mem>>) src(%arg18 : memref<158x64xbf16, #tpu.memory_space<vmem>>) dst(%dma_wait3A_82 : memref<158x64xbf16, #tpu.memory_space<vmem_shared>>)
      tpu.yield
    }) : () -> ()
    %mul3A_52 = arith.constant 632 : i32
    %mul3A_53 = arith.muli %arg1, %mul3A_52 : i32
    %add3A_54 = arith.constant 316 : i32
    %add3A_55 = arith.addi %mul3A_53, %add3A_54 : i32
    "tpu.region"() ({
      %run_scoped3A = tpu.sem_alloc : memref<!tpu.dma_semaphore, #tpu.memory_space<semaphore_mem>>
      %dma_start3A = arith.constant 0 : i32
      %dma_start3A_77 = tpu.memref_slice %arg19[%add3A_55, %dma_start3A] : memref<10112x64xbf16, #tpu.memory_space<vmem_shared>> -> memref<158x64xbf16, #tpu.memory_space<vmem_shared>>
      %dma_start3A_78 = arith.constant 0 : i32
      %dma_start3A_79 = tpu.memref_slice %arg19[%add3A_55, %dma_start3A_78] : memref<10112x64xbf16, #tpu.memory_space<vmem_shared>> -> memref<158x64xbf16, #tpu.memory_space<vmem_shared>>
      tpu.enqueue_dma source(%arg18 : memref<158x64xbf16, #tpu.memory_space<vmem>>) target(%dma_start3A_79 : memref<158x64xbf16, #tpu.memory_space<vmem_shared>>) target_semaphore(%run_scoped3A : memref<!tpu.dma_semaphore, #tpu.memory_space<semaphore_mem>>)
      %dma_wait3A = arith.constant 0 : i32
      %dma_wait3A_80 = tpu.memref_slice %arg19[%add3A_55, %dma_wait3A] : memref<10112x64xbf16, #tpu.memory_space<vmem_shared>> -> memref<158x64xbf16, #tpu.memory_space<vmem_shared>>
      %dma_wait3A_81 = arith.constant 0 : i32
      %dma_wait3A_82 = tpu.memref_slice %arg19[%add3A_55, %dma_wait3A_81] : memref<10112x64xbf16, #tpu.memory_space<vmem_shared>> -> memref<158x64xbf16, #tpu.memory_space<vmem_shared>>
      tpu.wait_dma2 semaphore(%run_scoped3A : memref<!tpu.dma_semaphore, #tpu.memory_space<semaphore_mem>>) src(%arg18 : memref<158x64xbf16, #tpu.memory_space<vmem>>) dst(%dma_wait3A_82 : memref<158x64xbf16, #tpu.memory_space<vmem_shared>>)
      tpu.yield
    }) : () -> ()
    %mul3A_56 = arith.constant 632 : i32
    %mul3A_57 = arith.muli %arg1, %mul3A_56 : i32
    %add3A_58 = arith.constant 474 : i32
    %add3A_59 = arith.addi %mul3A_57, %add3A_58 : i32
    "tpu.region"() ({
      %run_scoped3A = tpu.sem_alloc : memref<!tpu.dma_semaphore, #tpu.memory_space<semaphore_mem>>
      %dma_start3A = arith.constant 0 : i32
      %dma_start3A_77 = tpu.memref_slice %arg19[%add3A_59, %dma_start3A] : memref<10112x64xbf16, #tpu.memory_space<vmem_shared>> -> memref<158x64xbf16, #tpu.memory_space<vmem_shared>>
      %dma_start3A_78 = arith.constant 0 : i32
      %dma_start3A_79 = tpu.memref_slice %arg19[%add3A_59, %dma_start3A_78] : memref<10112x64xbf16, #tpu.memory_space<vmem_shared>> -> memref<158x64xbf16, #tpu.memory_space<vmem_shared>>
      tpu.enqueue_dma source(%arg18 : memref<158x64xbf16, #tpu.memory_space<vmem>>) target(%dma_start3A_79 : memref<158x64xbf16, #tpu.memory_space<vmem_shared>>) target_semaphore(%run_scoped3A : memref<!tpu.dma_semaphore, #tpu.memory_space<semaphore_mem>>)
      %dma_wait3A = arith.constant 0 : i32
      %dma_wait3A_80 = tpu.memref_slice %arg19[%add3A_59, %dma_wait3A] : memref<10112x64xbf16, #tpu.memory_space<vmem_shared>> -> memref<158x64xbf16, #tpu.memory_space<vmem_shared>>
      %dma_wait3A_81 = arith.constant 0 : i32
      %dma_wait3A_82 = tpu.memref_slice %arg19[%add3A_59, %dma_wait3A_81] : memref<10112x64xbf16, #tpu.memory_space<vmem_shared>> -> memref<158x64xbf16, #tpu.memory_space<vmem_shared>>
      tpu.wait_dma2 semaphore(%run_scoped3A : memref<!tpu.dma_semaphore, #tpu.memory_space<semaphore_mem>>) src(%arg18 : memref<158x64xbf16, #tpu.memory_space<vmem>>) dst(%dma_wait3A_82 : memref<158x64xbf16, #tpu.memory_space<vmem_shared>>)
      tpu.yield
    }) : () -> ()
    %barrier3A_60 = arith.constant 0 : index
    tpu.barrier barrier_id(%barrier3A_60)
    %scan3A_61 = arith.constant 0 : i32
    %scan3A_62 = arith.constant 0 : i32
    %scan3A_63 = arith.constant 10 : i32
    %scan3A_64 = arith.addi %scan3A_62, %scan3A_63 : i32
    %scan3A_65 = arith.constant 1 : i32
    %scan3A_66 = scf.for %scan3A_77 = %scan3A_62 to %scan3A_64 step %scan3A_65 iter_args(%scan3A_78 = %scan3A_61) -> (i32)  : i32 {
      %mul3A_79 = arith.constant 8 : i32
      %mul3A_80 = arith.muli %mul3A_79, %scan3A_77 : i32
      %add3A_81 = arith.constant 0 : i32
      %add3A_82 = arith.addi %mul3A_80, %add3A_81 : i32
      %dma_start3A = arith.constant 0 : i32
      %dma_start3A_83 = tpu.memref_slice %arg8[%add3A_82, %dma_start3A] : memref<80x128xi32, #tpu.memory_space<vmem>> -> memref<1x128xi32, #tpu.memory_space<vmem>>
      %dma_start3A_84 = tpu.memref_squeeze %dma_start3A_83 : memref<1x128xi32, #tpu.memory_space<vmem>> -> memref<128xi32, #tpu.memory_space<vmem>>
      %dma_start3A_85 = arith.constant 0 : i32
      %dma_start3A_86 = arith.constant 0 : i32
      %dma_start3A_87 = tpu.memref_slice %arg3[%dma_start3A_85, %dma_start3A_86] : memref<10112x64xbf16, #tpu.memory_space<hbm>> -> memref<10112x64xbf16, #tpu.memory_space<hbm>>
      tpu.enqueue_indirect_dma source(%dma_start3A_87 : memref<10112x64xbf16, #tpu.memory_space<hbm>>) target(%arg10 : memref<128x64xbf16, #tpu.memory_space<vmem>>) offsets(%dma_start3A_84 : memref<128xi32, #tpu.memory_space<vmem>>) semaphore(%arg20 : memref<!tpu.dma_semaphore, #tpu.memory_space<semaphore_mem>>)
      %mul3A_88 = arith.constant 8 : i32
      %mul3A_89 = arith.muli %mul3A_88, %scan3A_77 : i32
      %add3A_90 = arith.constant 1 : i32
      %add3A_91 = arith.addi %mul3A_89, %add3A_90 : i32
      %dma_start3A_92 = arith.constant 0 : i32
      %dma_start3A_93 = tpu.memref_slice %arg8[%add3A_91, %dma_start3A_92] : memref<80x128xi32, #tpu.memory_space<vmem>> -> memref<1x128xi32, #tpu.memory_space<vmem>>
      %dma_start3A_94 = tpu.memref_squeeze %dma_start3A_93 : memref<1x128xi32, #tpu.memory_space<vmem>> -> memref<128xi32, #tpu.memory_space<vmem>>
      %dma_start3A_95 = arith.constant 0 : i32
      %dma_start3A_96 = arith.constant 0 : i32
      %dma_start3A_97 = tpu.memref_slice %arg3[%dma_start3A_95, %dma_start3A_96] : memref<10112x64xbf16, #tpu.memory_space<hbm>> -> memref<10112x64xbf16, #tpu.memory_space<hbm>>
      tpu.enqueue_indirect_dma source(%dma_start3A_97 : memref<10112x64xbf16, #tpu.memory_space<hbm>>) target(%arg11 : memref<128x64xbf16, #tpu.memory_space<vmem>>) offsets(%dma_start3A_94 : memref<128xi32, #tpu.memory_space<vmem>>) semaphore(%arg21 : memref<!tpu.dma_semaphore, #tpu.memory_space<semaphore_mem>>)
      %mul3A_98 = arith.constant 8 : i32
      %mul3A_99 = arith.muli %mul3A_98, %scan3A_77 : i32
      %add3A_100 = arith.constant 2 : i32
      %add3A_101 = arith.addi %mul3A_99, %add3A_100 : i32
      %dma_start3A_102 = arith.constant 0 : i32
      %dma_start3A_103 = tpu.memref_slice %arg8[%add3A_101, %dma_start3A_102] : memref<80x128xi32, #tpu.memory_space<vmem>> -> memref<1x128xi32, #tpu.memory_space<vmem>>
      %dma_start3A_104 = tpu.memref_squeeze %dma_start3A_103 : memref<1x128xi32, #tpu.memory_space<vmem>> -> memref<128xi32, #tpu.memory_space<vmem>>
      %dma_start3A_105 = arith.constant 0 : i32
      %dma_start3A_106 = arith.constant 0 : i32
      %dma_start3A_107 = tpu.memref_slice %arg3[%dma_start3A_105, %dma_start3A_106] : memref<10112x64xbf16, #tpu.memory_space<hbm>> -> memref<10112x64xbf16, #tpu.memory_space<hbm>>
      tpu.enqueue_indirect_dma source(%dma_start3A_107 : memref<10112x64xbf16, #tpu.memory_space<hbm>>) target(%arg12 : memref<128x64xbf16, #tpu.memory_space<vmem>>) offsets(%dma_start3A_104 : memref<128xi32, #tpu.memory_space<vmem>>) semaphore(%arg22 : memref<!tpu.dma_semaphore, #tpu.memory_space<semaphore_mem>>)
      %mul3A_108 = arith.constant 8 : i32
      %mul3A_109 = arith.muli %mul3A_108, %scan3A_77 : i32
      %add3A_110 = arith.constant 3 : i32
      %add3A_111 = arith.addi %mul3A_109, %add3A_110 : i32
      %dma_start3A_112 = arith.constant 0 : i32
      %dma_start3A_113 = tpu.memref_slice %arg8[%add3A_111, %dma_start3A_112] : memref<80x128xi32, #tpu.memory_space<vmem>> -> memref<1x128xi32, #tpu.memory_space<vmem>>
      %dma_start3A_114 = tpu.memref_squeeze %dma_start3A_113 : memref<1x128xi32, #tpu.memory_space<vmem>> -> memref<128xi32, #tpu.memory_space<vmem>>
      %dma_start3A_115 = arith.constant 0 : i32
      %dma_start3A_116 = arith.constant 0 : i32
      %dma_start3A_117 = tpu.memref_slice %arg3[%dma_start3A_115, %dma_start3A_116] : memref<10112x64xbf16, #tpu.memory_space<hbm>> -> memref<10112x64xbf16, #tpu.memory_space<hbm>>
      tpu.enqueue_indirect_dma source(%dma_start3A_117 : memref<10112x64xbf16, #tpu.memory_space<hbm>>) target(%arg13 : memref<128x64xbf16, #tpu.memory_space<vmem>>) offsets(%dma_start3A_114 : memref<128xi32, #tpu.memory_space<vmem>>) semaphore(%arg23 : memref<!tpu.dma_semaphore, #tpu.memory_space<semaphore_mem>>)
      %mul3A_118 = arith.constant 8 : i32
      %mul3A_119 = arith.muli %mul3A_118, %scan3A_77 : i32
      %add3A_120 = arith.constant 4 : i32
      %add3A_121 = arith.addi %mul3A_119, %add3A_120 : i32
      %dma_start3A_122 = arith.constant 0 : i32
      %dma_start3A_123 = tpu.memref_slice %arg8[%add3A_121, %dma_start3A_122] : memref<80x128xi32, #tpu.memory_space<vmem>> -> memref<1x128xi32, #tpu.memory_space<vmem>>
      %dma_start3A_124 = tpu.memref_squeeze %dma_start3A_123 : memref<1x128xi32, #tpu.memory_space<vmem>> -> memref<128xi32, #tpu.memory_space<vmem>>
      %dma_start3A_125 = arith.constant 0 : i32
      %dma_start3A_126 = arith.constant 0 : i32
      %dma_start3A_127 = tpu.memref_slice %arg3[%dma_start3A_125, %dma_start3A_126] : memref<10112x64xbf16, #tpu.memory_space<hbm>> -> memref<10112x64xbf16, #tpu.memory_space<hbm>>
      tpu.enqueue_indirect_dma source(%dma_start3A_127 : memref<10112x64xbf16, #tpu.memory_space<hbm>>) target(%arg14 : memref<128x64xbf16, #tpu.memory_space<vmem>>) offsets(%dma_start3A_124 : memref<128xi32, #tpu.memory_space<vmem>>) semaphore(%arg24 : memref<!tpu.dma_semaphore, #tpu.memory_space<semaphore_mem>>)
      %mul3A_128 = arith.constant 8 : i32
      %mul3A_129 = arith.muli %mul3A_128, %scan3A_77 : i32
      %add3A_130 = arith.constant 5 : i32
      %add3A_131 = arith.addi %mul3A_129, %add3A_130 : i32
      %dma_start3A_132 = arith.constant 0 : i32
      %dma_start3A_133 = tpu.memref_slice %arg8[%add3A_131, %dma_start3A_132] : memref<80x128xi32, #tpu.memory_space<vmem>> -> memref<1x128xi32, #tpu.memory_space<vmem>>
      %dma_start3A_134 = tpu.memref_squeeze %dma_start3A_133 : memref<1x128xi32, #tpu.memory_space<vmem>> -> memref<128xi32, #tpu.memory_space<vmem>>
      %dma_start3A_135 = arith.constant 0 : i32
      %dma_start3A_136 = arith.constant 0 : i32
      %dma_start3A_137 = tpu.memref_slice %arg3[%dma_start3A_135, %dma_start3A_136] : memref<10112x64xbf16, #tpu.memory_space<hbm>> -> memref<10112x64xbf16, #tpu.memory_space<hbm>>
      tpu.enqueue_indirect_dma source(%dma_start3A_137 : memref<10112x64xbf16, #tpu.memory_space<hbm>>) target(%arg15 : memref<128x64xbf16, #tpu.memory_space<vmem>>) offsets(%dma_start3A_134 : memref<128xi32, #tpu.memory_space<vmem>>) semaphore(%arg25 : memref<!tpu.dma_semaphore, #tpu.memory_space<semaphore_mem>>)
      %mul3A_138 = arith.constant 8 : i32
      %mul3A_139 = arith.muli %mul3A_138, %scan3A_77 : i32
      %add3A_140 = arith.constant 6 : i32
      %add3A_141 = arith.addi %mul3A_139, %add3A_140 : i32
      %dma_start3A_142 = arith.constant 0 : i32
      %dma_start3A_143 = tpu.memref_slice %arg8[%add3A_141, %dma_start3A_142] : memref<80x128xi32, #tpu.memory_space<vmem>> -> memref<1x128xi32, #tpu.memory_space<vmem>>
      %dma_start3A_144 = tpu.memref_squeeze %dma_start3A_143 : memref<1x128xi32, #tpu.memory_space<vmem>> -> memref<128xi32, #tpu.memory_space<vmem>>
      %dma_start3A_145 = arith.constant 0 : i32
      %dma_start3A_146 = arith.constant 0 : i32
      %dma_start3A_147 = tpu.memref_slice %arg3[%dma_start3A_145, %dma_start3A_146] : memref<10112x64xbf16, #tpu.memory_space<hbm>> -> memref<10112x64xbf16, #tpu.memory_space<hbm>>
      tpu.enqueue_indirect_dma source(%dma_start3A_147 : memref<10112x64xbf16, #tpu.memory_space<hbm>>) target(%arg16 : memref<128x64xbf16, #tpu.memory_space<vmem>>) offsets(%dma_start3A_144 : memref<128xi32, #tpu.memory_space<vmem>>) semaphore(%arg26 : memref<!tpu.dma_semaphore, #tpu.memory_space<semaphore_mem>>)
      %mul3A_148 = arith.constant 8 : i32
      %mul3A_149 = arith.muli %mul3A_148, %scan3A_77 : i32
      %add3A_150 = arith.constant 7 : i32
      %add3A_151 = arith.addi %mul3A_149, %add3A_150 : i32
      %dma_start3A_152 = arith.constant 0 : i32
      %dma_start3A_153 = tpu.memref_slice %arg8[%add3A_151, %dma_start3A_152] : memref<80x128xi32, #tpu.memory_space<vmem>> -> memref<1x128xi32, #tpu.memory_space<vmem>>
      %dma_start3A_154 = tpu.memref_squeeze %dma_start3A_153 : memref<1x128xi32, #tpu.memory_space<vmem>> -> memref<128xi32, #tpu.memory_space<vmem>>
      %dma_start3A_155 = arith.constant 0 : i32
      %dma_start3A_156 = arith.constant 0 : i32
      %dma_start3A_157 = tpu.memref_slice %arg3[%dma_start3A_155, %dma_start3A_156] : memref<10112x64xbf16, #tpu.memory_space<hbm>> -> memref<10112x64xbf16, #tpu.memory_space<hbm>>
      tpu.enqueue_indirect_dma source(%dma_start3A_157 : memref<10112x64xbf16, #tpu.memory_space<hbm>>) target(%arg17 : memref<128x64xbf16, #tpu.memory_space<vmem>>) offsets(%dma_start3A_154 : memref<128xi32, #tpu.memory_space<vmem>>) semaphore(%arg27 : memref<!tpu.dma_semaphore, #tpu.memory_space<semaphore_mem>>)
      %dma_wait3A = arith.constant 0 : i32
      %dma_wait3A_158 = tpu.memref_slice %arg8[%add3A_82, %dma_wait3A] : memref<80x128xi32, #tpu.memory_space<vmem>> -> memref<1x128xi32, #tpu.memory_space<vmem>>
      %dma_wait3A_159 = tpu.memref_squeeze %dma_wait3A_158 : memref<1x128xi32, #tpu.memory_space<vmem>> -> memref<128xi32, #tpu.memory_space<vmem>>
      %dma_wait3A_160 = arith.constant 0 : i32
      %dma_wait3A_161 = arith.constant 0 : i32
      %dma_wait3A_162 = tpu.memref_slice %arg3[%dma_wait3A_160, %dma_wait3A_161] : memref<10112x64xbf16, #tpu.memory_space<hbm>> -> memref<10112x64xbf16, #tpu.memory_space<hbm>>
      tpu.wait_indirect_dma semaphore(%arg20 : memref<!tpu.dma_semaphore, #tpu.memory_space<semaphore_mem>>) src(%dma_wait3A_162 : memref<10112x64xbf16, #tpu.memory_space<hbm>>) dst(%arg10 : memref<128x64xbf16, #tpu.memory_space<vmem>>)
      %mul3A_163 = arith.constant 8 : i32
      %mul3A_164 = arith.muli %mul3A_163, %scan3A_77 : i32
      %add3A_165 = arith.constant 0 : i32
      %add3A_166 = arith.addi %mul3A_164, %add3A_165 : i32
      %dma_start3A_167 = arith.constant 0 : i32
      %dma_start3A_168 = tpu.memref_slice %arg9[%add3A_166, %dma_start3A_167] : memref<80x128xi32, #tpu.memory_space<vmem>> -> memref<1x128xi32, #tpu.memory_space<vmem>>
      %dma_start3A_169 = tpu.memref_squeeze %dma_start3A_168 : memref<1x128xi32, #tpu.memory_space<vmem>> -> memref<128xi32, #tpu.memory_space<vmem>>
      %dma_start3A_170 = arith.constant 0 : i32
      %dma_start3A_171 = arith.constant 0 : i32
      %dma_start3A_172 = tpu.memref_slice %arg19[%dma_start3A_170, %dma_start3A_171] : memref<10112x64xbf16, #tpu.memory_space<vmem_shared>> -> memref<10112x64xbf16, #tpu.memory_space<vmem_shared>>
      tpu.enqueue_indirect_dma source(%arg10 : memref<128x64xbf16, #tpu.memory_space<vmem>>) target(%dma_start3A_172 : memref<10112x64xbf16, #tpu.memory_space<vmem_shared>>) offsets(%dma_start3A_169 : memref<128xi32, #tpu.memory_space<vmem>>) semaphore(%arg28 : memref<!tpu.dma_semaphore, #tpu.memory_space<semaphore_mem>>) {add = true}
      %dma_wait3A_173 = arith.constant 0 : i32
      %dma_wait3A_174 = tpu.memref_slice %arg8[%add3A_91, %dma_wait3A_173] : memref<80x128xi32, #tpu.memory_space<vmem>> -> memref<1x128xi32, #tpu.memory_space<vmem>>
      %dma_wait3A_175 = tpu.memref_squeeze %dma_wait3A_174 : memref<1x128xi32, #tpu.memory_space<vmem>> -> memref<128xi32, #tpu.memory_space<vmem>>
      %dma_wait3A_176 = arith.constant 0 : i32
      %dma_wait3A_177 = arith.constant 0 : i32
      %dma_wait3A_178 = tpu.memref_slice %arg3[%dma_wait3A_176, %dma_wait3A_177] : memref<10112x64xbf16, #tpu.memory_space<hbm>> -> memref<10112x64xbf16, #tpu.memory_space<hbm>>
      tpu.wait_indirect_dma semaphore(%arg21 : memref<!tpu.dma_semaphore, #tpu.memory_space<semaphore_mem>>) src(%dma_wait3A_178 : memref<10112x64xbf16, #tpu.memory_space<hbm>>) dst(%arg11 : memref<128x64xbf16, #tpu.memory_space<vmem>>)
      %mul3A_179 = arith.constant 8 : i32
      %mul3A_180 = arith.muli %mul3A_179, %scan3A_77 : i32
      %add3A_181 = arith.constant 1 : i32
      %add3A_182 = arith.addi %mul3A_180, %add3A_181 : i32
      %dma_start3A_183 = arith.constant 0 : i32
      %dma_start3A_184 = tpu.memref_slice %arg9[%add3A_182, %dma_start3A_183] : memref<80x128xi32, #tpu.memory_space<vmem>> -> memref<1x128xi32, #tpu.memory_space<vmem>>
      %dma_start3A_185 = tpu.memref_squeeze %dma_start3A_184 : memref<1x128xi32, #tpu.memory_space<vmem>> -> memref<128xi32, #tpu.memory_space<vmem>>
      %dma_start3A_186 = arith.constant 0 : i32
      %dma_start3A_187 = arith.constant 0 : i32
      %dma_start3A_188 = tpu.memref_slice %arg19[%dma_start3A_186, %dma_start3A_187] : memref<10112x64xbf16, #tpu.memory_space<vmem_shared>> -> memref<10112x64xbf16, #tpu.memory_space<vmem_shared>>
      tpu.enqueue_indirect_dma source(%arg11 : memref<128x64xbf16, #tpu.memory_space<vmem>>) target(%dma_start3A_188 : memref<10112x64xbf16, #tpu.memory_space<vmem_shared>>) offsets(%dma_start3A_185 : memref<128xi32, #tpu.memory_space<vmem>>) semaphore(%arg29 : memref<!tpu.dma_semaphore, #tpu.memory_space<semaphore_mem>>) {add = true}
      %dma_wait3A_189 = arith.constant 0 : i32
      %dma_wait3A_190 = tpu.memref_slice %arg8[%add3A_101, %dma_wait3A_189] : memref<80x128xi32, #tpu.memory_space<vmem>> -> memref<1x128xi32, #tpu.memory_space<vmem>>
      %dma_wait3A_191 = tpu.memref_squeeze %dma_wait3A_190 : memref<1x128xi32, #tpu.memory_space<vmem>> -> memref<128xi32, #tpu.memory_space<vmem>>
      %dma_wait3A_192 = arith.constant 0 : i32
      %dma_wait3A_193 = arith.constant 0 : i32
      %dma_wait3A_194 = tpu.memref_slice %arg3[%dma_wait3A_192, %dma_wait3A_193] : memref<10112x64xbf16, #tpu.memory_space<hbm>> -> memref<10112x64xbf16, #tpu.memory_space<hbm>>
      tpu.wait_indirect_dma semaphore(%arg22 : memref<!tpu.dma_semaphore, #tpu.memory_space<semaphore_mem>>) src(%dma_wait3A_194 : memref<10112x64xbf16, #tpu.memory_space<hbm>>) dst(%arg12 : memref<128x64xbf16, #tpu.memory_space<vmem>>)
      %mul3A_195 = arith.constant 8 : i32
      %mul3A_196 = arith.muli %mul3A_195, %scan3A_77 : i32
      %add3A_197 = arith.constant 2 : i32
      %add3A_198 = arith.addi %mul3A_196, %add3A_197 : i32
      %dma_start3A_199 = arith.constant 0 : i32
      %dma_start3A_200 = tpu.memref_slice %arg9[%add3A_198, %dma_start3A_199] : memref<80x128xi32, #tpu.memory_space<vmem>> -> memref<1x128xi32, #tpu.memory_space<vmem>>
      %dma_start3A_201 = tpu.memref_squeeze %dma_start3A_200 : memref<1x128xi32, #tpu.memory_space<vmem>> -> memref<128xi32, #tpu.memory_space<vmem>>
      %dma_start3A_202 = arith.constant 0 : i32
      %dma_start3A_203 = arith.constant 0 : i32
      %dma_start3A_204 = tpu.memref_slice %arg19[%dma_start3A_202, %dma_start3A_203] : memref<10112x64xbf16, #tpu.memory_space<vmem_shared>> -> memref<10112x64xbf16, #tpu.memory_space<vmem_shared>>
      tpu.enqueue_indirect_dma source(%arg12 : memref<128x64xbf16, #tpu.memory_space<vmem>>) target(%dma_start3A_204 : memref<10112x64xbf16, #tpu.memory_space<vmem_shared>>) offsets(%dma_start3A_201 : memref<128xi32, #tpu.memory_space<vmem>>) semaphore(%arg30 : memref<!tpu.dma_semaphore, #tpu.memory_space<semaphore_mem>>) {add = true}
      %dma_wait3A_205 = arith.constant 0 : i32
      %dma_wait3A_206 = tpu.memref_slice %arg8[%add3A_111, %dma_wait3A_205] : memref<80x128xi32, #tpu.memory_space<vmem>> -> memref<1x128xi32, #tpu.memory_space<vmem>>
      %dma_wait3A_207 = tpu.memref_squeeze %dma_wait3A_206 : memref<1x128xi32, #tpu.memory_space<vmem>> -> memref<128xi32, #tpu.memory_space<vmem>>
      %dma_wait3A_208 = arith.constant 0 : i32
      %dma_wait3A_209 = arith.constant 0 : i32
      %dma_wait3A_210 = tpu.memref_slice %arg3[%dma_wait3A_208, %dma_wait3A_209] : memref<10112x64xbf16, #tpu.memory_space<hbm>> -> memref<10112x64xbf16, #tpu.memory_space<hbm>>
      tpu.wait_indirect_dma semaphore(%arg23 : memref<!tpu.dma_semaphore, #tpu.memory_space<semaphore_mem>>) src(%dma_wait3A_210 : memref<10112x64xbf16, #tpu.memory_space<hbm>>) dst(%arg13 : memref<128x64xbf16, #tpu.memory_space<vmem>>)
      %mul3A_211 = arith.constant 8 : i32
      %mul3A_212 = arith.muli %mul3A_211, %scan3A_77 : i32
      %add3A_213 = arith.constant 3 : i32
      %add3A_214 = arith.addi %mul3A_212, %add3A_213 : i32
      %dma_start3A_215 = arith.constant 0 : i32
      %dma_start3A_216 = tpu.memref_slice %arg9[%add3A_214, %dma_start3A_215] : memref<80x128xi32, #tpu.memory_space<vmem>> -> memref<1x128xi32, #tpu.memory_space<vmem>>
      %dma_start3A_217 = tpu.memref_squeeze %dma_start3A_216 : memref<1x128xi32, #tpu.memory_space<vmem>> -> memref<128xi32, #tpu.memory_space<vmem>>
      %dma_start3A_218 = arith.constant 0 : i32
      %dma_start3A_219 = arith.constant 0 : i32
      %dma_start3A_220 = tpu.memref_slice %arg19[%dma_start3A_218, %dma_start3A_219] : memref<10112x64xbf16, #tpu.memory_space<vmem_shared>> -> memref<10112x64xbf16, #tpu.memory_space<vmem_shared>>
      tpu.enqueue_indirect_dma source(%arg13 : memref<128x64xbf16, #tpu.memory_space<vmem>>) target(%dma_start3A_220 : memref<10112x64xbf16, #tpu.memory_space<vmem_shared>>) offsets(%dma_start3A_217 : memref<128xi32, #tpu.memory_space<vmem>>) semaphore(%arg31 : memref<!tpu.dma_semaphore, #tpu.memory_space<semaphore_mem>>) {add = true}
      %dma_wait3A_221 = arith.constant 0 : i32
      %dma_wait3A_222 = tpu.memref_slice %arg8[%add3A_121, %dma_wait3A_221] : memref<80x128xi32, #tpu.memory_space<vmem>> -> memref<1x128xi32, #tpu.memory_space<vmem>>
      %dma_wait3A_223 = tpu.memref_squeeze %dma_wait3A_222 : memref<1x128xi32, #tpu.memory_space<vmem>> -> memref<128xi32, #tpu.memory_space<vmem>>
      %dma_wait3A_224 = arith.constant 0 : i32
      %dma_wait3A_225 = arith.constant 0 : i32
      %dma_wait3A_226 = tpu.memref_slice %arg3[%dma_wait3A_224, %dma_wait3A_225] : memref<10112x64xbf16, #tpu.memory_space<hbm>> -> memref<10112x64xbf16, #tpu.memory_space<hbm>>
      tpu.wait_indirect_dma semaphore(%arg24 : memref<!tpu.dma_semaphore, #tpu.memory_space<semaphore_mem>>) src(%dma_wait3A_226 : memref<10112x64xbf16, #tpu.memory_space<hbm>>) dst(%arg14 : memref<128x64xbf16, #tpu.memory_space<vmem>>)
      %mul3A_227 = arith.constant 8 : i32
      %mul3A_228 = arith.muli %mul3A_227, %scan3A_77 : i32
      %add3A_229 = arith.constant 4 : i32
      %add3A_230 = arith.addi %mul3A_228, %add3A_229 : i32
      %dma_start3A_231 = arith.constant 0 : i32
      %dma_start3A_232 = tpu.memref_slice %arg9[%add3A_230, %dma_start3A_231] : memref<80x128xi32, #tpu.memory_space<vmem>> -> memref<1x128xi32, #tpu.memory_space<vmem>>
      %dma_start3A_233 = tpu.memref_squeeze %dma_start3A_232 : memref<1x128xi32, #tpu.memory_space<vmem>> -> memref<128xi32, #tpu.memory_space<vmem>>
      %dma_start3A_234 = arith.constant 0 : i32
      %dma_start3A_235 = arith.constant 0 : i32
      %dma_start3A_236 = tpu.memref_slice %arg19[%dma_start3A_234, %dma_start3A_235] : memref<10112x64xbf16, #tpu.memory_space<vmem_shared>> -> memref<10112x64xbf16, #tpu.memory_space<vmem_shared>>
      tpu.enqueue_indirect_dma source(%arg14 : memref<128x64xbf16, #tpu.memory_space<vmem>>) target(%dma_start3A_236 : memref<10112x64xbf16, #tpu.memory_space<vmem_shared>>) offsets(%dma_start3A_233 : memref<128xi32, #tpu.memory_space<vmem>>) semaphore(%arg32 : memref<!tpu.dma_semaphore, #tpu.memory_space<semaphore_mem>>) {add = true}
      %dma_wait3A_237 = arith.constant 0 : i32
      %dma_wait3A_238 = tpu.memref_slice %arg8[%add3A_131, %dma_wait3A_237] : memref<80x128xi32, #tpu.memory_space<vmem>> -> memref<1x128xi32, #tpu.memory_space<vmem>>
      %dma_wait3A_239 = tpu.memref_squeeze %dma_wait3A_238 : memref<1x128xi32, #tpu.memory_space<vmem>> -> memref<128xi32, #tpu.memory_space<vmem>>
      %dma_wait3A_240 = arith.constant 0 : i32
      %dma_wait3A_241 = arith.constant 0 : i32
      %dma_wait3A_242 = tpu.memref_slice %arg3[%dma_wait3A_240, %dma_wait3A_241] : memref<10112x64xbf16, #tpu.memory_space<hbm>> -> memref<10112x64xbf16, #tpu.memory_space<hbm>>
      tpu.wait_indirect_dma semaphore(%arg25 : memref<!tpu.dma_semaphore, #tpu.memory_space<semaphore_mem>>) src(%dma_wait3A_242 : memref<10112x64xbf16, #tpu.memory_space<hbm>>) dst(%arg15 : memref<128x64xbf16, #tpu.memory_space<vmem>>)
      %mul3A_243 = arith.constant 8 : i32
      %mul3A_244 = arith.muli %mul3A_243, %scan3A_77 : i32
      %add3A_245 = arith.constant 5 : i32
      %add3A_246 = arith.addi %mul3A_244, %add3A_245 : i32
      %dma_start3A_247 = arith.constant 0 : i32
      %dma_start3A_248 = tpu.memref_slice %arg9[%add3A_246, %dma_start3A_247] : memref<80x128xi32, #tpu.memory_space<vmem>> -> memref<1x128xi32, #tpu.memory_space<vmem>>
      %dma_start3A_249 = tpu.memref_squeeze %dma_start3A_248 : memref<1x128xi32, #tpu.memory_space<vmem>> -> memref<128xi32, #tpu.memory_space<vmem>>
      %dma_start3A_250 = arith.constant 0 : i32
      %dma_start3A_251 = arith.constant 0 : i32
      %dma_start3A_252 = tpu.memref_slice %arg19[%dma_start3A_250, %dma_start3A_251] : memref<10112x64xbf16, #tpu.memory_space<vmem_shared>> -> memref<10112x64xbf16, #tpu.memory_space<vmem_shared>>
      tpu.enqueue_indirect_dma source(%arg15 : memref<128x64xbf16, #tpu.memory_space<vmem>>) target(%dma_start3A_252 : memref<10112x64xbf16, #tpu.memory_space<vmem_shared>>) offsets(%dma_start3A_249 : memref<128xi32, #tpu.memory_space<vmem>>) semaphore(%arg33 : memref<!tpu.dma_semaphore, #tpu.memory_space<semaphore_mem>>) {add = true}
      %dma_wait3A_253 = arith.constant 0 : i32
      %dma_wait3A_254 = tpu.memref_slice %arg8[%add3A_141, %dma_wait3A_253] : memref<80x128xi32, #tpu.memory_space<vmem>> -> memref<1x128xi32, #tpu.memory_space<vmem>>
      %dma_wait3A_255 = tpu.memref_squeeze %dma_wait3A_254 : memref<1x128xi32, #tpu.memory_space<vmem>> -> memref<128xi32, #tpu.memory_space<vmem>>
      %dma_wait3A_256 = arith.constant 0 : i32
      %dma_wait3A_257 = arith.constant 0 : i32
      %dma_wait3A_258 = tpu.memref_slice %arg3[%dma_wait3A_256, %dma_wait3A_257] : memref<10112x64xbf16, #tpu.memory_space<hbm>> -> memref<10112x64xbf16, #tpu.memory_space<hbm>>
      tpu.wait_indirect_dma semaphore(%arg26 : memref<!tpu.dma_semaphore, #tpu.memory_space<semaphore_mem>>) src(%dma_wait3A_258 : memref<10112x64xbf16, #tpu.memory_space<hbm>>) dst(%arg16 : memref<128x64xbf16, #tpu.memory_space<vmem>>)
      %mul3A_259 = arith.constant 8 : i32
      %mul3A_260 = arith.muli %mul3A_259, %scan3A_77 : i32
      %add3A_261 = arith.constant 6 : i32
      %add3A_262 = arith.addi %mul3A_260, %add3A_261 : i32
      %dma_start3A_263 = arith.constant 0 : i32
      %dma_start3A_264 = tpu.memref_slice %arg9[%add3A_262, %dma_start3A_263] : memref<80x128xi32, #tpu.memory_space<vmem>> -> memref<1x128xi32, #tpu.memory_space<vmem>>
      %dma_start3A_265 = tpu.memref_squeeze %dma_start3A_264 : memref<1x128xi32, #tpu.memory_space<vmem>> -> memref<128xi32, #tpu.memory_space<vmem>>
      %dma_start3A_266 = arith.constant 0 : i32
      %dma_start3A_267 = arith.constant 0 : i32
      %dma_start3A_268 = tpu.memref_slice %arg19[%dma_start3A_266, %dma_start3A_267] : memref<10112x64xbf16, #tpu.memory_space<vmem_shared>> -> memref<10112x64xbf16, #tpu.memory_space<vmem_shared>>
      tpu.enqueue_indirect_dma source(%arg16 : memref<128x64xbf16, #tpu.memory_space<vmem>>) target(%dma_start3A_268 : memref<10112x64xbf16, #tpu.memory_space<vmem_shared>>) offsets(%dma_start3A_265 : memref<128xi32, #tpu.memory_space<vmem>>) semaphore(%arg34 : memref<!tpu.dma_semaphore, #tpu.memory_space<semaphore_mem>>) {add = true}
      %dma_wait3A_269 = arith.constant 0 : i32
      %dma_wait3A_270 = tpu.memref_slice %arg8[%add3A_151, %dma_wait3A_269] : memref<80x128xi32, #tpu.memory_space<vmem>> -> memref<1x128xi32, #tpu.memory_space<vmem>>
      %dma_wait3A_271 = tpu.memref_squeeze %dma_wait3A_270 : memref<1x128xi32, #tpu.memory_space<vmem>> -> memref<128xi32, #tpu.memory_space<vmem>>
      %dma_wait3A_272 = arith.constant 0 : i32
      %dma_wait3A_273 = arith.constant 0 : i32
      %dma_wait3A_274 = tpu.memref_slice %arg3[%dma_wait3A_272, %dma_wait3A_273] : memref<10112x64xbf16, #tpu.memory_space<hbm>> -> memref<10112x64xbf16, #tpu.memory_space<hbm>>
      tpu.wait_indirect_dma semaphore(%arg27 : memref<!tpu.dma_semaphore, #tpu.memory_space<semaphore_mem>>) src(%dma_wait3A_274 : memref<10112x64xbf16, #tpu.memory_space<hbm>>) dst(%arg17 : memref<128x64xbf16, #tpu.memory_space<vmem>>)
      %mul3A_275 = arith.constant 8 : i32
      %mul3A_276 = arith.muli %mul3A_275, %scan3A_77 : i32
      %add3A_277 = arith.constant 7 : i32
      %add3A_278 = arith.addi %mul3A_276, %add3A_277 : i32
      %dma_start3A_279 = arith.constant 0 : i32
      %dma_start3A_280 = tpu.memref_slice %arg9[%add3A_278, %dma_start3A_279] : memref<80x128xi32, #tpu.memory_space<vmem>> -> memref<1x128xi32, #tpu.memory_space<vmem>>
      %dma_start3A_281 = tpu.memref_squeeze %dma_start3A_280 : memref<1x128xi32, #tpu.memory_space<vmem>> -> memref<128xi32, #tpu.memory_space<vmem>>
      %dma_start3A_282 = arith.constant 0 : i32
      %dma_start3A_283 = arith.constant 0 : i32
      %dma_start3A_284 = tpu.memref_slice %arg19[%dma_start3A_282, %dma_start3A_283] : memref<10112x64xbf16, #tpu.memory_space<vmem_shared>> -> memref<10112x64xbf16, #tpu.memory_space<vmem_shared>>
      tpu.enqueue_indirect_dma source(%arg17 : memref<128x64xbf16, #tpu.memory_space<vmem>>) target(%dma_start3A_284 : memref<10112x64xbf16, #tpu.memory_space<vmem_shared>>) offsets(%dma_start3A_281 : memref<128xi32, #tpu.memory_space<vmem>>) semaphore(%arg35 : memref<!tpu.dma_semaphore, #tpu.memory_space<semaphore_mem>>) {add = true}
      %dma_wait3A_285 = arith.constant 0 : i32
      %dma_wait3A_286 = tpu.memref_slice %arg9[%add3A_166, %dma_wait3A_285] : memref<80x128xi32, #tpu.memory_space<vmem>> -> memref<1x128xi32, #tpu.memory_space<vmem>>
      %dma_wait3A_287 = tpu.memref_squeeze %dma_wait3A_286 : memref<1x128xi32, #tpu.memory_space<vmem>> -> memref<128xi32, #tpu.memory_space<vmem>>
      %dma_wait3A_288 = arith.constant 0 : i32
      %dma_wait3A_289 = arith.constant 0 : i32
      %dma_wait3A_290 = tpu.memref_slice %arg19[%dma_wait3A_288, %dma_wait3A_289] : memref<10112x64xbf16, #tpu.memory_space<vmem_shared>> -> memref<10112x64xbf16, #tpu.memory_space<vmem_shared>>
      tpu.wait_indirect_dma semaphore(%arg28 : memref<!tpu.dma_semaphore, #tpu.memory_space<semaphore_mem>>) src(%arg10 : memref<128x64xbf16, #tpu.memory_space<vmem>>) dst(%dma_wait3A_290 : memref<10112x64xbf16, #tpu.memory_space<vmem_shared>>)
      %dma_wait3A_291 = arith.constant 0 : i32
      %dma_wait3A_292 = tpu.memref_slice %arg9[%add3A_182, %dma_wait3A_291] : memref<80x128xi32, #tpu.memory_space<vmem>> -> memref<1x128xi32, #tpu.memory_space<vmem>>
      %dma_wait3A_293 = tpu.memref_squeeze %dma_wait3A_292 : memref<1x128xi32, #tpu.memory_space<vmem>> -> memref<128xi32, #tpu.memory_space<vmem>>
      %dma_wait3A_294 = arith.constant 0 : i32
      %dma_wait3A_295 = arith.constant 0 : i32
      %dma_wait3A_296 = tpu.memref_slice %arg19[%dma_wait3A_294, %dma_wait3A_295] : memref<10112x64xbf16, #tpu.memory_space<vmem_shared>> -> memref<10112x64xbf16, #tpu.memory_space<vmem_shared>>
      tpu.wait_indirect_dma semaphore(%arg29 : memref<!tpu.dma_semaphore, #tpu.memory_space<semaphore_mem>>) src(%arg11 : memref<128x64xbf16, #tpu.memory_space<vmem>>) dst(%dma_wait3A_296 : memref<10112x64xbf16, #tpu.memory_space<vmem_shared>>)
      %dma_wait3A_297 = arith.constant 0 : i32
      %dma_wait3A_298 = tpu.memref_slice %arg9[%add3A_198, %dma_wait3A_297] : memref<80x128xi32, #tpu.memory_space<vmem>> -> memref<1x128xi32, #tpu.memory_space<vmem>>
      %dma_wait3A_299 = tpu.memref_squeeze %dma_wait3A_298 : memref<1x128xi32, #tpu.memory_space<vmem>> -> memref<128xi32, #tpu.memory_space<vmem>>
      %dma_wait3A_300 = arith.constant 0 : i32
      %dma_wait3A_301 = arith.constant 0 : i32
      %dma_wait3A_302 = tpu.memref_slice %arg19[%dma_wait3A_300, %dma_wait3A_301] : memref<10112x64xbf16, #tpu.memory_space<vmem_shared>> -> memref<10112x64xbf16, #tpu.memory_space<vmem_shared>>
      tpu.wait_indirect_dma semaphore(%arg30 : memref<!tpu.dma_semaphore, #tpu.memory_space<semaphore_mem>>) src(%arg12 : memref<128x64xbf16, #tpu.memory_space<vmem>>) dst(%dma_wait3A_302 : memref<10112x64xbf16, #tpu.memory_space<vmem_shared>>)
      %dma_wait3A_303 = arith.constant 0 : i32
      %dma_wait3A_304 = tpu.memref_slice %arg9[%add3A_214, %dma_wait3A_303] : memref<80x128xi32, #tpu.memory_space<vmem>> -> memref<1x128xi32, #tpu.memory_space<vmem>>
      %dma_wait3A_305 = tpu.memref_squeeze %dma_wait3A_304 : memref<1x128xi32, #tpu.memory_space<vmem>> -> memref<128xi32, #tpu.memory_space<vmem>>
      %dma_wait3A_306 = arith.constant 0 : i32
      %dma_wait3A_307 = arith.constant 0 : i32
      %dma_wait3A_308 = tpu.memref_slice %arg19[%dma_wait3A_306, %dma_wait3A_307] : memref<10112x64xbf16, #tpu.memory_space<vmem_shared>> -> memref<10112x64xbf16, #tpu.memory_space<vmem_shared>>
      tpu.wait_indirect_dma semaphore(%arg31 : memref<!tpu.dma_semaphore, #tpu.memory_space<semaphore_mem>>) src(%arg13 : memref<128x64xbf16, #tpu.memory_space<vmem>>) dst(%dma_wait3A_308 : memref<10112x64xbf16, #tpu.memory_space<vmem_shared>>)
      %dma_wait3A_309 = arith.constant 0 : i32
      %dma_wait3A_310 = tpu.memref_slice %arg9[%add3A_230, %dma_wait3A_309] : memref<80x128xi32, #tpu.memory_space<vmem>> -> memref<1x128xi32, #tpu.memory_space<vmem>>
      %dma_wait3A_311 = tpu.memref_squeeze %dma_wait3A_310 : memref<1x128xi32, #tpu.memory_space<vmem>> -> memref<128xi32, #tpu.memory_space<vmem>>
      %dma_wait3A_312 = arith.constant 0 : i32
      %dma_wait3A_313 = arith.constant 0 : i32
      %dma_wait3A_314 = tpu.memref_slice %arg19[%dma_wait3A_312, %dma_wait3A_313] : memref<10112x64xbf16, #tpu.memory_space<vmem_shared>> -> memref<10112x64xbf16, #tpu.memory_space<vmem_shared>>
      tpu.wait_indirect_dma semaphore(%arg32 : memref<!tpu.dma_semaphore, #tpu.memory_space<semaphore_mem>>) src(%arg14 : memref<128x64xbf16, #tpu.memory_space<vmem>>) dst(%dma_wait3A_314 : memref<10112x64xbf16, #tpu.memory_space<vmem_shared>>)
      %dma_wait3A_315 = arith.constant 0 : i32
      %dma_wait3A_316 = tpu.memref_slice %arg9[%add3A_246, %dma_wait3A_315] : memref<80x128xi32, #tpu.memory_space<vmem>> -> memref<1x128xi32, #tpu.memory_space<vmem>>
      %dma_wait3A_317 = tpu.memref_squeeze %dma_wait3A_316 : memref<1x128xi32, #tpu.memory_space<vmem>> -> memref<128xi32, #tpu.memory_space<vmem>>
      %dma_wait3A_318 = arith.constant 0 : i32
      %dma_wait3A_319 = arith.constant 0 : i32
      %dma_wait3A_320 = tpu.memref_slice %arg19[%dma_wait3A_318, %dma_wait3A_319] : memref<10112x64xbf16, #tpu.memory_space<vmem_shared>> -> memref<10112x64xbf16, #tpu.memory_space<vmem_shared>>
      tpu.wait_indirect_dma semaphore(%arg33 : memref<!tpu.dma_semaphore, #tpu.memory_space<semaphore_mem>>) src(%arg15 : memref<128x64xbf16, #tpu.memory_space<vmem>>) dst(%dma_wait3A_320 : memref<10112x64xbf16, #tpu.memory_space<vmem_shared>>)
      %dma_wait3A_321 = arith.constant 0 : i32
      %dma_wait3A_322 = tpu.memref_slice %arg9[%add3A_262, %dma_wait3A_321] : memref<80x128xi32, #tpu.memory_space<vmem>> -> memref<1x128xi32, #tpu.memory_space<vmem>>
      %dma_wait3A_323 = tpu.memref_squeeze %dma_wait3A_322 : memref<1x128xi32, #tpu.memory_space<vmem>> -> memref<128xi32, #tpu.memory_space<vmem>>
      %dma_wait3A_324 = arith.constant 0 : i32
      %dma_wait3A_325 = arith.constant 0 : i32
      %dma_wait3A_326 = tpu.memref_slice %arg19[%dma_wait3A_324, %dma_wait3A_325] : memref<10112x64xbf16, #tpu.memory_space<vmem_shared>> -> memref<10112x64xbf16, #tpu.memory_space<vmem_shared>>
      tpu.wait_indirect_dma semaphore(%arg34 : memref<!tpu.dma_semaphore, #tpu.memory_space<semaphore_mem>>) src(%arg16 : memref<128x64xbf16, #tpu.memory_space<vmem>>) dst(%dma_wait3A_326 : memref<10112x64xbf16, #tpu.memory_space<vmem_shared>>)
      %dma_wait3A_327 = arith.constant 0 : i32
      %dma_wait3A_328 = tpu.memref_slice %arg9[%add3A_278, %dma_wait3A_327] : memref<80x128xi32, #tpu.memory_space<vmem>> -> memref<1x128xi32, #tpu.memory_space<vmem>>
      %dma_wait3A_329 = tpu.memref_squeeze %dma_wait3A_328 : memref<1x128xi32, #tpu.memory_space<vmem>> -> memref<128xi32, #tpu.memory_space<vmem>>
      %dma_wait3A_330 = arith.constant 0 : i32
      %dma_wait3A_331 = arith.constant 0 : i32
      %dma_wait3A_332 = tpu.memref_slice %arg19[%dma_wait3A_330, %dma_wait3A_331] : memref<10112x64xbf16, #tpu.memory_space<vmem_shared>> -> memref<10112x64xbf16, #tpu.memory_space<vmem_shared>>
      tpu.wait_indirect_dma semaphore(%arg35 : memref<!tpu.dma_semaphore, #tpu.memory_space<semaphore_mem>>) src(%arg17 : memref<128x64xbf16, #tpu.memory_space<vmem>>) dst(%dma_wait3A_332 : memref<10112x64xbf16, #tpu.memory_space<vmem_shared>>)
      %scan3A_333 = arith.constant 0 : i32
      scf.yield %scan3A_333 : i32
    }
    %scan3A_67 = arith.constant 10 : i32
    %barrier3A_68 = arith.constant 0 : index
    tpu.barrier barrier_id(%barrier3A_68)
    %mul3A_69 = arith.constant 632 : i32
    %mul3A_70 = arith.muli %arg1, %mul3A_69 : i32
    %mul3A_71 = arith.constant 10112 : i32
    %mul3A_72 = arith.muli %arg0, %mul3A_71 : i32
    %mul3A_73 = arith.constant 632 : i32
    %mul3A_74 = arith.muli %arg1, %mul3A_73 : i32
    %add3A_75 = arith.addi %mul3A_72, %mul3A_74 : i32
    "tpu.region"() ({
      %run_scoped3A = tpu.sem_alloc : memref<!tpu.dma_semaphore, #tpu.memory_space<semaphore_mem>>
      %dma_start3A = arith.constant 0 : i32
      %dma_start3A_77 = tpu.memref_slice %arg7[%add3A_75, %dma_start3A] : memref<20224x64xbf16, #tpu.memory_space<hbm>> -> memref<632x64xbf16, #tpu.memory_space<hbm>>
      %dma_start3A_78 = arith.constant 0 : i32
      %dma_start3A_79 = tpu.memref_slice %arg19[%mul3A_70, %dma_start3A_78] : memref<10112x64xbf16, #tpu.memory_space<vmem_shared>> -> memref<632x64xbf16, #tpu.memory_space<vmem_shared>>
      tpu.enqueue_dma source(%dma_start3A_79 : memref<632x64xbf16, #tpu.memory_space<vmem_shared>>) target(%dma_start3A_77 : memref<632x64xbf16, #tpu.memory_space<hbm>>) target_semaphore(%run_scoped3A : memref<!tpu.dma_semaphore, #tpu.memory_space<semaphore_mem>>)
      %dma_wait3A = arith.constant 0 : i32
      %dma_wait3A_80 = tpu.memref_slice %arg7[%add3A_75, %dma_wait3A] : memref<20224x64xbf16, #tpu.memory_space<hbm>> -> memref<632x64xbf16, #tpu.memory_space<hbm>>
      %dma_wait3A_81 = arith.constant 0 : i32
      %dma_wait3A_82 = tpu.memref_slice %arg19[%mul3A_70, %dma_wait3A_81] : memref<10112x64xbf16, #tpu.memory_space<vmem_shared>> -> memref<632x64xbf16, #tpu.memory_space<vmem_shared>>
      tpu.wait_dma2 semaphore(%run_scoped3A : memref<!tpu.dma_semaphore, #tpu.memory_space<semaphore_mem>>) src(%dma_wait3A_82 : memref<632x64xbf16, #tpu.memory_space<vmem_shared>>) dst(%dma_wait3A_80 : memref<632x64xbf16, #tpu.memory_space<hbm>>)
      tpu.yield
    }) : () -> ()
    %barrier3A_76 = arith.constant 0 : index
    tpu.barrier barrier_id(%barrier3A_76)
    return
  }
}

module attributes {stable_mosaic.version = 14 : i64} {
  func.func @_tc1_body(%arg0: i32, %arg1: memref<1264x16xf32, #tpu.memory_space<vmem>>, %arg2: memref<1264x16xf32, #tpu.memory_space<vmem>>, %arg3: memref<1264x128xf32, #tpu.memory_space<vmem>>, %arg4: memref<128x128xf32, #tpu.memory_space<vmem>>, %arg5: memref<1264x64xbf16, #tpu.memory_space<vmem>>, %arg6: memref<1264x64xbf16, #tpu.memory_space<vmem>>, %arg7: memref<1264x8xf32, #tpu.memory_space<vmem>>) attributes {dimension_semantics = [#tpu.dimension_semantics<arbitrary>], iteration_bounds = array<i64: 8>, scalar_prefetch = 0 : i64, scratch_operands = 0 : i64, tpu.core_type = #tpu.core_type<tc>, window_params = [{transform_indices = @transform_0, window_bounds = array<i64: 1264, 16>}, {transform_indices = @transform_1, window_bounds = array<i64: 1264, 16>}, {transform_indices = @transform_2, window_bounds = array<i64: 1264, 128>}, {pipeline_mode = #tpu.pipeline_mode<synchronous>, transform_indices = @transform_3, window_bounds = array<i64: 128, 128>}, {transform_indices = @transform_4, window_bounds = array<i64: 1264, 64>}, {transform_indices = @transform_5, window_bounds = array<i64: 1264, 64>}, {transform_indices = @transform_6, window_bounds = array<i64: 1264, 8>}]} {
    %get3A = arith.constant 0 : index
    %get3A_0 = arith.constant 0 : index
    %get3A_1 = vector.load %arg1[%get3A, %get3A_0] : memref<1264x16xf32, #tpu.memory_space<vmem>>, vector<1264x1xf32>
    %get3A_2 = arith.constant 0 : index
    %get3A_3 = arith.constant 0 : index
    %get3A_4 = vector.load %arg2[%get3A_2, %get3A_3] : memref<1264x16xf32, #tpu.memory_space<vmem>>, vector<1264x1xf32>
    %add3A = arith.addf %get3A_1, %get3A_4 : vector<1264x1xf32>
    %add3A_5 = arith.constant 1.000000e+00 : f32
    %add3A_6 = vector.broadcast %add3A_5 : f32 to vector<1264x1xf32>
    %add3A_7 = arith.addf %add3A, %add3A_6 : vector<1264x1xf32>
    %rsqrt3A = math.rsqrt %add3A_7 : vector<1264x1xf32>
    %get3A_8 = arith.constant 0 : index
    %get3A_9 = arith.constant 0 : index
    %get3A_10 = vector.load %arg3[%get3A_8, %get3A_9] : memref<1264x128xf32, #tpu.memory_space<vmem>>, vector<1264x128xf32>
    %get3A_11 = arith.constant 0 : index
    %get3A_12 = arith.constant 0 : index
    %get3A_13 = vector.load %arg4[%get3A_11, %get3A_12] : memref<128x128xf32, #tpu.memory_space<vmem>>, vector<128x128xf32>
    %dot_general3A = arith.constant dense<0.000000e+00> : vector<1264x128xf32>
    %dot_general3A_14 = tpu.matmul %get3A_10, %get3A_13, %dot_general3A {dimension_numbers = #tpu.dot_dimension_numbers<[1], [0], [0], [1], [0, 0, 1, 1], [], []>, transpose_lhs_hint = false} : vector<1264x128xf32>, vector<128x128xf32>, vector<1264x128xf32> -> vector<1264x128xf32>
    %mul3A = vector.broadcast %rsqrt3A : vector<1264x1xf32> to vector<1264x128xf32>
    %mul3A_15 = arith.mulf %dot_general3A_14, %mul3A : vector<1264x128xf32>
    %slice3A = vector.extract_strided_slice %mul3A_15 {offsets = [0, 0], sizes = [1264, 64], strides = [1, 1]} : vector<1264x128xf32> to vector<1264x64xf32>
    %convert_element_type3A = arith.truncf %slice3A : vector<1264x64xf32> to vector<1264x64xbf16>
    %swap3A = arith.constant 0 : index
    %swap3A_16 = arith.constant 0 : index
    %swap3A_17 = vector.load %arg5[%swap3A, %swap3A_16] : memref<1264x64xbf16, #tpu.memory_space<vmem>>, vector<1264x64xbf16>
    tpu.vector_store %arg5[%swap3A, %swap3A_16], %convert_element_type3A {strides = array<i32>} : memref<1264x64xbf16, #tpu.memory_space<vmem>>, vector<1264x64xbf16>,
    %slice3A_18 = vector.extract_strided_slice %mul3A_15 {offsets = [0, 64], sizes = [1264, 64], strides = [1, 1]} : vector<1264x128xf32> to vector<1264x64xf32>
    %convert_element_type3A_19 = arith.truncf %slice3A_18 : vector<1264x64xf32> to vector<1264x64xbf16>
    %swap3A_20 = arith.constant 0 : index
    %swap3A_21 = arith.constant 0 : index
    %swap3A_22 = vector.load %arg6[%swap3A_20, %swap3A_21] : memref<1264x64xbf16, #tpu.memory_space<vmem>>, vector<1264x64xbf16>
    tpu.vector_store %arg6[%swap3A_20, %swap3A_21], %convert_element_type3A_19 {strides = array<i32>} : memref<1264x64xbf16, #tpu.memory_space<vmem>>, vector<1264x64xbf16>,
    %broadcast_in_dim3A = vector.shape_cast %rsqrt3A : vector<1264x1xf32> to vector<1264x1xf32>
    %broadcast_in_dim3A_23 = vector.broadcast %broadcast_in_dim3A : vector<1264x1xf32> to vector<1264x8xf32>
    %swap3A_24 = arith.constant 0 : index
    %swap3A_25 = arith.constant 0 : index
    %swap3A_26 = vector.load %arg7[%swap3A_24, %swap3A_25] : memref<1264x8xf32, #tpu.memory_space<vmem>>, vector<1264x8xf32>
    tpu.vector_store %arg7[%swap3A_24, %swap3A_25], %broadcast_in_dim3A_23 {strides = array<i32>} : memref<1264x8xf32, #tpu.memory_space<vmem>>, vector<1264x8xf32>,
    return
  }
  func.func @transform_0(%arg0: i32) -> (i32, i32) {
    %c0_i32 = arith.constant 0 : i32
    %c0_i32_0 = arith.constant 0 : i32
    return %arg0, %c0_i32 : i32, i32
  }
  func.func @transform_1(%arg0: i32) -> (i32, i32) {
    %add3A = arith.constant 8 : i32
    %add3A_0 = arith.addi %arg0, %add3A : i32
    %c0_i32 = arith.constant 0 : i32
    %c0_i32_1 = arith.constant 0 : i32
    return %add3A_0, %c0_i32 : i32, i32
  }
  func.func @transform_2(%arg0: i32) -> (i32, i32) {
    %c0_i32 = arith.constant 0 : i32
    %c0_i32_0 = arith.constant 0 : i32
    return %arg0, %c0_i32 : i32, i32
  }
  func.func @transform_3(%arg0: i32) -> (i32, i32) {
    %c0_i32 = arith.constant 0 : i32
    %c0_i32_0 = arith.constant 0 : i32
    %c0_i32_1 = arith.constant 0 : i32
    return %c0_i32, %c0_i32_0 : i32, i32
  }
  func.func @transform_4(%arg0: i32) -> (i32, i32) {
    %c0_i32 = arith.constant 0 : i32
    %c0_i32_0 = arith.constant 0 : i32
    return %arg0, %c0_i32 : i32, i32
  }
  func.func @transform_5(%arg0: i32) -> (i32, i32) {
    %c0_i32 = arith.constant 0 : i32
    %c0_i32_0 = arith.constant 0 : i32
    return %arg0, %c0_i32 : i32, i32
  }
  func.func @transform_6(%arg0: i32) -> (i32, i32) {
    %c0_i32 = arith.constant 0 : i32
    %c0_i32_0 = arith.constant 0 : i32
    return %arg0, %c0_i32 : i32, i32
  }
}

module attributes {stable_mosaic.version = 14 : i64} {
  func.func @_tc2_body(%arg0: i32, %arg1: memref<1264x64xbf16, #tpu.memory_space<vmem>>, %arg2: memref<1264x64xbf16, #tpu.memory_space<vmem>>, %arg3: memref<1264x64xbf16, #tpu.memory_space<vmem>>, %arg4: memref<1264x64xbf16, #tpu.memory_space<vmem>>, %arg5: memref<1264x64xbf16, #tpu.memory_space<vmem>>, %arg6: memref<1264x64xbf16, #tpu.memory_space<vmem>>, %arg7: memref<1264x8xf32, #tpu.memory_space<vmem>>, %arg8: memref<1x128xf32, #tpu.memory_space<vmem>>, %arg9: memref<128x48xf32, #tpu.memory_space<vmem>>, %arg10: memref<1264x64xbf16, #tpu.memory_space<vmem>>) attributes {dimension_semantics = [#tpu.dimension_semantics<arbitrary>], iteration_bounds = array<i64: 8>, scalar_prefetch = 0 : i64, scratch_operands = 0 : i64, tpu.core_type = #tpu.core_type<tc>, window_params = [{transform_indices = @transform_0, window_bounds = array<i64: 1264, 64>}, {transform_indices = @transform_1, window_bounds = array<i64: 1264, 64>}, {transform_indices = @transform_2, window_bounds = array<i64: 1264, 64>}, {transform_indices = @transform_3, window_bounds = array<i64: 1264, 64>}, {transform_indices = @transform_4, window_bounds = array<i64: 1264, 64>}, {transform_indices = @transform_5, window_bounds = array<i64: 1264, 64>}, {transform_indices = @transform_6, window_bounds = array<i64: 1264, 8>}, {pipeline_mode = #tpu.pipeline_mode<synchronous>, transform_indices = @transform_7, window_bounds = array<i64: 1, 128>}, {pipeline_mode = #tpu.pipeline_mode<synchronous>, transform_indices = @transform_8, window_bounds = array<i64: 128, 48>}, {transform_indices = @transform_9, window_bounds = array<i64: 1264, 64>}]} {
    %get3A = arith.constant 0 : index
    %get3A_0 = arith.constant 0 : index
    %get3A_1 = vector.load %arg7[%get3A, %get3A_0] : memref<1264x8xf32, #tpu.memory_space<vmem>>, vector<1264x1xf32>
    %get3A_2 = arith.constant 0 : index
    %get3A_3 = arith.constant 0 : index
    %get3A_4 = vector.load %arg5[%get3A_2, %get3A_3] : memref<1264x64xbf16, #tpu.memory_space<vmem>>, vector<1264x64xbf16>
    %convert_element_type3A = arith.extf %get3A_4 : vector<1264x64xbf16> to vector<1264x64xf32>
    %get3A_5 = arith.constant 0 : index
    %get3A_6 = arith.constant 0 : index
    %get3A_7 = vector.load %arg6[%get3A_5, %get3A_6] : memref<1264x64xbf16, #tpu.memory_space<vmem>>, vector<1264x64xbf16>
    %convert_element_type3A_8 = arith.extf %get3A_7 : vector<1264x64xbf16> to vector<1264x64xf32>
    %get3A_9 = arith.constant 0 : index
    %get3A_10 = arith.constant 0 : index
    %get3A_11 = vector.load %arg1[%get3A_9, %get3A_10] : memref<1264x64xbf16, #tpu.memory_space<vmem>>, vector<1264x64xbf16>
    %convert_element_type3A_12 = arith.extf %get3A_11 : vector<1264x64xbf16> to vector<1264x64xf32>
    %get3A_13 = arith.constant 0 : index
    %get3A_14 = arith.constant 0 : index
    %get3A_15 = vector.load %arg2[%get3A_13, %get3A_14] : memref<1264x64xbf16, #tpu.memory_space<vmem>>, vector<1264x64xbf16>
    %convert_element_type3A_16 = arith.extf %get3A_15 : vector<1264x64xbf16> to vector<1264x64xf32>
    %add3A = arith.addf %convert_element_type3A_12, %convert_element_type3A_16 : vector<1264x64xf32>
    %add3A_17 = arith.addf %add3A, %convert_element_type3A : vector<1264x64xf32>
    %get3A_18 = arith.constant 0 : index
    %get3A_19 = arith.constant 0 : index
    %get3A_20 = vector.load %arg3[%get3A_18, %get3A_19] : memref<1264x64xbf16, #tpu.memory_space<vmem>>, vector<1264x64xbf16>
    %convert_element_type3A_21 = arith.extf %get3A_20 : vector<1264x64xbf16> to vector<1264x64xf32>
    %get3A_22 = arith.constant 0 : index
    %get3A_23 = arith.constant 0 : index
    %get3A_24 = vector.load %arg4[%get3A_22, %get3A_23] : memref<1264x64xbf16, #tpu.memory_space<vmem>>, vector<1264x64xbf16>
    %convert_element_type3A_25 = arith.extf %get3A_24 : vector<1264x64xbf16> to vector<1264x64xf32>
    %add3A_26 = arith.addf %convert_element_type3A_21, %convert_element_type3A_25 : vector<1264x64xf32>
    %add3A_27 = arith.addf %add3A_26, %convert_element_type3A_8 : vector<1264x64xf32>
    %concatenate3A = tpu.concatenate %add3A_17, %add3A_27 in 1 : vector<1264x64xf32>, vector<1264x64xf32> -> vector<1264x128xf32>
    %mul3A = vector.broadcast %get3A_1 : vector<1264x1xf32> to vector<1264x128xf32>
    %mul3A_28 = arith.mulf %concatenate3A, %mul3A : vector<1264x128xf32>
    %get3A_29 = arith.constant 0 : index
    %get3A_30 = arith.constant 0 : index
    %get3A_31 = vector.load %arg8[%get3A_29, %get3A_30] : memref<1x128xf32, #tpu.memory_space<vmem>>, vector<1x128xf32>
    %add3A_32 = vector.broadcast %get3A_31 : vector<1x128xf32> to vector<1264x128xf32>
    %add3A_33 = arith.addf %mul3A_28, %add3A_32 : vector<1264x128xf32>
    %max3A = arith.constant 0.000000e+00 : f32
    %max3A_34 = vector.broadcast %max3A : f32 to vector<1264x128xf32>
    %max3A_35 = arith.maximumf %add3A_33, %max3A_34 : vector<1264x128xf32>
    %get3A_36 = arith.constant 0 : index
    %get3A_37 = arith.constant 0 : index
    %get3A_38 = vector.load %arg9[%get3A_36, %get3A_37] : memref<128x48xf32, #tpu.memory_space<vmem>>, vector<128x48xf32>
    %dot_general3A = arith.constant dense<0.000000e+00> : vector<1264x48xf32>
    %dot_general3A_39 = tpu.matmul %max3A_35, %get3A_38, %dot_general3A {dimension_numbers = #tpu.dot_dimension_numbers<[1], [0], [0], [1], [0, 0, 1, 1], [], []>, transpose_lhs_hint = false} : vector<1264x128xf32>, vector<128x48xf32>, vector<1264x48xf32> -> vector<1264x48xf32>
    %mul3A_40 = vector.broadcast %get3A_1 : vector<1264x1xf32> to vector<1264x48xf32>
    %mul3A_41 = arith.mulf %dot_general3A_39, %mul3A_40 : vector<1264x48xf32>
    %jit3A = arith.constant 0 : i32
    %convert_element_type3A_42 = arith.sitofp %jit3A : i32 to f32
    %pad3A = vector.broadcast %convert_element_type3A_42 : f32 to vector<1264x16xf32>
    %pad3A_43 = tpu.concatenate %mul3A_41, %pad3A in 1 : vector<1264x48xf32>, vector<1264x16xf32> -> vector<1264x64xf32>
    %convert_element_type3A_44 = arith.truncf %pad3A_43 : vector<1264x64xf32> to vector<1264x64xbf16>
    %swap3A = arith.constant 0 : index
    %swap3A_45 = arith.constant 0 : index
    %swap3A_46 = vector.load %arg10[%swap3A, %swap3A_45] : memref<1264x64xbf16, #tpu.memory_space<vmem>>, vector<1264x64xbf16>
    tpu.vector_store %arg10[%swap3A, %swap3A_45], %convert_element_type3A_44 {strides = array<i32>} : memref<1264x64xbf16, #tpu.memory_space<vmem>>, vector<1264x64xbf16>,
    return
  }
  func.func @transform_0(%arg0: i32) -> (i32, i32) {
    %c0_i32 = arith.constant 0 : i32
    %c0_i32_0 = arith.constant 0 : i32
    return %arg0, %c0_i32 : i32, i32
  }
  func.func @transform_1(%arg0: i32) -> (i32, i32) {
    %add3A = arith.constant 8 : i32
    %add3A_0 = arith.addi %arg0, %add3A : i32
    %c0_i32 = arith.constant 0 : i32
    %c0_i32_1 = arith.constant 0 : i32
    return %add3A_0, %c0_i32 : i32, i32
  }
  func.func @transform_2(%arg0: i32) -> (i32, i32) {
    %c0_i32 = arith.constant 0 : i32
    %c0_i32_0 = arith.constant 0 : i32
    return %arg0, %c0_i32 : i32, i32
  }
  func.func @transform_3(%arg0: i32) -> (i32, i32) {
    %add3A = arith.constant 8 : i32
    %add3A_0 = arith.addi %arg0, %add3A : i32
    %c0_i32 = arith.constant 0 : i32
    %c0_i32_1 = arith.constant 0 : i32
    return %add3A_0, %c0_i32 : i32, i32
  }
  func.func @transform_4(%arg0: i32) -> (i32, i32) {
    %c0_i32 = arith.constant 0 : i32
    %c0_i32_0 = arith.constant 0 : i32
    return %arg0, %c0_i32 : i32, i32
  }
  func.func @transform_5(%arg0: i32) -> (i32, i32) {
    %c0_i32 = arith.constant 0 : i32
    %c0_i32_0 = arith.constant 0 : i32
    return %arg0, %c0_i32 : i32, i32
  }
  func.func @transform_6(%arg0: i32) -> (i32, i32) {
    %c0_i32 = arith.constant 0 : i32
    %c0_i32_0 = arith.constant 0 : i32
    return %arg0, %c0_i32 : i32, i32
  }
  func.func @transform_7(%arg0: i32) -> (i32, i32) {
    %c0_i32 = arith.constant 0 : i32
    %c0_i32_0 = arith.constant 0 : i32
    %c0_i32_1 = arith.constant 0 : i32
    return %c0_i32, %c0_i32_0 : i32, i32
  }
  func.func @transform_8(%arg0: i32) -> (i32, i32) {
    %c0_i32 = arith.constant 0 : i32
    %c0_i32_0 = arith.constant 0 : i32
    %c0_i32_1 = arith.constant 0 : i32
    return %c0_i32, %c0_i32_0 : i32, i32
  }
  func.func @transform_9(%arg0: i32) -> (i32, i32) {
    %c0_i32 = arith.constant 0 : i32
    %c0_i32_0 = arith.constant 0 : i32
    return %arg0, %c0_i32 : i32, i32
  }
}

module attributes {stable_mosaic.version = 14 : i64} {
  func.func @_tc3_body(%arg0: i32, %arg1: memref<1264x64xbf16, #tpu.memory_space<vmem>>, %arg2: memref<1264x64xbf16, #tpu.memory_space<vmem>>, %arg3: memref<1264x64xbf16, #tpu.memory_space<vmem>>, %arg4: memref<1264x8xf32, #tpu.memory_space<vmem>>, %arg5: memref<1x40xf32, #tpu.memory_space<vmem>>, %arg6: memref<1264x40xf32, #tpu.memory_space<vmem>>) attributes {dimension_semantics = [#tpu.dimension_semantics<arbitrary>], iteration_bounds = array<i64: 8>, scalar_prefetch = 0 : i64, scratch_operands = 0 : i64, tpu.core_type = #tpu.core_type<tc>, window_params = [{transform_indices = @transform_0, window_bounds = array<i64: 1264, 64>}, {transform_indices = @transform_1, window_bounds = array<i64: 1264, 64>}, {transform_indices = @transform_2, window_bounds = array<i64: 1264, 64>}, {transform_indices = @transform_3, window_bounds = array<i64: 1264, 8>}, {pipeline_mode = #tpu.pipeline_mode<synchronous>, transform_indices = @transform_4, window_bounds = array<i64: 1, 40>}, {transform_indices = @transform_5, window_bounds = array<i64: 1264, 40>}]} {
    %get3A = arith.constant 0 : index
    %get3A_0 = arith.constant 0 : index
    %get3A_1 = vector.load %arg4[%get3A, %get3A_0] : memref<1264x8xf32, #tpu.memory_space<vmem>>, vector<1264x1xf32>
    %get3A_2 = arith.constant 0 : index
    %get3A_3 = arith.constant 0 : index
    %get3A_4 = vector.load %arg3[%get3A_2, %get3A_3] : memref<1264x64xbf16, #tpu.memory_space<vmem>>, vector<1264x64xbf16>
    %convert_element_type3A = arith.extf %get3A_4 : vector<1264x64xbf16> to vector<1264x64xf32>
    %get3A_5 = arith.constant 0 : index
    %get3A_6 = arith.constant 0 : index
    %get3A_7 = vector.load %arg1[%get3A_5, %get3A_6] : memref<1264x64xbf16, #tpu.memory_space<vmem>>, vector<1264x64xbf16>
    %convert_element_type3A_8 = arith.extf %get3A_7 : vector<1264x64xbf16> to vector<1264x64xf32>
    %get3A_9 = arith.constant 0 : index
    %get3A_10 = arith.constant 0 : index
    %get3A_11 = vector.load %arg2[%get3A_9, %get3A_10] : memref<1264x64xbf16, #tpu.memory_space<vmem>>, vector<1264x64xbf16>
    %convert_element_type3A_12 = arith.extf %get3A_11 : vector<1264x64xbf16> to vector<1264x64xf32>
    %add3A = arith.addf %convert_element_type3A_8, %convert_element_type3A_12 : vector<1264x64xf32>
    %add3A_13 = arith.addf %add3A, %convert_element_type3A : vector<1264x64xf32>
    %mul3A = vector.broadcast %get3A_1 : vector<1264x1xf32> to vector<1264x64xf32>
    %mul3A_14 = arith.mulf %add3A_13, %mul3A : vector<1264x64xf32>
    %slice3A = vector.extract_strided_slice %mul3A_14 {offsets = [0, 0], sizes = [1264, 40], strides = [1, 1]} : vector<1264x64xf32> to vector<1264x40xf32>
    %get3A_15 = arith.constant 0 : index
    %get3A_16 = arith.constant 0 : index
    %get3A_17 = vector.load %arg5[%get3A_15, %get3A_16] : memref<1x40xf32, #tpu.memory_space<vmem>>, vector<1x40xf32>
    %add3A_18 = vector.broadcast %get3A_17 : vector<1x40xf32> to vector<1264x40xf32>
    %add3A_19 = arith.addf %slice3A, %add3A_18 : vector<1264x40xf32>
    %reduce_max3A = arith.constant dense<0xFF800000> : vector<1264xf32>
    %reduce_max3A_20 = vector.multi_reduction <maximumf>, %add3A_19, %reduce_max3A [1] : vector<1264x40xf32> to vector<1264xf32>
    %broadcast_in_dim3A = vector.shape_cast %reduce_max3A_20 : vector<1264xf32> to vector<1264x1xf32>
    %sub3A = vector.broadcast %broadcast_in_dim3A : vector<1264x1xf32> to vector<1264x40xf32>
    %sub3A_21 = arith.subf %add3A_19, %sub3A : vector<1264x40xf32>
    %exp3A = math.exp %sub3A_21 : vector<1264x40xf32>
    %reduce_sum3A = arith.constant dense<0.000000e+00> : vector<1264xf32>
    %reduce_sum3A_22 = vector.multi_reduction <add>, %exp3A, %reduce_sum3A [1] : vector<1264x40xf32> to vector<1264xf32>
    %broadcast_in_dim3A_23 = vector.shape_cast %reduce_sum3A_22 : vector<1264xf32> to vector<1264x1xf32>
    %div3A = vector.broadcast %broadcast_in_dim3A_23 : vector<1264x1xf32> to vector<1264x40xf32>
    %div3A_24 = arith.divf %exp3A, %div3A : vector<1264x40xf32>
    %swap3A = arith.constant 0 : index
    %swap3A_25 = arith.constant 0 : index
    %swap3A_26 = vector.load %arg6[%swap3A, %swap3A_25] : memref<1264x40xf32, #tpu.memory_space<vmem>>, vector<1264x40xf32>
    tpu.vector_store %arg6[%swap3A, %swap3A_25], %div3A_24 {strides = array<i32>} : memref<1264x40xf32, #tpu.memory_space<vmem>>, vector<1264x40xf32>,
    return
  }
  func.func @transform_0(%arg0: i32) -> (i32, i32) {
    %c0_i32 = arith.constant 0 : i32
    %c0_i32_0 = arith.constant 0 : i32
    return %arg0, %c0_i32 : i32, i32
  }
  func.func @transform_1(%arg0: i32) -> (i32, i32) {
    %add3A = arith.constant 8 : i32
    %add3A_0 = arith.addi %arg0, %add3A : i32
    %c0_i32 = arith.constant 0 : i32
    %c0_i32_1 = arith.constant 0 : i32
    return %add3A_0, %c0_i32 : i32, i32
  }
  func.func @transform_2(%arg0: i32) -> (i32, i32) {
    %c0_i32 = arith.constant 0 : i32
    %c0_i32_0 = arith.constant 0 : i32
    return %arg0, %c0_i32 : i32, i32
  }
  func.func @transform_3(%arg0: i32) -> (i32, i32) {
    %c0_i32 = arith.constant 0 : i32
    %c0_i32_0 = arith.constant 0 : i32
    return %arg0, %c0_i32 : i32, i32
  }
  func.func @transform_4(%arg0: i32) -> (i32, i32) {
    %c0_i32 = arith.constant 0 : i32
    %c0_i32_0 = arith.constant 0 : i32
    %c0_i32_1 = arith.constant 0 : i32
    return %c0_i32, %c0_i32_0 : i32, i32
  }
  func.func @transform_5(%arg0: i32) -> (i32, i32) {
    %c0_i32 = arith.constant 0 : i32
    %c0_i32_0 = arith.constant 0 : i32
    return %arg0, %c0_i32 : i32, i32
  }
}

</mosaic_0001>

<sc_bundles>
// kernel: kernel.11.cloned.1.call-start
scs
__scs_entry_jumppad:
0x0: {  	(pc) =	sbr.rel $0x88, $3  }
0x1: {  	(tag) =	ssettag $0x0;
	lr =	simm.s32 $0x1  }
0x2: {  	[smem:$0x3F9B] =	sst lr;
	_ =	strace $0xD0000000  }
0x3: {  	_ = 	snop  }
0x4: {  	_ = 	snop  }
0x5: {  	_ = 	snop  }
0x6: {  	_ = 	snop  }
0x7: {  	_ = 	snop  }
__scs_overlays_trampoline_lowered:
0x8: {  	[smem:$0x3FAA] =	sst s0  }
0x9: {  	[smem:$0x3FAB] =	sst s1  }
0xa: {  	[smem:$0x3FAC] =	sst s2  }
0xb: {  	[smem:$0x3FAD] =	sst s3  }
0xc: {  	[smem:$0x3FAE] =	sst s4  }
0xd: {  	[smem:$0x3FAF] =	sst s5  }
0xe: {  	[smem:$0x3FB0] =	sst s6  }
0xf: {  	[smem:$0x3FB1] =	sst s7  }
0x10: {  	[smem:$0x3FB2] =	sst s8  }
0x11: {  	[smem:$0x3FB3] =	sst s9;
	s0 =	simm.s32 @!p0 $0x0  }
0x12: {  	s1 =	sld [smem:$0x3F99];
	s0 =	simm.s32 @p0 $0x1  }
0x13: {  	[smem:$0x3FB4] =	sst s0;
	s0 =	simm.s32 @!p1 $0x0  }
0x14: {  	s2 =	sld [smem:$0x3F98];
	s0 =	simm.s32 @p1 $0x1  }
0x15: {  	[smem:$0x3FB5] =	sst s0;
	s0 =	simm.s32 @!p2 $0x0  }
0x16: {  	s3 =	sld [smem:$0x3FDB];
	s0 =	simm.s32 @p2 $0x1  }
0x17: {  	s4 =	simm.s32 $0x1BF5;
	[smem:$0x3FB7] =	sst s0  }
0x18: {  	s0 =	sld [smem:$0x3F9A];
	_ =	swait.ge [sflag:s4], $0x0  }
0x19: {  	s7 =	sld [smem:$0x3F9B]  }
0x1a: {  	s8 =	sadd.s32 $0xFFFFE003, lr  }
0x1b: {  	s9 =	sadd.s32 $0xFFFFFEF7, lr;
	s5 =	simm.s32 $0xFFFFFFFF;
	p2 =	slt.u32 s8, $0xFFFFF086  }
0x1c: {  	p1 =	slt.u32 s9, $0xF7A;
	s5 =	simm.s32 @!p2 $0x0  }
0x1d: {  	s5 =	simm.s32 @p1 $0x1;
	p0 =	seq.s32 s7, s2  }
0x1e: {  	s7 =	smul.u32 @!p0 $0xF7A, s2;
	p2 =	seq.s32 @!p0 s5, $0x0  }
0x1f: {  	s9 =	smul.u32 $0xF7A, s1;
	s8 =	simm.s32 @!p0 $0x1BF5;
	p2 =	por !p2, p0  }
0x20: {  	[sflag:s8] =	ssyncset.s32 @!p0 $0xFFFFF086;
	s6 =	sadd.s32 @!p0 s3, s7;
	s7 =	simm.s32 @!p0 $0x108  }
0x21: {  	s3 =	sadd.s32 s3, s9;
	s6 =	sadd.s32 @!p0 $0x88, s6;
	s7 =	simm.s32 @p2 $0x1082  }
0x22: {  	[simem:s7], [sflag:s8] =	dma.local @!p0 [hbm:s6], $0xF7A  }
0x23: {  	s9 =	sor.u32 $0xD0000000, s2;
	s6 =	simm.s32 $0x108;
	_ =	swait.ge @!p0 [sflag:s8], $0x0  }
0x24: {  	s3 =	sadd.s32 $0x88, s3;
	s6 =	simm.s32 @!p1 $0x1082;
	[sflag:s4] =	ssyncset.s32 $0xFFFFF086  }
0x25: {  	[simem:s6], [sflag:s4] =	dma.local [hbm:s3], $0xF7A  }
0x26: {  	[smem:$0x3F9B] =	sst s1;
	(tag) =	ssettag s2;
	_ =	strace s9  }
0x27: {  	s1 =	sld [smem:$0x3FAB]  }
0x28: {  	s2 =	sld [smem:$0x3FAC]  }
0x29: {  	s4 =	sld [smem:$0x3FAE]  }
0x2a: {  	p0 =	seq.s32 s5, $0x0;
	s5 =	sld [smem:$0x3FAF]  }
0x2b: {  	s6 =	sld [smem:$0x3FB0]  }
0x2c: {  	s7 =	sld [smem:$0x3FB1]  }
0x2d: {  	s3 =	simm.s32 $0x108;
	s8 =	sld [smem:$0x3FB2]  }
0x2e: {  	s3 =	simm.s32 @!p0 $0x1082;
	s9 =	sld [smem:$0x3FB3]  }
0x2f: {  	lr =	sadd.s32 s0, s3;
	s0 =	sld [smem:$0x3FAA]  }
0x30: {  	s3 =	sld [smem:$0x3FAD]  }
0x31: {  	[smem:$0x3FB6] =	sst s10  }
0x32: {  	s10 =	sld [smem:$0x3FB4];
	_ =	sdelay $0x3  }
0x33: {  	p0 =	seq.s32 s10, $0x1;
	s10 =	sld [smem:$0x3FB6];
	_ =	sdelay $0x3  }
0x34: {  	[smem:$0x3FB6] =	sst s10  }
0x35: {  	s10 =	sld [smem:$0x3FB5];
	_ =	sdelay $0x3  }
0x36: {  	p1 =	seq.s32 s10, $0x1;
	s10 =	sld [smem:$0x3FB6];
	_ =	sdelay $0x3  }
0x37: {  	[smem:$0x3FB6] =	sst s10  }
0x38: {  	s10 =	sld [smem:$0x3FB7]  }
0x39: {  	_ = 	snop;
	(pc) =	sbr.ind lr, $3  }
0x3a: {  	_ = 	snop  }
0x3b: {  	_ = 	snop  }
0x3c: {  	p2 =	seq.s32 s10, $0x1;
	s10 =	sld [smem:$0x3FB6]  }
0x3d: {  	_ =	shalt  }
0x3e: {  	_ =	shalt  }
0x3f: {  	_ =	shalt  }
0x40: {  	_ =	shalt  }
0x41: {  	_ =	shalt  }
0x42: {  	_ =	shalt  }
0x43: {  	_ =	shalt  }
0x44: {  	_ =	shalt  }
0x45: {  	_ =	shalt  }
0x46: {  	_ =	shalt  }
0x47: {  	_ =	shalt  }
0x48: {  	_ =	shalt  }
0x49: {  	_ =	shalt  }
0x4a: {  	_ =	shalt  }
0x4b: {  	_ =	shalt  }
0x4c: {  	_ =	shalt  }
0x4d: {  	_ =	shalt  }
0x4e: {  	_ =	shalt  }
0x4f: {  	_ =	shalt  }
0x50: {  	_ =	shalt  }
0x51: {  	_ =	shalt  }
0x52: {  	_ =	shalt  }
0x53: {  	_ =	shalt  }
0x54: {  	_ =	shalt  }
0x55: {  	_ =	shalt  }
0x56: {  	_ =	shalt  }
0x57: {  	_ =	shalt  }
0x58: {  	_ =	shalt  }
0x59: {  	_ =	shalt  }
0x5a: {  	_ =	shalt  }
0x5b: {  	_ =	shalt  }
0x5c: {  	_ =	shalt  }
0x5d: {  	_ =	shalt  }
0x5e: {  	_ =	shalt  }
0x5f: {  	_ =	shalt  }
0x60: {  	_ =	shalt  }
0x61: {  	_ =	shalt  }
0x62: {  	_ =	shalt  }
0x63: {  	_ =	shalt  }
0x64: {  	_ =	shalt  }
0x65: {  	_ =	shalt  }
0x66: {  	_ =	shalt  }
0x67: {  	_ =	shalt  }
0x68: {  	_ =	shalt  }
0x69: {  	_ =	shalt  }
0x6a: {  	_ =	shalt  }
0x6b: {  	_ =	shalt  }
0x6c: {  	_ =	shalt  }
0x6d: {  	_ =	shalt  }
0x6e: {  	_ =	shalt  }
0x6f: {  	_ =	shalt  }
0x70: {  	_ =	shalt  }
0x71: {  	_ =	shalt  }
0x72: {  	_ =	shalt  }
0x73: {  	_ =	shalt  }
0x74: {  	_ =	shalt  }
0x75: {  	_ =	shalt  }
0x76: {  	_ =	shalt  }
0x77: {  	_ =	shalt  }
0x78: {  	_ =	shalt  }
0x79: {  	_ =	shalt  }
0x7a: {  	_ =	shalt  }
0x7b: {  	_ =	shalt  }
0x7c: {  	_ =	shalt  }
0x7d: {  	_ =	shalt  }
0x7e: {  	_ =	shalt  }
0x7f: {  	_ =	shalt  }
0x80: {  	_ =	shalt  }
0x81: {  	_ =	shalt  }
0x82: {  	_ =	shalt  }
0x83: {  	_ =	shalt  }
0x84: {  	_ =	shalt  }
0x85: {  	_ =	shalt  }
0x86: {  	_ =	shalt  }
0x87: {  	_ =	shalt  }
.Lfunc_end0:
.L_simem_size_0:
called_computation.1_lowered:
.L_overlay_start_0:
0x88: {  	s2 =	sld [smem:$0x3FD9]  }
0x89: {  	s3 =	sld [smem:$0x3FFE];
	_ =	sdelay $0x1  }
0x8a: {  	s1 =	srdreg.scid  }
0x8b: {  	s0 =	sand.u32 $0x1, s1  }
0x8c: {  	s17 =	sshll.u32 s0, $0xA;
	s2 =	sadd.s32 s3, s2  }
0x8d: {  	s2 =	sadd.s32 s2, s17  }
0x8e: {  	[smem:$0x3FC2] =	sst s2  }
0x8f: {  	_ = 	snop  }
0x90: {  	s2 =	sld [smem:$0x3FD0];
	(tm) =	ssettm $0x1  }
0x91: {  	s18 =	sld [smem:$0x3FFB];
	_ =	sdelay $0x3  }
0x92: {  	_ =	strace s18  }
0x93: {  	s3 =	sld [smem:$0x3FFC];
	_ =	sdelay $0x3  }
0x94: {  	_ =	strace s3  }
0x95: {  	s3 =	sld [smem:$0x3FFD];
	_ =	sdelay $0x3  }
0x96: {  	_ =	strace s3  }
0x97: {  	_ =	strace $0x8FFFFFFF  }
0x98: {  	s19 =	sld [smem:$0x3FDB];
	_ =	sdelay $0x1  }
0x99: {  	s4 =	simm.s32 $_scs_section_size  }
0x9a: {  	s5 =	simm.s32 $_size__tile_overlayer_lowered;
	s6 =	simm.s32 $_tile_overlayer_lowered  }
0x9b: {  	s22 =	simm.s32 $0x1BFF;
	s21 =	sshll.u32 s6, $0x1;
	s3 =	sadd.s32 s4, s19  }
0x9c: {  	s7 =	simm.s32 $0x0;
	s20 =	sshll.u32 s5, $0x1;
	s5 =	sadd.s32 s21, s3  }
0x9d: {  	[timem:s7], [sflag:s22] =	dma.local [hbm:s5], s20  }
0x9e: {  	_ =	swait.ge [sflag:s22], s20  }
0x9f: {  	s4 =	ssub.s32 $0x0, s20;
	[sflag:s22] =	ssyncset.done $0x0  }
0xa0: {  	[sflag:s22] =	ssyncadd.s32 s4;
	_ =	sdelay $0x1  }
0xa1: {  	s23 =	simm.s32 $0x1B8B  }
0xa2: {  	_ =	swait.ge [sflag:s23], $0x1  }
0xa3: {  	[sflag:s23] =	ssyncset.done $0x0  }
0xa4: {  	s25 =	simm.s32 $0x1B8E;
	s24 =	sld [smem:$0x3FFE];
	[sflag:s23] =	ssyncadd.s32 $0xFFFFFFFF  }
0xa5: {  	s26 =	simm.s32 $execute0_lowered;
	[smem:$0x3FD2] =	sst s25  }
0xa6: {  	s5 =	sshll.u32 s26, $0x1;
	_ =	strace $0x80000049;
	[dreg:$0x1] =	wrdreg $0xFFFFFFFF  }
0xa7: {  	s28 =	simm.s32 $_size_execute0_lowered;
	s3 =	sadd.s32 s3, s5;
	[dreg:$0x0] =	wrdreg $0x0  }
0xa8: {  	s5 =	sshll.u32 s28, $0x1;
	[dreg:$0x2] =	wrdreg s3  }
0xa9: {  	[dreg:$0x3] =	wrdreg s5  }
0xaa: {  	[dreg:$0x4] =	wrdreg $0xC0  }
0xab: {  	_ =	task [dreg:s7], $0x5FFFF  }
0xac: {  	[dreg:$0x1] =	wrdreg $0xFFFFFFFF  }
0xad: {  	[dreg:$0x0] =	wrdreg $0x60  }
0xae: {  	[dreg:$0x2] =	wrdreg s24  }
0xaf: {  	[dreg:$0x3] =	wrdreg s2  }
0xb0: {  	[dreg:$0x4] =	wrdreg $0xE3C00  }
0xb1: {  	[dreg:$0x5] =	wrdreg $0x9  }
0xb2: {  	_ =	task.clear_ibuf [dreg:s7], $0x6FFFF;
	_ =	strace $0x90000049  }
0xb3: {  	s29 =	simm.s32 $0x9;
	_ =	strace $0x8000004B  }
0xb4: {  	_ =	swait.ge [sflag:s29], $0x1  }
0xb5: {  	[sflag:s29] =	ssyncadd.s32 $0xFFFFFFFF  }
0xb6: {  	_ =	strace $0x9000004B  }
0xb7: {  	_ =	sfence  }
0xb8: {  	s30 =	sld [smem:$0x0];
	_ =	sdelay $0x2  }
0xb9: {  	s31 =	sshll.u32 s1, $0xD;
	s1 =	sshrl.u32 s1, $0x2  }
0xba: {  	s3 =	sand.u32 $0x4000, s31;
	s1 =	sadd.s32 s1, s30  }
0xbb: {  	s0 =	sor.u32 s3, s0;
	s1 =	sshll.u32 s1, $0x11  }
0xbc: {  	s0 =	sor.u32 s1, s0  }
0xbd: {  	s0 =	sadd.s32 $0x8F2B, s0  }
0xbe: {  	[sflag:s0] =	ssyncadd.remote.s32 $0x1  }
0xbf: {  	_ =	sfence.sel $0xFFFF  }
0xc0: {  	[dreg:$0x0] =	wrdreg $0xFFFFFFFF;
	(pc) =	sbr.abs _section_cstart, $3  }
0xc1: {  	[dreg:$0x1] =	wrdreg $0xFFFFFFFF  }
0xc2: {  	_ =	task.clear_ibuf [dreg:s7], $0x2FFFF;
	_ =	strace $0x9FFFFFFF  }
0xc3: {  	(tm) =	ssettm $0x7FFFFFFF  }
tec
execute0_lowered:
.L_overlay_start_1:
0x0: {  	(tag) =	ssettag $0x1  }
0x1: {  	s0 =	srdreg.scid;
	s1 =	rddreg [dreg:$0x0]  }
0x2: {  	s3 =	rddreg [dreg:$0x1];
	s9 =	stileid.u32  }
0x3: {  	s2 =	rddreg [dreg:$0x2];
	s15 =	simm.s32 $0x0;
	s18 =	simm.s32 $0x80  }
0x4: {  	s28 =	simm.s32 $0x2;
	s30 =	simm.s32 $0x3;
	s31 =	simm.s32 $0x4  }
0x5: {  	s16 =	simm.s32 $0x6;
	s12 =	simm.s32 $0xA;
	s13 =	simm.s32 $0xB  }
0x6: {  	s14 =	simm.s32 $0xC;
	s11 =	simm.s32 $0xF;
	s29 =	simm.s32 $0x1  }
0x7: {  	s0 =	sand.u32 $0x1, s0;
	[smem:$0x7FF] =	sst s15;
	s7 =	smul.u32 $0x278, s9  }
0x8: {  	s5 =	sadd.s32 $0x34400, s1;
	s4 =	sshll.u32 s0, $0x4;
	s8 =	smul.u32 $0x2780, s0  }
0x9: {  	s0 =	ssub.s32 $0x2, s0;
	s4 =	sor.u32 s9, s4;
	s9 =	smul.u32 $0x13C00, s9  }
0xa: {  	_ =	strace $0x8000004A;
	s20 =	sshrl.u32 s0, $0x1;
	s6 =	smul.u32 $0x500, s4  }
0xb: {  	s4 =	sadd.s32 $0x3E200, s1;
	s7 =	sadd.s32 s7, s8;
	s0 =	ssub.s32 s0, s20  }
0xc: {  	s8 =	simm.s32 $0x9;
	s7 =	sshll.u32 s7, $0x2;
	s0 =	smax.u32 s0, $0x1  }
0xd: {  	s9 =	sshrl.u32 s9, $0x2;
	s3 =	sadd.s32 s3, s6;
	[dreg:$0xd] =	wrdreg s0  }
0xe: {  	s10 =	sadd.s32 s6, s1;
	s21 =	sadd.s32 s9, s2;
	[dreg:$0x7] =	wrdreg s3  }
0xf: {  	s1 =	sadd.s32 s7, s1;
	s22 =	sadd.s32 $0x2C00, s10;
	[dreg:$0x5] =	wrdreg s21  }
0x10: {  	s0 =	simm.s32 $0x7;
	s23 =	sadd.s32 $0x13C0, s21;
	[dreg:$0x6] =	wrdreg s22  }
0x11: {  	s7 =	simm.s32 $0x8;
	s24 =	sadd.s32 $0x2780, s21;
	[dreg:$0x8] =	wrdreg s23  }
0x12: {  	s9 =	simm.s32 $0xD;
	s25 =	sadd.s32 $0x3B40, s21;
	[dreg:$0x9] =	wrdreg s24  }
0x13: {  	s6 =	simm.s32 $0x10;
	s26 =	sadd.s32 $0x5BC00, s1;
	[dreg:$0xa] =	wrdreg s25  }
0x14: {  	s1 =	sadd.s32 $0x48000, s1;
	s10 =	simm.s32 $0xE;
	[dreg:$0xb] =	wrdreg s26  }
0x15: {  	v0 =	vimm.bf16 $0.0e+00;
	[dreg:$0xc] =	wrdreg s1;
	s25 =	simm.s32 $0x1;
	s1 =	simm.s32 $0x5  }
.LBB2_1:
0x16: {  	[dreg:$0x4] =	wrdreg s15;
	s3 =	simm.s32 $0x80;
	s15 =	simm.s32 $0x0  }
.LBB2_2:
0x17: {  	p0 =	sne.s32 s3, $0x4E80;
	[tilespmem:s15+$0xD000] =	vst v0;
	s17 =	smov.u32 s3;
	s3 =	sadd.s32 $0x80, s3  }
.Ltmp0:
0x18: {  	[tilespmem:s15+$0xD010] =	vst v0;
	(pc) =	sbr.rel @p0 .LBB2_2-.Ltmp0, $2  }
0x19: {  	_ =	sdelay $0x2  }
0x1a: {  	s15 =	sshra.s32 s17, $0x2  }
0x1b: {  	[tilespmem:s15+$0xD000] =	vst v0  }
0x1c: {  	[tilespmem:s15+$0xD010] =	vst v0;
	s3 =	simm.s32 $0x0;
	s24 =	rddreg [dreg:$0x6];
	s17 =	simm.s32 $0x11  }
0x1d: {  	[tilespmem:s3], [sflag:$0x11] =	stream.linear.gather [hbm4b:s24+s3], $0x2800, $0x38;
	[tilespmem:$0x132C0] =	vst v63  }
0x1e: {  	_ =	swait.ge [sflag:s17], $0x2800  }
0x1f: {  	[sflag:s17] =	ssyncset.done $0x0  }
0x20: {  	s19 =	simm.s32 $0x2800;
	s26 =	rddreg [dreg:$0x7];
	[sflag:s17] =	ssyncadd.s32 $0xFFFFD800  }
0x21: {  	[tilespmem:s19], [sflag:$0x11] =	stream.linear.gather [hbm4b:s26+s3], $0x2800, $0x38;
	[tilespmem:$0x132C0] =	vst v63  }
0x22: {  	_ =	swait.ge [sflag:s17], $0x2800  }
0x23: {  	[sflag:s17] =	ssyncset.done $0x0  }
0x24: {  	s20 =	simm.s32 $0xD000;
	s19 =	rddreg [dreg:$0x5];
	[sflag:s17] =	ssyncadd.s32 $0xFFFFD800  }
0x25: {  	[spmem:s19] =	stream.linear.scatter [tilespmem:s20], [sflag:$0x11], $0x13C0, $0x38;
	[tilespmem:$0x132C0] =	vst v63  }
0x26: {  	_ =	swait.ge [sflag:s17], $0x13C0  }
0x27: {  	[sflag:s17] =	ssyncset.done $0x0  }
0x28: {  	s21 =	rddreg [dreg:$0x8];
	[sflag:s17] =	ssyncadd.s32 $0xFFFFEC40  }
0x29: {  	[spmem:s21] =	stream.linear.scatter [tilespmem:s20], [sflag:$0x11], $0x13C0, $0x38;
	[tilespmem:$0x132C0] =	vst v63  }
0x2a: {  	_ =	swait.ge [sflag:s17], $0x13C0  }
0x2b: {  	[sflag:s17] =	ssyncset.done $0x0  }
0x2c: {  	s22 =	rddreg [dreg:$0x9];
	[sflag:s17] =	ssyncadd.s32 $0xFFFFEC40  }
0x2d: {  	[spmem:s22] =	stream.linear.scatter [tilespmem:s20], [sflag:$0x11], $0x13C0, $0x38;
	[tilespmem:$0x132C0] =	vst v63  }
0x2e: {  	_ =	swait.ge [sflag:s17], $0x13C0  }
0x2f: {  	[sflag:s17] =	ssyncset.done $0x0  }
0x30: {  	s23 =	rddreg [dreg:$0xa];
	[sflag:s17] =	ssyncadd.s32 $0xFFFFEC40  }
0x31: {  	[spmem:s23] =	stream.linear.scatter [tilespmem:s20], [sflag:$0x11], $0x13C0, $0x38;
	[tilespmem:$0x132C0] =	vst v63  }
0x32: {  	_ =	swait.ge [sflag:s17], $0x13C0  }
0x33: {  	[sflag:s17] =	ssyncset.done $0x0  }
0x34: {  	[sflag:s17] =	ssyncadd.s32 $0xFFFFEC40  }
0x35: {  	s24 =	simm.s32 $0x0;
	s20 =	simm.s32 $0x5000;
	[bflag:$0x0] =	sbarrier.arrive $0xFFFF  }
0x36: {  	[tilespmem:s20], [sflag:$0x1] =	stream.indirect.gather [hbm4b:s4+s18], $0x20, s24, s18, $0xb8;
	[tilespmem:$0x132C0] =	vst v63  }
0x37: {  	s26 =	simm.s32 $0x80;
	s21 =	simm.s32 $0x6000  }
0x38: {  	[tilespmem:s21], [sflag:$0x2] =	stream.indirect.gather [hbm4b:s4+s18], $0x20, s26, s18, $0xb8;
	[tilespmem:$0x132C0] =	vst v63  }
0x39: {  	s15 =	simm.s32 $0x100;
	s22 =	simm.s32 $0x7000  }
0x3a: {  	[tilespmem:s22], [sflag:$0x3] =	stream.indirect.gather [hbm4b:s4+s18], $0x20, s15, s18, $0xb8;
	[tilespmem:$0x132C0] =	vst v63  }
0x3b: {  	s23 =	simm.s32 $0x8000;
	s17 =	simm.s32 $0x180  }
0x3c: {  	[tilespmem:s23], [sflag:$0x4] =	stream.indirect.gather [hbm4b:s4+s18], $0x20, s17, s18, $0xb8;
	[tilespmem:$0x132C0] =	vst v63  }
0x3d: {  	s19 =	simm.s32 $0x200;
	s24 =	simm.s32 $0x9000  }
0x3e: {  	[tilespmem:s24], [sflag:$0x5] =	stream.indirect.gather [hbm4b:s4+s18], $0x20, s19, s18, $0xb8;
	[tilespmem:$0x132C0] =	vst v63  }
0x3f: {  	s26 =	simm.s32 $0x280;
	s19 =	simm.s32 $0xA000  }
0x40: {  	[tilespmem:s19], [sflag:$0x6] =	stream.indirect.gather [hbm4b:s4+s18], $0x20, s26, s18, $0xb8;
	[tilespmem:$0x132C0] =	vst v63  }
0x41: {  	s15 =	simm.s32 $0x300;
	s17 =	simm.s32 $0xB000  }
0x42: {  	[tilespmem:s17], [sflag:$0x7] =	stream.indirect.gather [hbm4b:s4+s18], $0x20, s15, s18, $0xb8;
	[tilespmem:$0x132C0] =	vst v63  }
0x43: {  	s26 =	simm.s32 $0x380;
	s15 =	simm.s32 $0xC000  }
0x44: {  	[tilespmem:s15], [sflag:$0x8] =	stream.indirect.gather [hbm4b:s4+s18], $0x20, s26, s18, $0xb8;
	[tilespmem:$0x132C0] =	vst v63  }
0x45: {  	_ =	swait.ge [sflag:s25], $0x1000  }
0x46: {  	[sflag:s25] =	ssyncset.done $0x0  }
0x47: {  	s26 =	simm.s32 $0x2800;
	[sflag:s25] =	ssyncadd.s32 $0xFFFFF000  }
0x48: {  	[spmem:s2] =	stream.indirect.scatter.add.bf16 [tilespmem:s20], [sflag:$0x9], $0x20, s26, s18, $0xb8;
	[tilespmem:$0x132C0] =	vst v63  }
0x49: {  	_ =	swait.ge [sflag:s28], $0x1000  }
0x4a: {  	[sflag:s28] =	ssyncset.done $0x0  }
0x4b: {  	s20 =	simm.s32 $0x2880;
	[sflag:s28] =	ssyncadd.s32 $0xFFFFF000  }
0x4c: {  	[spmem:s2] =	stream.indirect.scatter.add.bf16 [tilespmem:s21], [sflag:$0xA], $0x20, s20, s18, $0xb8;
	[tilespmem:$0x132C0] =	vst v63  }
0x4d: {  	_ =	swait.ge [sflag:s30], $0x1000  }
0x4e: {  	[sflag:s30] =	ssyncset.done $0x0  }
0x4f: {  	s21 =	simm.s32 $0x2900;
	[sflag:s30] =	ssyncadd.s32 $0xFFFFF000  }
0x50: {  	[spmem:s2] =	stream.indirect.scatter.add.bf16 [tilespmem:s22], [sflag:$0xB], $0x20, s21, s18, $0xb8;
	[tilespmem:$0x132C0] =	vst v63  }
0x51: {  	_ =	swait.ge [sflag:s31], $0x1000  }
0x52: {  	[sflag:s31] =	ssyncset.done $0x0  }
0x53: {  	s22 =	simm.s32 $0x2980;
	[sflag:s31] =	ssyncadd.s32 $0xFFFFF000  }
0x54: {  	[spmem:s2] =	stream.indirect.scatter.add.bf16 [tilespmem:s23], [sflag:$0xC], $0x20, s22, s18, $0xb8;
	[tilespmem:$0x132C0] =	vst v63  }
0x55: {  	_ =	swait.ge [sflag:s1], $0x1000  }
0x56: {  	[sflag:s1] =	ssyncset.done $0x0  }
0x57: {  	s23 =	simm.s32 $0x2A00;
	[sflag:s1] =	ssyncadd.s32 $0xFFFFF000  }
0x58: {  	[spmem:s2] =	stream.indirect.scatter.add.bf16 [tilespmem:s24], [sflag:$0xD], $0x20, s23, s18, $0xb8;
	[tilespmem:$0x132C0] =	vst v63  }
0x59: {  	_ =	swait.ge [sflag:s16], $0x1000  }
0x5a: {  	[sflag:s16] =	ssyncset.done $0x0  }
0x5b: {  	s25 =	simm.s32 $0x2A80;
	[sflag:s16] =	ssyncadd.s32 $0xFFFFF000  }
0x5c: {  	[spmem:s2] =	stream.indirect.scatter.add.bf16 [tilespmem:s19], [sflag:$0xE], $0x20, s25, s18, $0xb8;
	[tilespmem:$0x132C0] =	vst v63  }
0x5d: {  	_ =	swait.ge [sflag:s0], $0x1000  }
0x5e: {  	[sflag:s0] =	ssyncset.done $0x0  }
0x5f: {  	s26 =	simm.s32 $0x2B00;
	[sflag:s0] =	ssyncadd.s32 $0xFFFFF000  }
0x60: {  	[spmem:s2] =	stream.indirect.scatter.add.bf16 [tilespmem:s17], [sflag:$0xF], $0x20, s26, s18, $0xb8;
	[tilespmem:$0x132C0] =	vst v63  }
0x61: {  	_ =	swait.ge [sflag:s7], $0x1000  }
0x62: {  	[sflag:s7] =	ssyncset.done $0x0  }
0x63: {  	s28 =	simm.s32 $0x2B80;
	[sflag:s7] =	ssyncadd.s32 $0xFFFFF000  }
0x64: {  	[spmem:s2] =	stream.indirect.scatter.add.bf16 [tilespmem:s15], [sflag:$0x10], $0x20, s28, s18, $0xb8;
	[tilespmem:$0x132C0] =	vst v63  }
0x65: {  	_ =	swait.ge [sflag:s8], $0x1000  }
0x66: {  	[sflag:s8] =	ssyncset.done $0x0  }
0x67: {  	[sflag:s8] =	ssyncadd.s32 $0xFFFFF000  }
0x68: {  	_ =	swait.ge [sflag:s12], $0x1000  }
0x69: {  	[sflag:s12] =	ssyncset.done $0x0  }
0x6a: {  	[sflag:s12] =	ssyncadd.s32 $0xFFFFF000  }
0x6b: {  	_ =	swait.ge [sflag:s13], $0x1000  }
0x6c: {  	[sflag:s13] =	ssyncset.done $0x0  }
0x6d: {  	[sflag:s13] =	ssyncadd.s32 $0xFFFFF000  }
0x6e: {  	_ =	swait.ge [sflag:s14], $0x1000  }
0x6f: {  	[sflag:s14] =	ssyncset.done $0x0  }
0x70: {  	[sflag:s14] =	ssyncadd.s32 $0xFFFFF000  }
0x71: {  	_ =	swait.ge [sflag:s9], $0x1000  }
0x72: {  	[sflag:s9] =	ssyncset.done $0x0  }
0x73: {  	[sflag:s9] =	ssyncadd.s32 $0xFFFFF000  }
0x74: {  	_ =	swait.ge [sflag:s10], $0x1000  }
0x75: {  	[sflag:s10] =	ssyncset.done $0x0  }
0x76: {  	[sflag:s10] =	ssyncadd.s32 $0xFFFFF000  }
0x77: {  	_ =	swait.ge [sflag:s11], $0x1000  }
0x78: {  	[sflag:s11] =	ssyncset.done $0x0  }
0x79: {  	[sflag:s11] =	ssyncadd.s32 $0xFFFFF000  }
0x7a: {  	_ =	swait.ge [sflag:s6], $0x1000  }
0x7b: {  	s3 =	simm.s32 $0x2000;
	s17 =	simm.s32 $0x1000;
	[sflag:s6] =	ssyncset.done $0x0  }
.LBB2_4:
0x7c: {  	s15 =	sshra.s32 s17, $0x2;
	[sflag:s6] =	ssyncadd.s32 $0xFFFFF000  }
0x7d: {  	s17 =	smov.u32 s3;
	s19 =	sadd.s32 $0x1000, s3;
	s28 =	simm.s32 $0x5000  }
0x7e: {  	[tilespmem:s28], [sflag:$0x1] =	stream.indirect.gather [hbm4b:s4+s18], $0x20, s15, s18, $0xb8;
	[tilespmem:$0x132C0] =	vst v63  }
0x7f: {  	p0 =	sne.s32 s3, $0x9000;
	s20 =	simm.s32 $0x6000;
	s3 =	sadd.s32 $0x80, s15  }
0x80: {  	[tilespmem:s20], [sflag:$0x2] =	stream.indirect.gather [hbm4b:s4+s18], $0x20, s3, s18, $0xb8;
	[tilespmem:$0x132C0] =	vst v63  }
0x81: {  	s21 =	simm.s32 $0x7000;
	s3 =	sadd.s32 $0x100, s15  }
0x82: {  	[tilespmem:s21], [sflag:$0x3] =	stream.indirect.gather [hbm4b:s4+s18], $0x20, s3, s18, $0xb8;
	[tilespmem:$0x132C0] =	vst v63  }
0x83: {  	s22 =	simm.s32 $0x8000;
	s3 =	sadd.s32 $0x180, s15  }
0x84: {  	[tilespmem:s22], [sflag:$0x4] =	stream.indirect.gather [hbm4b:s4+s18], $0x20, s3, s18, $0xb8;
	[tilespmem:$0x132C0] =	vst v63  }
0x85: {  	s23 =	simm.s32 $0x9000;
	s3 =	sadd.s32 $0x200, s15  }
0x86: {  	[tilespmem:s23], [sflag:$0x5] =	stream.indirect.gather [hbm4b:s4+s18], $0x20, s3, s18, $0xb8;
	[tilespmem:$0x132C0] =	vst v63  }
0x87: {  	s24 =	simm.s32 $0xA000;
	s3 =	sadd.s32 $0x280, s15  }
0x88: {  	[tilespmem:s24], [sflag:$0x6] =	stream.indirect.gather [hbm4b:s4+s18], $0x20, s3, s18, $0xb8;
	[tilespmem:$0x132C0] =	vst v63  }
0x89: {  	s25 =	simm.s32 $0xB000;
	s3 =	sadd.s32 $0x300, s15  }
0x8a: {  	[tilespmem:s25], [sflag:$0x7] =	stream.indirect.gather [hbm4b:s4+s18], $0x20, s3, s18, $0xb8;
	[tilespmem:$0x132C0] =	vst v63  }
0x8b: {  	s26 =	simm.s32 $0xC000;
	s3 =	sadd.s32 $0x380, s15  }
0x8c: {  	[tilespmem:s26], [sflag:$0x8] =	stream.indirect.gather [hbm4b:s4+s18], $0x20, s3, s18, $0xb8;
	[tilespmem:$0x132C0] =	vst v63  }
0x8d: {  	_ =	swait.ge [sflag:s29], $0x1000  }
0x8e: {  	[sflag:s29] =	ssyncset.done $0x0  }
0x8f: {  	s3 =	sadd.s32 $0x2800, s15;
	[sflag:s29] =	ssyncadd.s32 $0xFFFFF000  }
0x90: {  	[spmem:s2] =	stream.indirect.scatter.add.bf16 [tilespmem:s28], [sflag:$0x9], $0x20, s3, s18, $0xb8;
	[tilespmem:$0x132C0] =	vst v63  }
0x91: {  	s28 =	simm.s32 $0x2  }
0x92: {  	_ =	swait.ge [sflag:s28], $0x1000  }
0x93: {  	[sflag:s28] =	ssyncset.done $0x0  }
0x94: {  	s3 =	sadd.s32 $0x2880, s15;
	[sflag:s28] =	ssyncadd.s32 $0xFFFFF000  }
0x95: {  	[spmem:s2] =	stream.indirect.scatter.add.bf16 [tilespmem:s20], [sflag:$0xA], $0x20, s3, s18, $0xb8;
	[tilespmem:$0x132C0] =	vst v63  }
0x96: {  	_ =	swait.ge [sflag:s30], $0x1000  }
0x97: {  	[sflag:s30] =	ssyncset.done $0x0  }
0x98: {  	s3 =	sadd.s32 $0x2900, s15;
	[sflag:s30] =	ssyncadd.s32 $0xFFFFF000  }
0x99: {  	[spmem:s2] =	stream.indirect.scatter.add.bf16 [tilespmem:s21], [sflag:$0xB], $0x20, s3, s18, $0xb8;
	[tilespmem:$0x132C0] =	vst v63  }
0x9a: {  	_ =	swait.ge [sflag:s31], $0x1000  }
0x9b: {  	[sflag:s31] =	ssyncset.done $0x0  }
0x9c: {  	s3 =	sadd.s32 $0x2980, s15;
	[sflag:s31] =	ssyncadd.s32 $0xFFFFF000  }
0x9d: {  	[spmem:s2] =	stream.indirect.scatter.add.bf16 [tilespmem:s22], [sflag:$0xC], $0x20, s3, s18, $0xb8;
	[tilespmem:$0x132C0] =	vst v63  }
0x9e: {  	_ =	swait.ge [sflag:s1], $0x1000  }
0x9f: {  	[sflag:s1] =	ssyncset.done $0x0  }
0xa0: {  	s3 =	sadd.s32 $0x2A00, s15;
	[sflag:s1] =	ssyncadd.s32 $0xFFFFF000  }
0xa1: {  	[spmem:s2] =	stream.indirect.scatter.add.bf16 [tilespmem:s23], [sflag:$0xD], $0x20, s3, s18, $0xb8;
	[tilespmem:$0x132C0] =	vst v63  }
0xa2: {  	_ =	swait.ge [sflag:s16], $0x1000  }
0xa3: {  	[sflag:s16] =	ssyncset.done $0x0  }
0xa4: {  	s3 =	sadd.s32 $0x2A80, s15;
	[sflag:s16] =	ssyncadd.s32 $0xFFFFF000  }
0xa5: {  	[spmem:s2] =	stream.indirect.scatter.add.bf16 [tilespmem:s24], [sflag:$0xE], $0x20, s3, s18, $0xb8;
	[tilespmem:$0x132C0] =	vst v63  }
0xa6: {  	_ =	swait.ge [sflag:s0], $0x1000  }
0xa7: {  	[sflag:s0] =	ssyncset.done $0x0  }
0xa8: {  	s3 =	sadd.s32 $0x2B00, s15;
	[sflag:s0] =	ssyncadd.s32 $0xFFFFF000  }
0xa9: {  	[spmem:s2] =	stream.indirect.scatter.add.bf16 [tilespmem:s25], [sflag:$0xF], $0x20, s3, s18, $0xb8;
	[tilespmem:$0x132C0] =	vst v63  }
0xaa: {  	_ =	swait.ge [sflag:s7], $0x1000  }
0xab: {  	[sflag:s7] =	ssyncset.done $0x0  }
0xac: {  	s3 =	sadd.s32 $0x2B80, s15;
	[sflag:s7] =	ssyncadd.s32 $0xFFFFF000  }
0xad: {  	[spmem:s2] =	stream.indirect.scatter.add.bf16 [tilespmem:s26], [sflag:$0x10], $0x20, s3, s18, $0xb8;
	[tilespmem:$0x132C0] =	vst v63  }
0xae: {  	_ =	swait.ge [sflag:s8], $0x1000  }
0xaf: {  	[sflag:s8] =	ssyncset.done $0x0  }
0xb0: {  	[sflag:s8] =	ssyncadd.s32 $0xFFFFF000  }
0xb1: {  	_ =	swait.ge [sflag:s12], $0x1000  }
0xb2: {  	[sflag:s12] =	ssyncset.done $0x0  }
0xb3: {  	[sflag:s12] =	ssyncadd.s32 $0xFFFFF000  }
0xb4: {  	_ =	swait.ge [sflag:s13], $0x1000  }
0xb5: {  	[sflag:s13] =	ssyncset.done $0x0  }
0xb6: {  	[sflag:s13] =	ssyncadd.s32 $0xFFFFF000  }
0xb7: {  	_ =	swait.ge [sflag:s14], $0x1000  }
0xb8: {  	[sflag:s14] =	ssyncset.done $0x0  }
0xb9: {  	[sflag:s14] =	ssyncadd.s32 $0xFFFFF000  }
0xba: {  	_ =	swait.ge [sflag:s9], $0x1000  }
0xbb: {  	[sflag:s9] =	ssyncset.done $0x0  }
0xbc: {  	[sflag:s9] =	ssyncadd.s32 $0xFFFFF000  }
0xbd: {  	_ =	swait.ge [sflag:s10], $0x1000  }
0xbe: {  	[sflag:s10] =	ssyncset.done $0x0  }
0xbf: {  	[sflag:s10] =	ssyncadd.s32 $0xFFFFF000  }
.Ltmp1:
0xc0: {  	_ =	swait.ge [sflag:s11], $0x1000;
	(pc) =	sbr.rel @p0 .LBB2_4-.Ltmp1, $4  }
0xc1: {  	[sflag:s11] =	ssyncset.done $0x0  }
0xc2: {  	[sflag:s11] =	ssyncadd.s32 $0xFFFFF000  }
0xc3: {  	_ =	swait.ge [sflag:s6], $0x1000  }
0xc4: {  	s3 =	smov.u32 s19;
	[sflag:s6] =	ssyncset.done $0x0  }
0xc5: {  	s3 =	sshra.s32 s17, $0x2;
	[sflag:s6] =	ssyncadd.s32 $0xFFFFF000;
	s20 =	simm.s32 $0x5000  }
0xc6: {  	[tilespmem:s20], [sflag:$0x1] =	stream.indirect.gather [hbm4b:s4+s18], $0x20, s3, s18, $0xb8;
	[tilespmem:$0x132C0] =	vst v63  }
0xc7: {  	s21 =	simm.s32 $0x6000;
	s15 =	sadd.s32 $0x80, s3  }
0xc8: {  	[tilespmem:s21], [sflag:$0x2] =	stream.indirect.gather [hbm4b:s4+s18], $0x20, s15, s18, $0xb8;
	[tilespmem:$0x132C0] =	vst v63  }
0xc9: {  	s22 =	simm.s32 $0x7000;
	s24 =	sadd.s32 $0x100, s3  }
0xca: {  	[tilespmem:s22], [sflag:$0x3] =	stream.indirect.gather [hbm4b:s4+s18], $0x20, s24, s18, $0xb8;
	[tilespmem:$0x132C0] =	vst v63  }
0xcb: {  	s23 =	simm.s32 $0x8000;
	s25 =	sadd.s32 $0x180, s3  }
0xcc: {  	[tilespmem:s23], [sflag:$0x4] =	stream.indirect.gather [hbm4b:s4+s18], $0x20, s25, s18, $0xb8;
	[tilespmem:$0x132C0] =	vst v63  }
0xcd: {  	s26 =	sadd.s32 $0x200, s3;
	s24 =	simm.s32 $0x9000  }
0xce: {  	[tilespmem:s24], [sflag:$0x5] =	stream.indirect.gather [hbm4b:s4+s18], $0x20, s26, s18, $0xb8;
	[tilespmem:$0x132C0] =	vst v63  }
0xcf: {  	s17 =	sadd.s32 $0x280, s3;
	s25 =	simm.s32 $0xA000  }
0xd0: {  	[tilespmem:s25], [sflag:$0x6] =	stream.indirect.gather [hbm4b:s4+s18], $0x20, s17, s18, $0xb8;
	[tilespmem:$0x132C0] =	vst v63  }
0xd1: {  	s19 =	sadd.s32 $0x300, s3;
	s26 =	simm.s32 $0xB000  }
0xd2: {  	[tilespmem:s26], [sflag:$0x7] =	stream.indirect.gather [hbm4b:s4+s18], $0x20, s19, s18, $0xb8;
	[tilespmem:$0x132C0] =	vst v63  }
0xd3: {  	s17 =	sadd.s32 $0x380, s3;
	s19 =	simm.s32 $0xC000  }
0xd4: {  	[tilespmem:s19], [sflag:$0x8] =	stream.indirect.gather [hbm4b:s4+s18], $0x20, s17, s18, $0xb8;
	[tilespmem:$0x132C0] =	vst v63  }
0xd5: {  	_ =	swait.ge [sflag:s29], $0x1000  }
0xd6: {  	[sflag:s29] =	ssyncset.done $0x0  }
0xd7: {  	s19 =	sadd.s32 $0x2800, s3;
	[sflag:s29] =	ssyncadd.s32 $0xFFFFF000  }
0xd8: {  	[spmem:s2] =	stream.indirect.scatter.add.bf16 [tilespmem:s20], [sflag:$0x9], $0x20, s19, s18, $0xb8;
	[tilespmem:$0x132C0] =	vst v63  }
0xd9: {  	_ =	swait.ge [sflag:s28], $0x1000  }
0xda: {  	[sflag:s28] =	ssyncset.done $0x0  }
0xdb: {  	s19 =	sadd.s32 $0x2880, s3;
	[sflag:s28] =	ssyncadd.s32 $0xFFFFF000  }
0xdc: {  	[spmem:s2] =	stream.indirect.scatter.add.bf16 [tilespmem:s21], [sflag:$0xA], $0x20, s19, s18, $0xb8;
	[tilespmem:$0x132C0] =	vst v63  }
0xdd: {  	_ =	swait.ge [sflag:s30], $0x1000  }
0xde: {  	[sflag:s30] =	ssyncset.done $0x0  }
0xdf: {  	s19 =	sadd.s32 $0x2900, s3;
	[sflag:s30] =	ssyncadd.s32 $0xFFFFF000  }
0xe0: {  	[spmem:s2] =	stream.indirect.scatter.add.bf16 [tilespmem:s22], [sflag:$0xB], $0x20, s19, s18, $0xb8;
	[tilespmem:$0x132C0] =	vst v63  }
0xe1: {  	_ =	swait.ge [sflag:s31], $0x1000  }
0xe2: {  	[sflag:s31] =	ssyncset.done $0x0  }
0xe3: {  	s19 =	sadd.s32 $0x2980, s3;
	[sflag:s31] =	ssyncadd.s32 $0xFFFFF000  }
0xe4: {  	[spmem:s2] =	stream.indirect.scatter.add.bf16 [tilespmem:s23], [sflag:$0xC], $0x20, s19, s18, $0xb8;
	[tilespmem:$0x132C0] =	vst v63  }
0xe5: {  	_ =	swait.ge [sflag:s1], $0x1000  }
0xe6: {  	[sflag:s1] =	ssyncset.done $0x0  }
0xe7: {  	s19 =	sadd.s32 $0x2A00, s3;
	[sflag:s1] =	ssyncadd.s32 $0xFFFFF000  }
0xe8: {  	[spmem:s2] =	stream.indirect.scatter.add.bf16 [tilespmem:s24], [sflag:$0xD], $0x20, s19, s18, $0xb8;
	[tilespmem:$0x132C0] =	vst v63  }
0xe9: {  	_ =	swait.ge [sflag:s16], $0x1000  }
0xea: {  	[sflag:s16] =	ssyncset.done $0x0  }
0xeb: {  	s19 =	sadd.s32 $0x2A80, s3;
	[sflag:s16] =	ssyncadd.s32 $0xFFFFF000  }
0xec: {  	[spmem:s2] =	stream.indirect.scatter.add.bf16 [tilespmem:s25], [sflag:$0xE], $0x20, s19, s18, $0xb8;
	[tilespmem:$0x132C0] =	vst v63  }
0xed: {  	_ =	swait.ge [sflag:s0], $0x1000  }
0xee: {  	[sflag:s0] =	ssyncset.done $0x0  }
0xef: {  	s19 =	sadd.s32 $0x2B00, s3;
	[sflag:s0] =	ssyncadd.s32 $0xFFFFF000  }
0xf0: {  	[spmem:s2] =	stream.indirect.scatter.add.bf16 [tilespmem:s26], [sflag:$0xF], $0x20, s19, s18, $0xb8;
	[tilespmem:$0x132C0] =	vst v63  }
0xf1: {  	_ =	swait.ge [sflag:s7], $0x1000  }
0xf2: {  	[sflag:s7] =	ssyncset.done $0x0  }
0xf3: {  	s17 =	simm.s32 $0xC000;
	s3 =	sadd.s32 $0x2B80, s3;
	[sflag:s7] =	ssyncadd.s32 $0xFFFFF000  }
0xf4: {  	[spmem:s2] =	stream.indirect.scatter.add.bf16 [tilespmem:s17], [sflag:$0x10], $0x20, s3, s18, $0xb8;
	[tilespmem:$0x132C0] =	vst v63  }
0xf5: {  	_ =	swait.ge [sflag:s8], $0x1000  }
0xf6: {  	[sflag:s8] =	ssyncset.done $0x0  }
0xf7: {  	[sflag:s8] =	ssyncadd.s32 $0xFFFFF000  }
0xf8: {  	_ =	swait.ge [sflag:s12], $0x1000  }
0xf9: {  	[sflag:s12] =	ssyncset.done $0x0  }
0xfa: {  	[sflag:s12] =	ssyncadd.s32 $0xFFFFF000  }
0xfb: {  	_ =	swait.ge [sflag:s13], $0x1000  }
0xfc: {  	[sflag:s13] =	ssyncset.done $0x0  }
0xfd: {  	[sflag:s13] =	ssyncadd.s32 $0xFFFFF000  }
0xfe: {  	_ =	swait.ge [sflag:s14], $0x1000  }
0xff: {  	[sflag:s14] =	ssyncset.done $0x0  }
0x100: {  	[sflag:s14] =	ssyncadd.s32 $0xFFFFF000  }
0x101: {  	_ =	swait.ge [sflag:s9], $0x1000  }
0x102: {  	[sflag:s9] =	ssyncset.done $0x0  }
0x103: {  	[sflag:s9] =	ssyncadd.s32 $0xFFFFF000  }
0x104: {  	_ =	swait.ge [sflag:s10], $0x1000  }
0x105: {  	[sflag:s10] =	ssyncset.done $0x0  }
0x106: {  	[sflag:s10] =	ssyncadd.s32 $0xFFFFF000  }
0x107: {  	_ =	swait.ge [sflag:s11], $0x1000  }
0x108: {  	[sflag:s11] =	ssyncset.done $0x0  }
0x109: {  	[sflag:s11] =	ssyncadd.s32 $0xFFFFF000  }
0x10a: {  	_ =	swait.ge [sflag:s6], $0x1000  }
0x10b: {  	[sflag:s6] =	ssyncset.done $0x0  }
0x10c: {  	[sflag:s6] =	ssyncadd.s32 $0xFFFFF000  }
0x10d: {  	s17 =	stileid.u32;
	[bflag:$0x0] =	sbarrier.arrive $0xFFFF  }
0x10e: {  	s3 =	sshll.u32 s17, $0x6;
	s19 =	rddreg [dreg:$0x5]  }
0x10f: {  	s17 =	sor.u32 $0x1C11, s3;
	s15 =	rddreg [dreg:$0xb]  }
0x110: {  	[dreg:$0xe] =	wrdreg s17;
	s3 =	sshrl.u32 s19, $0x3  }
0x111: {  	[dreg:$0xf] =	wrdreg s3  }
0x112: {  	[hbm:s15], [sflag:s17] =	dma.local [spmem:s3], $0x9E0  }
0x113: {  	s15 =	simm.s32 $0x11  }
0x114: {  	_ =	swait.ge [sflag:s15], $0x9E0  }
0x115: {  	[sflag:s15] =	ssyncset.done $0x0  }
0x116: {  	[sflag:s15] =	ssyncadd.s32 $0xFFFFF620  }
0x117: {  	s17 =	simm.s32 $0xD000;
	[bflag:$0x0] =	sbarrier.arrive $0xFFFF  }
0x118: {  	[spmem:s19] =	stream.linear.scatter [tilespmem:s17], [sflag:$0x11], $0x13C0, $0x38;
	[tilespmem:$0x132C0] =	vst v63  }
0x119: {  	_ =	swait.ge [sflag:s15], $0x13C0  }
0x11a: {  	[sflag:s15] =	ssyncset.done $0x0  }
0x11b: {  	s19 =	rddreg [dreg:$0x8];
	[sflag:s15] =	ssyncadd.s32 $0xFFFFEC40  }
0x11c: {  	[spmem:s19] =	stream.linear.scatter [tilespmem:s17], [sflag:$0x11], $0x13C0, $0x38;
	[tilespmem:$0x132C0] =	vst v63  }
0x11d: {  	_ =	swait.ge [sflag:s15], $0x13C0  }
0x11e: {  	[sflag:s15] =	ssyncset.done $0x0  }
0x11f: {  	s19 =	rddreg [dreg:$0x9];
	[sflag:s15] =	ssyncadd.s32 $0xFFFFEC40  }
0x120: {  	[spmem:s19] =	stream.linear.scatter [tilespmem:s17], [sflag:$0x11], $0x13C0, $0x38;
	[tilespmem:$0x132C0] =	vst v63  }
0x121: {  	_ =	swait.ge [sflag:s15], $0x13C0  }
0x122: {  	[sflag:s15] =	ssyncset.done $0x0  }
0x123: {  	s19 =	rddreg [dreg:$0xa];
	[sflag:s15] =	ssyncadd.s32 $0xFFFFEC40  }
0x124: {  	[spmem:s19] =	stream.linear.scatter [tilespmem:s17], [sflag:$0x11], $0x13C0, $0x38;
	[tilespmem:$0x132C0] =	vst v63  }
0x125: {  	_ =	swait.ge [sflag:s15], $0x13C0  }
0x126: {  	[sflag:s15] =	ssyncset.done $0x0  }
0x127: {  	[sflag:s15] =	ssyncadd.s32 $0xFFFFEC40  }
0x128: {  	s19 =	simm.s32 $0x0;
	[bflag:$0x0] =	sbarrier.arrive $0xFFFF  }
0x129: {  	[tilespmem:s20], [sflag:$0x1] =	stream.indirect.gather [hbm4b:s5+s18], $0x20, s19, s18, $0xb8;
	[tilespmem:$0x132C0] =	vst v63  }
0x12a: {  	s15 =	simm.s32 $0x80  }
0x12b: {  	[tilespmem:s21], [sflag:$0x2] =	stream.indirect.gather [hbm4b:s5+s18], $0x20, s15, s18, $0xb8;
	[tilespmem:$0x132C0] =	vst v63  }
0x12c: {  	s17 =	simm.s32 $0x100  }
0x12d: {  	[tilespmem:s22], [sflag:$0x3] =	stream.indirect.gather [hbm4b:s5+s18], $0x20, s17, s18, $0xb8;
	[tilespmem:$0x132C0] =	vst v63  }
0x12e: {  	s19 =	simm.s32 $0x180  }
0x12f: {  	[tilespmem:s23], [sflag:$0x4] =	stream.indirect.gather [hbm4b:s5+s18], $0x20, s19, s18, $0xb8;
	[tilespmem:$0x132C0] =	vst v63  }
0x130: {  	s15 =	simm.s32 $0x200  }
0x131: {  	[tilespmem:s24], [sflag:$0x5] =	stream.indirect.gather [hbm4b:s5+s18], $0x20, s15, s18, $0xb8;
	[tilespmem:$0x132C0] =	vst v63  }
0x132: {  	s17 =	simm.s32 $0x280  }
0x133: {  	[tilespmem:s25], [sflag:$0x6] =	stream.indirect.gather [hbm4b:s5+s18], $0x20, s17, s18, $0xb8;
	[tilespmem:$0x132C0] =	vst v63  }
0x134: {  	s19 =	simm.s32 $0x300  }
0x135: {  	[tilespmem:s26], [sflag:$0x7] =	stream.indirect.gather [hbm4b:s5+s18], $0x20, s19, s18, $0xb8;
	[tilespmem:$0x132C0] =	vst v63  }
0x136: {  	s15 =	simm.s32 $0x380;
	s17 =	simm.s32 $0xC000  }
0x137: {  	[tilespmem:s17], [sflag:$0x8] =	stream.indirect.gather [hbm4b:s5+s18], $0x20, s15, s18, $0xb8;
	[tilespmem:$0x132C0] =	vst v63  }
0x138: {  	_ =	swait.ge [sflag:s29], $0x1000  }
0x139: {  	[sflag:s29] =	ssyncset.done $0x0  }
0x13a: {  	s19 =	simm.s32 $0x2800;
	[sflag:s29] =	ssyncadd.s32 $0xFFFFF000  }
0x13b: {  	[spmem:s2] =	stream.indirect.scatter.add.bf16 [tilespmem:s20], [sflag:$0x9], $0x20, s19, s18, $0xb8;
	[tilespmem:$0x132C0] =	vst v63  }
0x13c: {  	_ =	swait.ge [sflag:s28], $0x1000  }
0x13d: {  	[sflag:s28] =	ssyncset.done $0x0  }
0x13e: {  	s20 =	simm.s32 $0x2880;
	[sflag:s28] =	ssyncadd.s32 $0xFFFFF000  }
0x13f: {  	[spmem:s2] =	stream.indirect.scatter.add.bf16 [tilespmem:s21], [sflag:$0xA], $0x20, s20, s18, $0xb8;
	[tilespmem:$0x132C0] =	vst v63  }
0x140: {  	_ =	swait.ge [sflag:s30], $0x1000  }
0x141: {  	[sflag:s30] =	ssyncset.done $0x0  }
0x142: {  	s21 =	simm.s32 $0x2900;
	[sflag:s30] =	ssyncadd.s32 $0xFFFFF000  }
0x143: {  	[spmem:s2] =	stream.indirect.scatter.add.bf16 [tilespmem:s22], [sflag:$0xB], $0x20, s21, s18, $0xb8;
	[tilespmem:$0x132C0] =	vst v63  }
0x144: {  	_ =	swait.ge [sflag:s31], $0x1000  }
0x145: {  	[sflag:s31] =	ssyncset.done $0x0  }
0x146: {  	s22 =	simm.s32 $0x2980;
	[sflag:s31] =	ssyncadd.s32 $0xFFFFF000  }
0x147: {  	[spmem:s2] =	stream.indirect.scatter.add.bf16 [tilespmem:s23], [sflag:$0xC], $0x20, s22, s18, $0xb8;
	[tilespmem:$0x132C0] =	vst v63  }
0x148: {  	_ =	swait.ge [sflag:s1], $0x1000  }
0x149: {  	[sflag:s1] =	ssyncset.done $0x0  }
0x14a: {  	s23 =	simm.s32 $0x2A00;
	[sflag:s1] =	ssyncadd.s32 $0xFFFFF000  }
0x14b: {  	[spmem:s2] =	stream.indirect.scatter.add.bf16 [tilespmem:s24], [sflag:$0xD], $0x20, s23, s18, $0xb8;
	[tilespmem:$0x132C0] =	vst v63  }
0x14c: {  	_ =	swait.ge [sflag:s16], $0x1000  }
0x14d: {  	[sflag:s16] =	ssyncset.done $0x0  }
0x14e: {  	s24 =	simm.s32 $0x2A80;
	[sflag:s16] =	ssyncadd.s32 $0xFFFFF000  }
0x14f: {  	[spmem:s2] =	stream.indirect.scatter.add.bf16 [tilespmem:s25], [sflag:$0xE], $0x20, s24, s18, $0xb8;
	[tilespmem:$0x132C0] =	vst v63  }
0x150: {  	_ =	swait.ge [sflag:s0], $0x1000  }
0x151: {  	[sflag:s0] =	ssyncset.done $0x0  }
0x152: {  	s25 =	simm.s32 $0x2B00;
	[sflag:s0] =	ssyncadd.s32 $0xFFFFF000  }
0x153: {  	[spmem:s2] =	stream.indirect.scatter.add.bf16 [tilespmem:s26], [sflag:$0xF], $0x20, s25, s18, $0xb8;
	[tilespmem:$0x132C0] =	vst v63  }
0x154: {  	_ =	swait.ge [sflag:s7], $0x1000  }
0x155: {  	[sflag:s7] =	ssyncset.done $0x0  }
0x156: {  	s28 =	simm.s32 $0x2B80;
	[sflag:s7] =	ssyncadd.s32 $0xFFFFF000  }
0x157: {  	[spmem:s2] =	stream.indirect.scatter.add.bf16 [tilespmem:s17], [sflag:$0x10], $0x20, s28, s18, $0xb8;
	[tilespmem:$0x132C0] =	vst v63  }
0x158: {  	_ =	swait.ge [sflag:s8], $0x1000  }
0x159: {  	[sflag:s8] =	ssyncset.done $0x0  }
0x15a: {  	[sflag:s8] =	ssyncadd.s32 $0xFFFFF000  }
0x15b: {  	_ =	swait.ge [sflag:s12], $0x1000  }
0x15c: {  	[sflag:s12] =	ssyncset.done $0x0  }
0x15d: {  	[sflag:s12] =	ssyncadd.s32 $0xFFFFF000  }
0x15e: {  	_ =	swait.ge [sflag:s13], $0x1000  }
0x15f: {  	[sflag:s13] =	ssyncset.done $0x0  }
0x160: {  	[sflag:s13] =	ssyncadd.s32 $0xFFFFF000  }
0x161: {  	_ =	swait.ge [sflag:s14], $0x1000  }
0x162: {  	[sflag:s14] =	ssyncset.done $0x0  }
0x163: {  	[sflag:s14] =	ssyncadd.s32 $0xFFFFF000  }
0x164: {  	_ =	swait.ge [sflag:s9], $0x1000  }
0x165: {  	[sflag:s9] =	ssyncset.done $0x0  }
0x166: {  	[sflag:s9] =	ssyncadd.s32 $0xFFFFF000  }
0x167: {  	_ =	swait.ge [sflag:s10], $0x1000  }
0x168: {  	[sflag:s10] =	ssyncset.done $0x0  }
0x169: {  	[sflag:s10] =	ssyncadd.s32 $0xFFFFF000  }
0x16a: {  	_ =	swait.ge [sflag:s11], $0x1000  }
0x16b: {  	[sflag:s11] =	ssyncset.done $0x0  }
0x16c: {  	[sflag:s11] =	ssyncadd.s32 $0xFFFFF000  }
0x16d: {  	_ =	swait.ge [sflag:s6], $0x1000  }
0x16e: {  	s19 =	simm.s32 $0x2000;
	s17 =	simm.s32 $0x1000;
	[sflag:s6] =	ssyncset.done $0x0  }
.LBB2_6:
0x16f: {  	s15 =	sshra.s32 s17, $0x2;
	[sflag:s6] =	ssyncadd.s32 $0xFFFFF000  }
0x170: {  	s17 =	smov.u32 s19;
	s3 =	sadd.s32 $0x1000, s19;
	s28 =	simm.s32 $0x5000  }
0x171: {  	[tilespmem:s28], [sflag:$0x1] =	stream.indirect.gather [hbm4b:s5+s18], $0x20, s15, s18, $0xb8;
	[tilespmem:$0x132C0] =	vst v63  }
0x172: {  	p0 =	sne.s32 s19, $0x9000;
	s20 =	simm.s32 $0x6000;
	s19 =	sadd.s32 $0x80, s15  }
0x173: {  	[tilespmem:s20], [sflag:$0x2] =	stream.indirect.gather [hbm4b:s5+s18], $0x20, s19, s18, $0xb8;
	[tilespmem:$0x132C0] =	vst v63  }
0x174: {  	s21 =	simm.s32 $0x7000;
	s19 =	sadd.s32 $0x100, s15  }
0x175: {  	[tilespmem:s21], [sflag:$0x3] =	stream.indirect.gather [hbm4b:s5+s18], $0x20, s19, s18, $0xb8;
	[tilespmem:$0x132C0] =	vst v63  }
0x176: {  	s22 =	simm.s32 $0x8000;
	s19 =	sadd.s32 $0x180, s15  }
0x177: {  	[tilespmem:s22], [sflag:$0x4] =	stream.indirect.gather [hbm4b:s5+s18], $0x20, s19, s18, $0xb8;
	[tilespmem:$0x132C0] =	vst v63  }
0x178: {  	s23 =	simm.s32 $0x9000;
	s19 =	sadd.s32 $0x200, s15  }
0x179: {  	[tilespmem:s23], [sflag:$0x5] =	stream.indirect.gather [hbm4b:s5+s18], $0x20, s19, s18, $0xb8;
	[tilespmem:$0x132C0] =	vst v63  }
0x17a: {  	s24 =	simm.s32 $0xA000;
	s19 =	sadd.s32 $0x280, s15  }
0x17b: {  	[tilespmem:s24], [sflag:$0x6] =	stream.indirect.gather [hbm4b:s5+s18], $0x20, s19, s18, $0xb8;
	[tilespmem:$0x132C0] =	vst v63  }
0x17c: {  	s25 =	simm.s32 $0xB000;
	s19 =	sadd.s32 $0x300, s15  }
0x17d: {  	[tilespmem:s25], [sflag:$0x7] =	stream.indirect.gather [hbm4b:s5+s18], $0x20, s19, s18, $0xb8;
	[tilespmem:$0x132C0] =	vst v63  }
0x17e: {  	s26 =	simm.s32 $0xC000;
	s19 =	sadd.s32 $0x380, s15  }
0x17f: {  	[tilespmem:s26], [sflag:$0x8] =	stream.indirect.gather [hbm4b:s5+s18], $0x20, s19, s18, $0xb8;
	[tilespmem:$0x132C0] =	vst v63  }
0x180: {  	_ =	swait.ge [sflag:s29], $0x1000  }
0x181: {  	[sflag:s29] =	ssyncset.done $0x0  }
0x182: {  	s19 =	sadd.s32 $0x2800, s15;
	[sflag:s29] =	ssyncadd.s32 $0xFFFFF000  }
0x183: {  	[spmem:s2] =	stream.indirect.scatter.add.bf16 [tilespmem:s28], [sflag:$0x9], $0x20, s19, s18, $0xb8;
	[tilespmem:$0x132C0] =	vst v63  }
0x184: {  	s28 =	simm.s32 $0x2  }
0x185: {  	_ =	swait.ge [sflag:s28], $0x1000  }
0x186: {  	[sflag:s28] =	ssyncset.done $0x0  }
0x187: {  	s19 =	sadd.s32 $0x2880, s15;
	[sflag:s28] =	ssyncadd.s32 $0xFFFFF000  }
0x188: {  	[spmem:s2] =	stream.indirect.scatter.add.bf16 [tilespmem:s20], [sflag:$0xA], $0x20, s19, s18, $0xb8;
	[tilespmem:$0x132C0] =	vst v63  }
0x189: {  	_ =	swait.ge [sflag:s30], $0x1000  }
0x18a: {  	[sflag:s30] =	ssyncset.done $0x0  }
0x18b: {  	s19 =	sadd.s32 $0x2900, s15;
	[sflag:s30] =	ssyncadd.s32 $0xFFFFF000  }
0x18c: {  	[spmem:s2] =	stream.indirect.scatter.add.bf16 [tilespmem:s21], [sflag:$0xB], $0x20, s19, s18, $0xb8;
	[tilespmem:$0x132C0] =	vst v63  }
0x18d: {  	_ =	swait.ge [sflag:s31], $0x1000  }
0x18e: {  	[sflag:s31] =	ssyncset.done $0x0  }
0x18f: {  	s19 =	sadd.s32 $0x2980, s15;
	[sflag:s31] =	ssyncadd.s32 $0xFFFFF000  }
0x190: {  	[spmem:s2] =	stream.indirect.scatter.add.bf16 [tilespmem:s22], [sflag:$0xC], $0x20, s19, s18, $0xb8;
	[tilespmem:$0x132C0] =	vst v63  }
0x191: {  	_ =	swait.ge [sflag:s1], $0x1000  }
0x192: {  	[sflag:s1] =	ssyncset.done $0x0  }
0x193: {  	s19 =	sadd.s32 $0x2A00, s15;
	[sflag:s1] =	ssyncadd.s32 $0xFFFFF000  }
0x194: {  	[spmem:s2] =	stream.indirect.scatter.add.bf16 [tilespmem:s23], [sflag:$0xD], $0x20, s19, s18, $0xb8;
	[tilespmem:$0x132C0] =	vst v63  }
0x195: {  	_ =	swait.ge [sflag:s16], $0x1000  }
0x196: {  	[sflag:s16] =	ssyncset.done $0x0  }
0x197: {  	s19 =	sadd.s32 $0x2A80, s15;
	[sflag:s16] =	ssyncadd.s32 $0xFFFFF000  }
0x198: {  	[spmem:s2] =	stream.indirect.scatter.add.bf16 [tilespmem:s24], [sflag:$0xE], $0x20, s19, s18, $0xb8;
	[tilespmem:$0x132C0] =	vst v63  }
0x199: {  	_ =	swait.ge [sflag:s0], $0x1000  }
0x19a: {  	[sflag:s0] =	ssyncset.done $0x0  }
0x19b: {  	s19 =	sadd.s32 $0x2B00, s15;
	[sflag:s0] =	ssyncadd.s32 $0xFFFFF000  }
0x19c: {  	[spmem:s2] =	stream.indirect.scatter.add.bf16 [tilespmem:s25], [sflag:$0xF], $0x20, s19, s18, $0xb8;
	[tilespmem:$0x132C0] =	vst v63  }
0x19d: {  	_ =	swait.ge [sflag:s7], $0x1000  }
0x19e: {  	[sflag:s7] =	ssyncset.done $0x0  }
0x19f: {  	s15 =	sadd.s32 $0x2B80, s15;
	[sflag:s7] =	ssyncadd.s32 $0xFFFFF000  }
0x1a0: {  	[spmem:s2] =	stream.indirect.scatter.add.bf16 [tilespmem:s26], [sflag:$0x10], $0x20, s15, s18, $0xb8;
	[tilespmem:$0x132C0] =	vst v63  }
0x1a1: {  	_ =	swait.ge [sflag:s8], $0x1000  }
0x1a2: {  	[sflag:s8] =	ssyncset.done $0x0  }
0x1a3: {  	[sflag:s8] =	ssyncadd.s32 $0xFFFFF000  }
0x1a4: {  	_ =	swait.ge [sflag:s12], $0x1000  }
0x1a5: {  	[sflag:s12] =	ssyncset.done $0x0  }
0x1a6: {  	[sflag:s12] =	ssyncadd.s32 $0xFFFFF000  }
0x1a7: {  	_ =	swait.ge [sflag:s13], $0x1000  }
0x1a8: {  	[sflag:s13] =	ssyncset.done $0x0  }
0x1a9: {  	[sflag:s13] =	ssyncadd.s32 $0xFFFFF000  }
0x1aa: {  	_ =	swait.ge [sflag:s14], $0x1000  }
0x1ab: {  	[sflag:s14] =	ssyncset.done $0x0  }
0x1ac: {  	[sflag:s14] =	ssyncadd.s32 $0xFFFFF000  }
0x1ad: {  	_ =	swait.ge [sflag:s9], $0x1000  }
0x1ae: {  	[sflag:s9] =	ssyncset.done $0x0  }
0x1af: {  	[sflag:s9] =	ssyncadd.s32 $0xFFFFF000  }
0x1b0: {  	_ =	swait.ge [sflag:s10], $0x1000  }
0x1b1: {  	[sflag:s10] =	ssyncset.done $0x0  }
0x1b2: {  	[sflag:s10] =	ssyncadd.s32 $0xFFFFF000  }
.Ltmp2:
0x1b3: {  	_ =	swait.ge [sflag:s11], $0x1000;
	(pc) =	sbr.rel @p0 .LBB2_6-.Ltmp2, $4  }
0x1b4: {  	[sflag:s11] =	ssyncset.done $0x0  }
0x1b5: {  	[sflag:s11] =	ssyncadd.s32 $0xFFFFF000  }
0x1b6: {  	_ =	swait.ge [sflag:s6], $0x1000  }
0x1b7: {  	s19 =	smov.u32 s3;
	[sflag:s6] =	ssyncset.done $0x0  }
0x1b8: {  	s3 =	sshra.s32 s17, $0x2;
	[sflag:s6] =	ssyncadd.s32 $0xFFFFF000;
	s25 =	simm.s32 $0x5000  }
0x1b9: {  	[tilespmem:s25], [sflag:$0x1] =	stream.indirect.gather [hbm4b:s5+s18], $0x20, s3, s18, $0xb8;
	[tilespmem:$0x132C0] =	vst v63  }
0x1ba: {  	s20 =	simm.s32 $0x6000;
	s15 =	sadd.s32 $0x80, s3  }
0x1bb: {  	[tilespmem:s20], [sflag:$0x2] =	stream.indirect.gather [hbm4b:s5+s18], $0x20, s15, s18, $0xb8;
	[tilespmem:$0x132C0] =	vst v63  }
0x1bc: {  	s21 =	simm.s32 $0x7000;
	s22 =	sadd.s32 $0x100, s3  }
0x1bd: {  	[tilespmem:s21], [sflag:$0x3] =	stream.indirect.gather [hbm4b:s5+s18], $0x20, s22, s18, $0xb8;
	[tilespmem:$0x132C0] =	vst v63  }
0x1be: {  	s23 =	sadd.s32 $0x180, s3;
	s22 =	simm.s32 $0x8000  }
0x1bf: {  	[tilespmem:s22], [sflag:$0x4] =	stream.indirect.gather [hbm4b:s5+s18], $0x20, s23, s18, $0xb8;
	[tilespmem:$0x132C0] =	vst v63  }
0x1c0: {  	s24 =	sadd.s32 $0x200, s3;
	s23 =	simm.s32 $0x9000  }
0x1c1: {  	[tilespmem:s23], [sflag:$0x5] =	stream.indirect.gather [hbm4b:s5+s18], $0x20, s24, s18, $0xb8;
	[tilespmem:$0x132C0] =	vst v63  }
0x1c2: {  	s26 =	sadd.s32 $0x280, s3;
	s24 =	simm.s32 $0xA000  }
0x1c3: {  	[tilespmem:s24], [sflag:$0x6] =	stream.indirect.gather [hbm4b:s5+s18], $0x20, s26, s18, $0xb8;
	[tilespmem:$0x132C0] =	vst v63  }
0x1c4: {  	s19 =	simm.s32 $0xB000;
	s17 =	sadd.s32 $0x300, s3  }
0x1c5: {  	[tilespmem:s19], [sflag:$0x7] =	stream.indirect.gather [hbm4b:s5+s18], $0x20, s17, s18, $0xb8;
	[tilespmem:$0x132C0] =	vst v63  }
0x1c6: {  	s26 =	sadd.s32 $0x380, s3;
	s17 =	simm.s32 $0xC000  }
0x1c7: {  	[tilespmem:s17], [sflag:$0x8] =	stream.indirect.gather [hbm4b:s5+s18], $0x20, s26, s18, $0xb8;
	[tilespmem:$0x132C0] =	vst v63  }
0x1c8: {  	_ =	swait.ge [sflag:s29], $0x1000  }
0x1c9: {  	[sflag:s29] =	ssyncset.done $0x0  }
0x1ca: {  	s26 =	sadd.s32 $0x2800, s3;
	[sflag:s29] =	ssyncadd.s32 $0xFFFFF000  }
0x1cb: {  	[spmem:s2] =	stream.indirect.scatter.add.bf16 [tilespmem:s25], [sflag:$0x9], $0x20, s26, s18, $0xb8;
	[tilespmem:$0x132C0] =	vst v63  }
0x1cc: {  	_ =	swait.ge [sflag:s28], $0x1000  }
0x1cd: {  	[sflag:s28] =	ssyncset.done $0x0  }
0x1ce: {  	s26 =	sadd.s32 $0x2880, s3;
	[sflag:s28] =	ssyncadd.s32 $0xFFFFF000  }
0x1cf: {  	[spmem:s2] =	stream.indirect.scatter.add.bf16 [tilespmem:s20], [sflag:$0xA], $0x20, s26, s18, $0xb8;
	[tilespmem:$0x132C0] =	vst v63  }
0x1d0: {  	_ =	swait.ge [sflag:s30], $0x1000  }
0x1d1: {  	[sflag:s30] =	ssyncset.done $0x0  }
0x1d2: {  	s20 =	sadd.s32 $0x2900, s3;
	[sflag:s30] =	ssyncadd.s32 $0xFFFFF000  }
0x1d3: {  	[spmem:s2] =	stream.indirect.scatter.add.bf16 [tilespmem:s21], [sflag:$0xB], $0x20, s20, s18, $0xb8;
	[tilespmem:$0x132C0] =	vst v63  }
0x1d4: {  	_ =	swait.ge [sflag:s31], $0x1000  }
0x1d5: {  	[sflag:s31] =	ssyncset.done $0x0  }
0x1d6: {  	s21 =	sadd.s32 $0x2980, s3;
	[sflag:s31] =	ssyncadd.s32 $0xFFFFF000  }
0x1d7: {  	[spmem:s2] =	stream.indirect.scatter.add.bf16 [tilespmem:s22], [sflag:$0xC], $0x20, s21, s18, $0xb8;
	[tilespmem:$0x132C0] =	vst v63  }
0x1d8: {  	_ =	swait.ge [sflag:s1], $0x1000  }
0x1d9: {  	[sflag:s1] =	ssyncset.done $0x0  }
0x1da: {  	s25 =	sadd.s32 $0x2A00, s3;
	[sflag:s1] =	ssyncadd.s32 $0xFFFFF000  }
0x1db: {  	[spmem:s2] =	stream.indirect.scatter.add.bf16 [tilespmem:s23], [sflag:$0xD], $0x20, s25, s18, $0xb8;
	[tilespmem:$0x132C0] =	vst v63  }
0x1dc: {  	_ =	swait.ge [sflag:s16], $0x1000  }
0x1dd: {  	[sflag:s16] =	ssyncset.done $0x0  }
0x1de: {  	s26 =	sadd.s32 $0x2A80, s3;
	[sflag:s16] =	ssyncadd.s32 $0xFFFFF000  }
0x1df: {  	[spmem:s2] =	stream.indirect.scatter.add.bf16 [tilespmem:s24], [sflag:$0xE], $0x20, s26, s18, $0xb8;
	[tilespmem:$0x132C0] =	vst v63  }
0x1e0: {  	_ =	swait.ge [sflag:s0], $0x1000  }
0x1e1: {  	[sflag:s0] =	ssyncset.done $0x0  }
0x1e2: {  	s20 =	sadd.s32 $0x2B00, s3;
	[sflag:s0] =	ssyncadd.s32 $0xFFFFF000  }
0x1e3: {  	[spmem:s2] =	stream.indirect.scatter.add.bf16 [tilespmem:s19], [sflag:$0xF], $0x20, s20, s18, $0xb8;
	[tilespmem:$0x132C0] =	vst v63  }
0x1e4: {  	_ =	swait.ge [sflag:s7], $0x1000  }
0x1e5: {  	[sflag:s7] =	ssyncset.done $0x0  }
0x1e6: {  	s3 =	sadd.s32 $0x2B80, s3;
	[sflag:s7] =	ssyncadd.s32 $0xFFFFF000  }
0x1e7: {  	[spmem:s2] =	stream.indirect.scatter.add.bf16 [tilespmem:s17], [sflag:$0x10], $0x20, s3, s18, $0xb8;
	[tilespmem:$0x132C0] =	vst v63  }
0x1e8: {  	_ =	swait.ge [sflag:s8], $0x1000  }
0x1e9: {  	[sflag:s8] =	ssyncset.done $0x0  }
0x1ea: {  	[sflag:s8] =	ssyncadd.s32 $0xFFFFF000  }
0x1eb: {  	_ =	swait.ge [sflag:s12], $0x1000  }
0x1ec: {  	[sflag:s12] =	ssyncset.done $0x0  }
0x1ed: {  	[sflag:s12] =	ssyncadd.s32 $0xFFFFF000  }
0x1ee: {  	_ =	swait.ge [sflag:s13], $0x1000  }
0x1ef: {  	[sflag:s13] =	ssyncset.done $0x0  }
0x1f0: {  	[sflag:s13] =	ssyncadd.s32 $0xFFFFF000  }
0x1f1: {  	_ =	swait.ge [sflag:s14], $0x1000  }
0x1f2: {  	[sflag:s14] =	ssyncset.done $0x0  }
0x1f3: {  	[sflag:s14] =	ssyncadd.s32 $0xFFFFF000  }
0x1f4: {  	_ =	swait.ge [sflag:s9], $0x1000  }
0x1f5: {  	[sflag:s9] =	ssyncset.done $0x0  }
0x1f6: {  	[sflag:s9] =	ssyncadd.s32 $0xFFFFF000  }
0x1f7: {  	_ =	swait.ge [sflag:s10], $0x1000  }
0x1f8: {  	[sflag:s10] =	ssyncset.done $0x0  }
0x1f9: {  	[sflag:s10] =	ssyncadd.s32 $0xFFFFF000  }
0x1fa: {  	_ =	swait.ge [sflag:s11], $0x1000  }
0x1fb: {  	[sflag:s11] =	ssyncset.done $0x0  }
0x1fc: {  	[sflag:s11] =	ssyncadd.s32 $0xFFFFF000  }
0x1fd: {  	_ =	swait.ge [sflag:s6], $0x1000  }
0x1fe: {  	[sflag:s6] =	ssyncset.done $0x0  }
0x1ff: {  	[sflag:s6] =	ssyncadd.s32 $0xFFFFF000  }
0x200: {  	[bflag:$0x0] =	sbarrier.arrive $0xFFFF  }
0x201: {  	s21 =	rddreg [dreg:$0xc]  }
0x202: {  	s22 =	rddreg [dreg:$0xe]  }
0x203: {  	s24 =	simm.s32 $0x11;
	s23 =	rddreg [dreg:$0xf]  }
0x204: {  	[hbm:s21], [sflag:s22] =	dma.local [spmem:s23], $0x9E0  }
0x205: {  	_ =	swait.ge [sflag:s24], $0x9E0  }
0x206: {  	s25 =	rddreg [dreg:$0x4]  }
0x207: {  	s26 =	rddreg [dreg:$0xd];
	s15 =	sadd.s32 $0x1, s25  }
0x208: {  	p0 =	sne.s32 s15, s26  }
.Ltmp3:
0x209: {  	_ = 	snop;
	(pc) =	sbr.rel @p0 .LBB2_1-.Ltmp3, $4  }
0x20a: {  	[sflag:s24] =	ssyncset.done $0x0  }
0x20b: {  	[sflag:s24] =	ssyncadd.s32 $0xFFFFF620  }
0x20c: {  	[bflag:$0x0] =	sbarrier.arrive $0xFFFF  }
0x20d: {  	s25 =	simm.s32 $0x1  }
0x20e: {  	_ =	sfence.sel $0x180000  }
0x20f: {  	[bflag:$0x0] =	sbarrier.arrive $0xFFFF  }
0x210: {  	_ =	strace $0x9000004A  }
0x211: {  	s0 =	stileid.u32;
	[bflag:$0x2] =	sbarrier.arrive $0xFFFF  }
0x212: {  	p0 =	sne.s32 s0, $0x0;
	s0 =	rddreg [dreg:$0x3]  }
0x213: {  	s0 =	sadd.s32 @!p0 $0x100000, s0  }
0x214: {  	[sflag:s0] =	ssyncadd.tile.s32 @!p0 $0x1;
	_ =	shalt  }
.Lfunc_end2:
_tile_overlayer_lowered:
.L_overlay_start_2:
0x215: {  	(tag) =	ssettag $0x2  }
0x216: {  	s0 =	rddreg [dreg:$0x0];
	s2 =	stileid.u32  }
0x217: {  	s1 =	rddreg [dreg:$0x1];
	p0 =	sne.s32 s2, $0x0  }
0x218: {  	s3 =	rddreg [dreg:$0x2];
	[bflag:$0x3] =	sbarrier.arrive $0xFFFF;
	s2 =	simm.s32 @!p0 $0x1C11  }
0x219: {  	[timem:s3], [sflag:s2] =	dma.local @!p0 [hbm:s0], s1  }
0x21a: {  	s0 =	simm.s32 @!p0 $0x11  }
0x21b: {  	_ =	swait.ge @!p0 [sflag:s0], s1  }
0x21c: {  	s1 =	ssub.s32 @!p0 $0x0, s1;
	[sflag:s0] =	ssyncset.done @!p0 $0x0  }
0x21d: {  	[sflag:s0] =	ssyncadd.s32 @!p0 s1  }
0x21e: {  	[bflag:$0x3] =	sbarrier.arrive $0xFFFF  }
0x21f: {  	_ =	shalt  }

// kernel: kernel.14.cloned.1.call-start
scs
__scs_entry_jumppad:
0x0: {  	(pc) =	sbr.rel $0x88, $3  }
0x1: {  	(tag) =	ssettag $0x0;
	lr =	simm.s32 $0x1  }
0x2: {  	[smem:$0x3F9B] =	sst lr;
	_ =	strace $0xD0000000  }
0x3: {  	_ = 	snop  }
0x4: {  	_ = 	snop  }
0x5: {  	_ = 	snop  }
0x6: {  	_ = 	snop  }
0x7: {  	_ = 	snop  }
__scs_overlays_trampoline_lowered:
0x8: {  	[smem:$0x3FAA] =	sst s0  }
0x9: {  	[smem:$0x3FAB] =	sst s1  }
0xa: {  	[smem:$0x3FAC] =	sst s2  }
0xb: {  	[smem:$0x3FAD] =	sst s3  }
0xc: {  	[smem:$0x3FAE] =	sst s4  }
0xd: {  	[smem:$0x3FAF] =	sst s5  }
0xe: {  	[smem:$0x3FB0] =	sst s6  }
0xf: {  	[smem:$0x3FB1] =	sst s7  }
0x10: {  	[smem:$0x3FB2] =	sst s8  }
0x11: {  	[smem:$0x3FB3] =	sst s9;
	s0 =	simm.s32 @!p0 $0x0  }
0x12: {  	s1 =	sld [smem:$0x3F99];
	s0 =	simm.s32 @p0 $0x1  }
0x13: {  	[smem:$0x3FB4] =	sst s0;
	s0 =	simm.s32 @!p1 $0x0  }
0x14: {  	s2 =	sld [smem:$0x3F98];
	s0 =	simm.s32 @p1 $0x1  }
0x15: {  	[smem:$0x3FB5] =	sst s0;
	s0 =	simm.s32 @!p2 $0x0  }
0x16: {  	s3 =	sld [smem:$0x3FDB];
	s0 =	simm.s32 @p2 $0x1  }
0x17: {  	s4 =	simm.s32 $0x1BF5;
	[smem:$0x3FB7] =	sst s0  }
0x18: {  	s0 =	sld [smem:$0x3F9A];
	_ =	swait.ge [sflag:s4], $0x0  }
0x19: {  	s7 =	sld [smem:$0x3F9B]  }
0x1a: {  	s8 =	sadd.s32 $0xFFFFE003, lr  }
0x1b: {  	s9 =	sadd.s32 $0xFFFFFEF7, lr;
	s5 =	simm.s32 $0xFFFFFFFF;
	p2 =	slt.u32 s8, $0xFFFFF086  }
0x1c: {  	p1 =	slt.u32 s9, $0xF7A;
	s5 =	simm.s32 @!p2 $0x0  }
0x1d: {  	s5 =	simm.s32 @p1 $0x1;
	p0 =	seq.s32 s7, s2  }
0x1e: {  	s7 =	smul.u32 @!p0 $0xF7A, s2;
	p2 =	seq.s32 @!p0 s5, $0x0  }
0x1f: {  	s9 =	smul.u32 $0xF7A, s1;
	s8 =	simm.s32 @!p0 $0x1BF5;
	p2 =	por !p2, p0  }
0x20: {  	[sflag:s8] =	ssyncset.s32 @!p0 $0xFFFFF086;
	s6 =	sadd.s32 @!p0 s3, s7;
	s7 =	simm.s32 @!p0 $0x108  }
0x21: {  	s3 =	sadd.s32 s3, s9;
	s6 =	sadd.s32 @!p0 $0x88, s6;
	s7 =	simm.s32 @p2 $0x1082  }
0x22: {  	[simem:s7], [sflag:s8] =	dma.local @!p0 [hbm:s6], $0xF7A  }
0x23: {  	s9 =	sor.u32 $0xD0000000, s2;
	s6 =	simm.s32 $0x108;
	_ =	swait.ge @!p0 [sflag:s8], $0x0  }
0x24: {  	s3 =	sadd.s32 $0x88, s3;
	s6 =	simm.s32 @!p1 $0x1082;
	[sflag:s4] =	ssyncset.s32 $0xFFFFF086  }
0x25: {  	[simem:s6], [sflag:s4] =	dma.local [hbm:s3], $0xF7A  }
0x26: {  	[smem:$0x3F9B] =	sst s1;
	(tag) =	ssettag s2;
	_ =	strace s9  }
0x27: {  	s1 =	sld [smem:$0x3FAB]  }
0x28: {  	s2 =	sld [smem:$0x3FAC]  }
0x29: {  	s4 =	sld [smem:$0x3FAE]  }
0x2a: {  	p0 =	seq.s32 s5, $0x0;
	s5 =	sld [smem:$0x3FAF]  }
0x2b: {  	s6 =	sld [smem:$0x3FB0]  }
0x2c: {  	s7 =	sld [smem:$0x3FB1]  }
0x2d: {  	s3 =	simm.s32 $0x108;
	s8 =	sld [smem:$0x3FB2]  }
0x2e: {  	s3 =	simm.s32 @!p0 $0x1082;
	s9 =	sld [smem:$0x3FB3]  }
0x2f: {  	lr =	sadd.s32 s0, s3;
	s0 =	sld [smem:$0x3FAA]  }
0x30: {  	s3 =	sld [smem:$0x3FAD]  }
0x31: {  	[smem:$0x3FB6] =	sst s10  }
0x32: {  	s10 =	sld [smem:$0x3FB4];
	_ =	sdelay $0x3  }
0x33: {  	p0 =	seq.s32 s10, $0x1;
	s10 =	sld [smem:$0x3FB6];
	_ =	sdelay $0x3  }
0x34: {  	[smem:$0x3FB6] =	sst s10  }
0x35: {  	s10 =	sld [smem:$0x3FB5];
	_ =	sdelay $0x3  }
0x36: {  	p1 =	seq.s32 s10, $0x1;
	s10 =	sld [smem:$0x3FB6];
	_ =	sdelay $0x3  }
0x37: {  	[smem:$0x3FB6] =	sst s10  }
0x38: {  	s10 =	sld [smem:$0x3FB7]  }
0x39: {  	_ = 	snop;
	(pc) =	sbr.ind lr, $3  }
0x3a: {  	_ = 	snop  }
0x3b: {  	_ = 	snop  }
0x3c: {  	p2 =	seq.s32 s10, $0x1;
	s10 =	sld [smem:$0x3FB6]  }
0x3d: {  	_ =	shalt  }
0x3e: {  	_ =	shalt  }
0x3f: {  	_ =	shalt  }
0x40: {  	_ =	shalt  }
0x41: {  	_ =	shalt  }
0x42: {  	_ =	shalt  }
0x43: {  	_ =	shalt  }
0x44: {  	_ =	shalt  }
0x45: {  	_ =	shalt  }
0x46: {  	_ =	shalt  }
0x47: {  	_ =	shalt  }
0x48: {  	_ =	shalt  }
0x49: {  	_ =	shalt  }
0x4a: {  	_ =	shalt  }
0x4b: {  	_ =	shalt  }
0x4c: {  	_ =	shalt  }
0x4d: {  	_ =	shalt  }
0x4e: {  	_ =	shalt  }
0x4f: {  	_ =	shalt  }
0x50: {  	_ =	shalt  }
0x51: {  	_ =	shalt  }
0x52: {  	_ =	shalt  }
0x53: {  	_ =	shalt  }
0x54: {  	_ =	shalt  }
0x55: {  	_ =	shalt  }
0x56: {  	_ =	shalt  }
0x57: {  	_ =	shalt  }
0x58: {  	_ =	shalt  }
0x59: {  	_ =	shalt  }
0x5a: {  	_ =	shalt  }
0x5b: {  	_ =	shalt  }
0x5c: {  	_ =	shalt  }
0x5d: {  	_ =	shalt  }
0x5e: {  	_ =	shalt  }
0x5f: {  	_ =	shalt  }
0x60: {  	_ =	shalt  }
0x61: {  	_ =	shalt  }
0x62: {  	_ =	shalt  }
0x63: {  	_ =	shalt  }
0x64: {  	_ =	shalt  }
0x65: {  	_ =	shalt  }
0x66: {  	_ =	shalt  }
0x67: {  	_ =	shalt  }
0x68: {  	_ =	shalt  }
0x69: {  	_ =	shalt  }
0x6a: {  	_ =	shalt  }
0x6b: {  	_ =	shalt  }
0x6c: {  	_ =	shalt  }
0x6d: {  	_ =	shalt  }
0x6e: {  	_ =	shalt  }
0x6f: {  	_ =	shalt  }
0x70: {  	_ =	shalt  }
0x71: {  	_ =	shalt  }
0x72: {  	_ =	shalt  }
0x73: {  	_ =	shalt  }
0x74: {  	_ =	shalt  }
0x75: {  	_ =	shalt  }
0x76: {  	_ =	shalt  }
0x77: {  	_ =	shalt  }
0x78: {  	_ =	shalt  }
0x79: {  	_ =	shalt  }
0x7a: {  	_ =	shalt  }
0x7b: {  	_ =	shalt  }
0x7c: {  	_ =	shalt  }
0x7d: {  	_ =	shalt  }
0x7e: {  	_ =	shalt  }
0x7f: {  	_ =	shalt  }
0x80: {  	_ =	shalt  }
0x81: {  	_ =	shalt  }
0x82: {  	_ =	shalt  }
0x83: {  	_ =	shalt  }
0x84: {  	_ =	shalt  }
0x85: {  	_ =	shalt  }
0x86: {  	_ =	shalt  }
0x87: {  	_ =	shalt  }
.Lfunc_end0:
.L_simem_size_0:
called_computation.2_lowered:
.L_overlay_start_0:
0x88: {  	s2 =	sld [smem:$0x3FD9]  }
0x89: {  	s3 =	sld [smem:$0x3FFE];
	_ =	sdelay $0x1  }
0x8a: {  	s1 =	srdreg.scid  }
0x8b: {  	s0 =	sand.u32 $0x1, s1  }
0x8c: {  	s17 =	sshll.u32 s0, $0xA;
	s2 =	sadd.s32 s3, s2  }
0x8d: {  	s2 =	sadd.s32 s2, s17  }
0x8e: {  	[smem:$0x3FC2] =	sst s2  }
0x8f: {  	_ = 	snop  }
0x90: {  	s2 =	sld [smem:$0x3FD0];
	(tm) =	ssettm $0x1  }
0x91: {  	s18 =	sld [smem:$0x3FFB];
	_ =	sdelay $0x3  }
0x92: {  	_ =	strace s18  }
0x93: {  	s3 =	sld [smem:$0x3FFC];
	_ =	sdelay $0x3  }
0x94: {  	_ =	strace s3  }
0x95: {  	s3 =	sld [smem:$0x3FFD];
	_ =	sdelay $0x3  }
0x96: {  	_ =	strace s3  }
0x97: {  	_ =	strace $0x8FFFFFFF  }
0x98: {  	s19 =	sld [smem:$0x3FDB];
	_ =	sdelay $0x1  }
0x99: {  	s4 =	simm.s32 $_scs_section_size  }
0x9a: {  	s5 =	simm.s32 $_size__tile_overlayer_lowered;
	s6 =	simm.s32 $_tile_overlayer_lowered  }
0x9b: {  	s22 =	simm.s32 $0x1BFF;
	s21 =	sshll.u32 s6, $0x1;
	s3 =	sadd.s32 s4, s19  }
0x9c: {  	s7 =	simm.s32 $0x0;
	s20 =	sshll.u32 s5, $0x1;
	s5 =	sadd.s32 s21, s3  }
0x9d: {  	[timem:s7], [sflag:s22] =	dma.local [hbm:s5], s20  }
0x9e: {  	_ =	swait.ge [sflag:s22], s20  }
0x9f: {  	s4 =	ssub.s32 $0x0, s20;
	[sflag:s22] =	ssyncset.done $0x0  }
0xa0: {  	[sflag:s22] =	ssyncadd.s32 s4;
	_ =	sdelay $0x1  }
0xa1: {  	s23 =	simm.s32 $0x1B8B  }
0xa2: {  	_ =	swait.ge [sflag:s23], $0x1  }
0xa3: {  	[sflag:s23] =	ssyncset.done $0x0  }
0xa4: {  	s25 =	simm.s32 $0x1B8E;
	s24 =	sld [smem:$0x3FFE];
	[sflag:s23] =	ssyncadd.s32 $0xFFFFFFFF  }
0xa5: {  	s26 =	simm.s32 $execute0_lowered;
	[smem:$0x3FD2] =	sst s25  }
0xa6: {  	s5 =	sshll.u32 s26, $0x1;
	_ =	strace $0x8000004C;
	[dreg:$0x1] =	wrdreg $0xFFFFFFFF  }
0xa7: {  	s28 =	simm.s32 $_size_execute0_lowered;
	s3 =	sadd.s32 s3, s5;
	[dreg:$0x0] =	wrdreg $0x0  }
0xa8: {  	s5 =	sshll.u32 s28, $0x1;
	[dreg:$0x2] =	wrdreg s3  }
0xa9: {  	[dreg:$0x3] =	wrdreg s5  }
0xaa: {  	[dreg:$0x4] =	wrdreg $0xC0  }
0xab: {  	_ =	task [dreg:s7], $0x5FFFF  }
0xac: {  	[dreg:$0x1] =	wrdreg $0xFFFFFFFF  }
0xad: {  	[dreg:$0x0] =	wrdreg $0x60  }
0xae: {  	[dreg:$0x2] =	wrdreg s24  }
0xaf: {  	[dreg:$0x3] =	wrdreg s2  }
0xb0: {  	[dreg:$0x4] =	wrdreg $0xE3C00  }
0xb1: {  	[dreg:$0x5] =	wrdreg $0x9  }
0xb2: {  	_ =	task.clear_ibuf [dreg:s7], $0x6FFFF;
	_ =	strace $0x9000004C  }
0xb3: {  	s29 =	simm.s32 $0x9;
	_ =	strace $0x8000004E  }
0xb4: {  	_ =	swait.ge [sflag:s29], $0x1  }
0xb5: {  	[sflag:s29] =	ssyncadd.s32 $0xFFFFFFFF  }
0xb6: {  	_ =	strace $0x9000004E  }
0xb7: {  	_ =	sfence  }
0xb8: {  	s30 =	sld [smem:$0x0];
	_ =	sdelay $0x2  }
0xb9: {  	s31 =	sshll.u32 s1, $0xD;
	s1 =	sshrl.u32 s1, $0x2  }
0xba: {  	s3 =	sand.u32 $0x4000, s31;
	s1 =	sadd.s32 s1, s30  }
0xbb: {  	s0 =	sor.u32 s3, s0;
	s1 =	sshll.u32 s1, $0x11  }
0xbc: {  	s0 =	sor.u32 s1, s0  }
0xbd: {  	s0 =	sadd.s32 $0x8F2B, s0  }
0xbe: {  	[sflag:s0] =	ssyncadd.remote.s32 $0x1  }
0xbf: {  	_ =	sfence.sel $0xFFFF  }
0xc0: {  	[dreg:$0x0] =	wrdreg $0xFFFFFFFF;
	(pc) =	sbr.abs _section_cstart, $3  }
0xc1: {  	[dreg:$0x1] =	wrdreg $0xFFFFFFFF  }
0xc2: {  	_ =	task.clear_ibuf [dreg:s7], $0x2FFFF;
	_ =	strace $0x9FFFFFFF  }
0xc3: {  	(tm) =	ssettm $0x7FFFFFFF  }
tec
execute0_lowered:
.L_overlay_start_1:
0x0: {  	(tag) =	ssettag $0x1  }
0x1: {  	s0 =	srdreg.scid;
	s3 =	rddreg [dreg:$0x0]  }
0x2: {  	s4 =	stileid.u32;
	s5 =	rddreg [dreg:$0x1]  }
0x3: {  	s2 =	rddreg [dreg:$0x2];
	s13 =	simm.s32 $0x0;
	s16 =	simm.s32 $0x80  }
0x4: {  	s17 =	simm.s32 $0x5000;
	s18 =	simm.s32 $0x6000;
	s19 =	simm.s32 $0x7000  }
0x5: {  	s28 =	simm.s32 $0x3;
	s29 =	simm.s32 $0x4;
	s30 =	simm.s32 $0x5  }
0x6: {  	s31 =	simm.s32 $0x6;
	s15 =	simm.s32 $0x8;
	s10 =	simm.s32 $0xE  }
0x7: {  	s11 =	simm.s32 $0xF;
	s12 =	simm.s32 $0x10;
	s6 =	smul.u32 $0x9E0, s4  }
0x8: {  	s0 =	sand.u32 $0x1, s0;
	[smem:$0x7FF] =	sst s13;
	s8 =	smul.u32 $0x13C00, s4  }
0x9: {  	s1 =	sshll.u32 s0, $0x4;
	s7 =	smul.u32 $0x9E00, s0;
	_ =	strace $0x8000004D  }
0xa: {  	s0 =	ssub.s32 $0x2, s0;
	s1 =	sor.u32 s4, s1;
	s4 =	sadd.s32 $0x34400, s3  }
0xb: {  	s20 =	sshrl.u32 s8, $0x2;
	s21 =	sshrl.u32 s0, $0x1;
	s8 =	simm.s32 $0xC  }
0xc: {  	s1 =	smul.u32 $0x500, s1;
	s6 =	sadd.s32 s6, s7;
	s14 =	sadd.s32 s20, s2  }
0xd: {  	s0 =	ssub.s32 s0, s21;
	s20 =	simm.s32 $0x8000;
	s21 =	simm.s32 $0x9000  }
0xe: {  	s7 =	simm.s32 $0xB;
	s22 =	sadd.s32 $0x13C0, s14;
	[dreg:$0x5] =	wrdreg s14  }
0xf: {  	s23 =	sadd.s32 $0x2780, s14;
	s24 =	sadd.s32 $0x3B40, s14;
	[dreg:$0x6] =	wrdreg s22  }
0x10: {  	s0 =	smax.u32 s0, $0x1;
	s9 =	sadd.s32 s1, s3;
	[dreg:$0x7] =	wrdreg s23  }
0x11: {  	s3 =	sadd.s32 s6, s3;
	[dreg:$0x8] =	wrdreg s24;
	s1 =	sadd.s32 s5, s1  }
0x12: {  	[dreg:$0xc] =	wrdreg s0;
	s22 =	simm.s32 $0xA000;
	s23 =	simm.s32 $0xB000  }
0x13: {  	s24 =	simm.s32 $0xC000;
	s0 =	simm.s32 $0x9;
	s6 =	simm.s32 $0xA  }
0x14: {  	s25 =	sadd.s32 $0x2C00, s9;
	[dreg:$0xa] =	wrdreg s1;
	s26 =	sadd.s32 $0x3E200, s3  }
0x15: {  	s1 =	simm.s32 $0x7;
	s9 =	simm.s32 $0xD;
	[dreg:$0x9] =	wrdreg s25  }
0x16: {  	v0 =	vimm.bf16 $0.0e+00;
	[dreg:$0xb] =	wrdreg s26;
	s25 =	simm.s32 $0x1;
	s26 =	simm.s32 $0x2  }
.LBB2_1:
0x17: {  	[dreg:$0x4] =	wrdreg s13;
	s3 =	simm.s32 $0x80;
	s5 =	simm.s32 $0x0  }
.LBB2_2:
0x18: {  	p0 =	sne.s32 s3, $0x4E80;
	[tilespmem:s5+$0xD000] =	vst v0;
	s13 =	smov.u32 s3;
	s3 =	sadd.s32 $0x80, s3  }
.Ltmp0:
0x19: {  	[tilespmem:s5+$0xD010] =	vst v0;
	(pc) =	sbr.rel @p0 .LBB2_2-.Ltmp0, $2  }
0x1a: {  	_ =	sdelay $0x2  }
0x1b: {  	s5 =	sshra.s32 s13, $0x2  }
0x1c: {  	[tilespmem:s5+$0xD000] =	vst v0  }
0x1d: {  	[tilespmem:s5+$0xD010] =	vst v0;
	s5 =	simm.s32 $0xD000;
	s13 =	simm.s32 $0x11  }
0x1e: {  	[spmem:s14] =	stream.linear.scatter [tilespmem:s5], [sflag:$0x11], $0x13C0, $0x38;
	[tilespmem:$0x132C0] =	vst v63  }
0x1f: {  	_ =	swait.ge [sflag:s13], $0x13C0  }
0x20: {  	[sflag:s13] =	ssyncset.done $0x0  }
0x21: {  	s3 =	rddreg [dreg:$0x6];
	[sflag:s13] =	ssyncadd.s32 $0xFFFFEC40  }
0x22: {  	[spmem:s3] =	stream.linear.scatter [tilespmem:s5], [sflag:$0x11], $0x13C0, $0x38;
	[tilespmem:$0x132C0] =	vst v63  }
0x23: {  	_ =	swait.ge [sflag:s13], $0x13C0  }
0x24: {  	[sflag:s13] =	ssyncset.done $0x0  }
0x25: {  	s14 =	rddreg [dreg:$0x7];
	[sflag:s13] =	ssyncadd.s32 $0xFFFFEC40  }
0x26: {  	[spmem:s14] =	stream.linear.scatter [tilespmem:s5], [sflag:$0x11], $0x13C0, $0x38;
	[tilespmem:$0x132C0] =	vst v63  }
0x27: {  	_ =	swait.ge [sflag:s13], $0x13C0  }
0x28: {  	[sflag:s13] =	ssyncset.done $0x0  }
0x29: {  	s14 =	rddreg [dreg:$0x8];
	[sflag:s13] =	ssyncadd.s32 $0xFFFFEC40  }
0x2a: {  	[spmem:s14] =	stream.linear.scatter [tilespmem:s5], [sflag:$0x11], $0x13C0, $0x38;
	[tilespmem:$0x132C0] =	vst v63  }
0x2b: {  	_ =	swait.ge [sflag:s13], $0x13C0  }
0x2c: {  	[sflag:s13] =	ssyncset.done $0x0  }
0x2d: {  	[sflag:s13] =	ssyncadd.s32 $0xFFFFEC40  }
0x2e: {  	[bflag:$0x0] =	sbarrier.arrive $0xFFFF  }
0x2f: {  	s3 =	simm.s32 $0x0;
	s14 =	rddreg [dreg:$0x9]  }
0x30: {  	[tilespmem:s3], [sflag:$0x11] =	stream.linear.gather [hbm4b:s14+s3], $0x2800, $0x38;
	[tilespmem:$0x132C0] =	vst v63  }
0x31: {  	_ =	swait.ge [sflag:s13], $0x2800  }
0x32: {  	[sflag:s13] =	ssyncset.done $0x0  }
0x33: {  	s14 =	simm.s32 $0x2800;
	s5 =	rddreg [dreg:$0xa];
	[sflag:s13] =	ssyncadd.s32 $0xFFFFD800  }
0x34: {  	[tilespmem:s14], [sflag:$0x11] =	stream.linear.gather [hbm4b:s5+s3], $0x2800, $0x38;
	[tilespmem:$0x132C0] =	vst v63  }
0x35: {  	_ =	swait.ge [sflag:s13], $0x2800  }
0x36: {  	[sflag:s13] =	ssyncset.done $0x0  }
0x37: {  	s14 =	simm.s32 $0x0;
	[sflag:s13] =	ssyncadd.s32 $0xFFFFD800  }
0x38: {  	[tilespmem:s17], [sflag:$0x1] =	stream.indirect.gather [hbm4b:s4+s16], $0x20, s14, s16, $0xb8;
	[tilespmem:$0x132C0] =	vst v63  }
0x39: {  	s5 =	simm.s32 $0x80  }
0x3a: {  	[tilespmem:s18], [sflag:$0x2] =	stream.indirect.gather [hbm4b:s4+s16], $0x20, s5, s16, $0xb8;
	[tilespmem:$0x132C0] =	vst v63  }
0x3b: {  	s13 =	simm.s32 $0x100  }
0x3c: {  	[tilespmem:s19], [sflag:$0x3] =	stream.indirect.gather [hbm4b:s4+s16], $0x20, s13, s16, $0xb8;
	[tilespmem:$0x132C0] =	vst v63  }
0x3d: {  	s14 =	simm.s32 $0x180  }
0x3e: {  	[tilespmem:s20], [sflag:$0x4] =	stream.indirect.gather [hbm4b:s4+s16], $0x20, s14, s16, $0xb8;
	[tilespmem:$0x132C0] =	vst v63  }
0x3f: {  	s5 =	simm.s32 $0x200  }
0x40: {  	[tilespmem:s21], [sflag:$0x5] =	stream.indirect.gather [hbm4b:s4+s16], $0x20, s5, s16, $0xb8;
	[tilespmem:$0x132C0] =	vst v63  }
0x41: {  	s13 =	simm.s32 $0x280  }
0x42: {  	[tilespmem:s22], [sflag:$0x6] =	stream.indirect.gather [hbm4b:s4+s16], $0x20, s13, s16, $0xb8;
	[tilespmem:$0x132C0] =	vst v63  }
0x43: {  	s14 =	simm.s32 $0x300  }
0x44: {  	[tilespmem:s23], [sflag:$0x7] =	stream.indirect.gather [hbm4b:s4+s16], $0x20, s14, s16, $0xb8;
	[tilespmem:$0x132C0] =	vst v63  }
0x45: {  	s5 =	simm.s32 $0x380  }
0x46: {  	[tilespmem:s24], [sflag:$0x8] =	stream.indirect.gather [hbm4b:s4+s16], $0x20, s5, s16, $0xb8;
	[tilespmem:$0x132C0] =	vst v63  }
0x47: {  	_ =	swait.ge [sflag:s25], $0x1000  }
0x48: {  	[sflag:s25] =	ssyncset.done $0x0  }
0x49: {  	s13 =	simm.s32 $0x2800;
	[sflag:s25] =	ssyncadd.s32 $0xFFFFF000  }
0x4a: {  	[spmem:s2] =	stream.indirect.scatter.add.bf16 [tilespmem:s17], [sflag:$0x9], $0x20, s13, s16, $0xb8;
	[tilespmem:$0x132C0] =	vst v63  }
0x4b: {  	_ =	swait.ge [sflag:s26], $0x1000  }
0x4c: {  	[sflag:s26] =	ssyncset.done $0x0  }
0x4d: {  	s14 =	simm.s32 $0x2880;
	[sflag:s26] =	ssyncadd.s32 $0xFFFFF000  }
0x4e: {  	[spmem:s2] =	stream.indirect.scatter.add.bf16 [tilespmem:s18], [sflag:$0xA], $0x20, s14, s16, $0xb8;
	[tilespmem:$0x132C0] =	vst v63  }
0x4f: {  	_ =	swait.ge [sflag:s28], $0x1000  }
0x50: {  	[sflag:s28] =	ssyncset.done $0x0  }
0x51: {  	s5 =	simm.s32 $0x2900;
	[sflag:s28] =	ssyncadd.s32 $0xFFFFF000  }
0x52: {  	[spmem:s2] =	stream.indirect.scatter.add.bf16 [tilespmem:s19], [sflag:$0xB], $0x20, s5, s16, $0xb8;
	[tilespmem:$0x132C0] =	vst v63  }
0x53: {  	_ =	swait.ge [sflag:s29], $0x1000  }
0x54: {  	[sflag:s29] =	ssyncset.done $0x0  }
0x55: {  	s13 =	simm.s32 $0x2980;
	[sflag:s29] =	ssyncadd.s32 $0xFFFFF000  }
0x56: {  	[spmem:s2] =	stream.indirect.scatter.add.bf16 [tilespmem:s20], [sflag:$0xC], $0x20, s13, s16, $0xb8;
	[tilespmem:$0x132C0] =	vst v63  }
0x57: {  	_ =	swait.ge [sflag:s30], $0x1000  }
0x58: {  	[sflag:s30] =	ssyncset.done $0x0  }
0x59: {  	s14 =	simm.s32 $0x2A00;
	[sflag:s30] =	ssyncadd.s32 $0xFFFFF000  }
0x5a: {  	[spmem:s2] =	stream.indirect.scatter.add.bf16 [tilespmem:s21], [sflag:$0xD], $0x20, s14, s16, $0xb8;
	[tilespmem:$0x132C0] =	vst v63  }
0x5b: {  	_ =	swait.ge [sflag:s31], $0x1000  }
0x5c: {  	[sflag:s31] =	ssyncset.done $0x0  }
0x5d: {  	s5 =	simm.s32 $0x2A80;
	[sflag:s31] =	ssyncadd.s32 $0xFFFFF000  }
0x5e: {  	[spmem:s2] =	stream.indirect.scatter.add.bf16 [tilespmem:s22], [sflag:$0xE], $0x20, s5, s16, $0xb8;
	[tilespmem:$0x132C0] =	vst v63  }
0x5f: {  	_ =	swait.ge [sflag:s1], $0x1000  }
0x60: {  	[sflag:s1] =	ssyncset.done $0x0  }
0x61: {  	s13 =	simm.s32 $0x2B00;
	[sflag:s1] =	ssyncadd.s32 $0xFFFFF000  }
0x62: {  	[spmem:s2] =	stream.indirect.scatter.add.bf16 [tilespmem:s23], [sflag:$0xF], $0x20, s13, s16, $0xb8;
	[tilespmem:$0x132C0] =	vst v63  }
0x63: {  	_ =	swait.ge [sflag:s15], $0x1000  }
0x64: {  	[sflag:s15] =	ssyncset.done $0x0  }
0x65: {  	s14 =	simm.s32 $0x2B80;
	[sflag:s15] =	ssyncadd.s32 $0xFFFFF000  }
0x66: {  	[spmem:s2] =	stream.indirect.scatter.add.bf16 [tilespmem:s24], [sflag:$0x10], $0x20, s14, s16, $0xb8;
	[tilespmem:$0x132C0] =	vst v63  }
0x67: {  	_ =	swait.ge [sflag:s0], $0x1000  }
0x68: {  	[sflag:s0] =	ssyncset.done $0x0  }
0x69: {  	[sflag:s0] =	ssyncadd.s32 $0xFFFFF000  }
0x6a: {  	_ =	swait.ge [sflag:s6], $0x1000  }
0x6b: {  	[sflag:s6] =	ssyncset.done $0x0  }
0x6c: {  	[sflag:s6] =	ssyncadd.s32 $0xFFFFF000  }
0x6d: {  	_ =	swait.ge [sflag:s7], $0x1000  }
0x6e: {  	[sflag:s7] =	ssyncset.done $0x0  }
0x6f: {  	[sflag:s7] =	ssyncadd.s32 $0xFFFFF000  }
0x70: {  	_ =	swait.ge [sflag:s8], $0x1000  }
0x71: {  	[sflag:s8] =	ssyncset.done $0x0  }
0x72: {  	[sflag:s8] =	ssyncadd.s32 $0xFFFFF000  }
0x73: {  	_ =	swait.ge [sflag:s9], $0x1000  }
0x74: {  	[sflag:s9] =	ssyncset.done $0x0  }
0x75: {  	[sflag:s9] =	ssyncadd.s32 $0xFFFFF000  }
0x76: {  	_ =	swait.ge [sflag:s10], $0x1000  }
0x77: {  	[sflag:s10] =	ssyncset.done $0x0  }
0x78: {  	[sflag:s10] =	ssyncadd.s32 $0xFFFFF000  }
0x79: {  	_ =	swait.ge [sflag:s11], $0x1000  }
0x7a: {  	[sflag:s11] =	ssyncset.done $0x0  }
0x7b: {  	[sflag:s11] =	ssyncadd.s32 $0xFFFFF000  }
0x7c: {  	_ =	swait.ge [sflag:s12], $0x1000  }
0x7d: {  	s5 =	simm.s32 $0x2000;
	s13 =	simm.s32 $0x1000;
	[sflag:s12] =	ssyncset.done $0x0  }
.LBB2_4:
0x7e: {  	s3 =	sshra.s32 s13, $0x2  }
0x7f: {  	[sflag:s12] =	ssyncadd.s32 $0xFFFFF000;
	s13 =	smov.u32 s5;
	s14 =	sadd.s32 $0x1000, s5  }
0x80: {  	[tilespmem:s17], [sflag:$0x1] =	stream.indirect.gather [hbm4b:s4+s16], $0x20, s3, s16, $0xb8;
	[tilespmem:$0x132C0] =	vst v63  }
0x81: {  	p0 =	sne.s32 s5, $0x9000;
	s5 =	sadd.s32 $0x80, s3  }
0x82: {  	[tilespmem:s18], [sflag:$0x2] =	stream.indirect.gather [hbm4b:s4+s16], $0x20, s5, s16, $0xb8;
	[tilespmem:$0x132C0] =	vst v63  }
0x83: {  	s5 =	sadd.s32 $0x100, s3  }
0x84: {  	[tilespmem:s19], [sflag:$0x3] =	stream.indirect.gather [hbm4b:s4+s16], $0x20, s5, s16, $0xb8;
	[tilespmem:$0x132C0] =	vst v63  }
0x85: {  	s5 =	sadd.s32 $0x180, s3  }
0x86: {  	[tilespmem:s20], [sflag:$0x4] =	stream.indirect.gather [hbm4b:s4+s16], $0x20, s5, s16, $0xb8;
	[tilespmem:$0x132C0] =	vst v63  }
0x87: {  	s5 =	sadd.s32 $0x200, s3  }
0x88: {  	[tilespmem:s21], [sflag:$0x5] =	stream.indirect.gather [hbm4b:s4+s16], $0x20, s5, s16, $0xb8;
	[tilespmem:$0x132C0] =	vst v63  }
0x89: {  	s5 =	sadd.s32 $0x280, s3  }
0x8a: {  	[tilespmem:s22], [sflag:$0x6] =	stream.indirect.gather [hbm4b:s4+s16], $0x20, s5, s16, $0xb8;
	[tilespmem:$0x132C0] =	vst v63  }
0x8b: {  	s5 =	sadd.s32 $0x300, s3  }
0x8c: {  	[tilespmem:s23], [sflag:$0x7] =	stream.indirect.gather [hbm4b:s4+s16], $0x20, s5, s16, $0xb8;
	[tilespmem:$0x132C0] =	vst v63  }
0x8d: {  	s5 =	sadd.s32 $0x380, s3  }
0x8e: {  	[tilespmem:s24], [sflag:$0x8] =	stream.indirect.gather [hbm4b:s4+s16], $0x20, s5, s16, $0xb8;
	[tilespmem:$0x132C0] =	vst v63  }
0x8f: {  	_ =	swait.ge [sflag:s25], $0x1000  }
0x90: {  	[sflag:s25] =	ssyncset.done $0x0  }
0x91: {  	s5 =	sadd.s32 $0x2800, s3;
	[sflag:s25] =	ssyncadd.s32 $0xFFFFF000  }
0x92: {  	[spmem:s2] =	stream.indirect.scatter.add.bf16 [tilespmem:s17], [sflag:$0x9], $0x20, s5, s16, $0xb8;
	[tilespmem:$0x132C0] =	vst v63  }
0x93: {  	_ =	swait.ge [sflag:s26], $0x1000  }
0x94: {  	[sflag:s26] =	ssyncset.done $0x0  }
0x95: {  	s5 =	sadd.s32 $0x2880, s3;
	[sflag:s26] =	ssyncadd.s32 $0xFFFFF000  }
0x96: {  	[spmem:s2] =	stream.indirect.scatter.add.bf16 [tilespmem:s18], [sflag:$0xA], $0x20, s5, s16, $0xb8;
	[tilespmem:$0x132C0] =	vst v63  }
0x97: {  	_ =	swait.ge [sflag:s28], $0x1000  }
0x98: {  	[sflag:s28] =	ssyncset.done $0x0  }
0x99: {  	s5 =	sadd.s32 $0x2900, s3;
	[sflag:s28] =	ssyncadd.s32 $0xFFFFF000  }
0x9a: {  	[spmem:s2] =	stream.indirect.scatter.add.bf16 [tilespmem:s19], [sflag:$0xB], $0x20, s5, s16, $0xb8;
	[tilespmem:$0x132C0] =	vst v63  }
0x9b: {  	_ =	swait.ge [sflag:s29], $0x1000  }
0x9c: {  	[sflag:s29] =	ssyncset.done $0x0  }
0x9d: {  	s5 =	sadd.s32 $0x2980, s3;
	[sflag:s29] =	ssyncadd.s32 $0xFFFFF000  }
0x9e: {  	[spmem:s2] =	stream.indirect.scatter.add.bf16 [tilespmem:s20], [sflag:$0xC], $0x20, s5, s16, $0xb8;
	[tilespmem:$0x132C0] =	vst v63  }
0x9f: {  	_ =	swait.ge [sflag:s30], $0x1000  }
0xa0: {  	[sflag:s30] =	ssyncset.done $0x0  }
0xa1: {  	s5 =	sadd.s32 $0x2A00, s3;
	[sflag:s30] =	ssyncadd.s32 $0xFFFFF000  }
0xa2: {  	[spmem:s2] =	stream.indirect.scatter.add.bf16 [tilespmem:s21], [sflag:$0xD], $0x20, s5, s16, $0xb8;
	[tilespmem:$0x132C0] =	vst v63  }
0xa3: {  	_ =	swait.ge [sflag:s31], $0x1000  }
0xa4: {  	[sflag:s31] =	ssyncset.done $0x0  }
0xa5: {  	s5 =	sadd.s32 $0x2A80, s3;
	[sflag:s31] =	ssyncadd.s32 $0xFFFFF000  }
0xa6: {  	[spmem:s2] =	stream.indirect.scatter.add.bf16 [tilespmem:s22], [sflag:$0xE], $0x20, s5, s16, $0xb8;
	[tilespmem:$0x132C0] =	vst v63  }
0xa7: {  	_ =	swait.ge [sflag:s1], $0x1000  }
0xa8: {  	[sflag:s1] =	ssyncset.done $0x0  }
0xa9: {  	s5 =	sadd.s32 $0x2B00, s3;
	[sflag:s1] =	ssyncadd.s32 $0xFFFFF000  }
0xaa: {  	[spmem:s2] =	stream.indirect.scatter.add.bf16 [tilespmem:s23], [sflag:$0xF], $0x20, s5, s16, $0xb8;
	[tilespmem:$0x132C0] =	vst v63  }
0xab: {  	_ =	swait.ge [sflag:s15], $0x1000  }
0xac: {  	[sflag:s15] =	ssyncset.done $0x0  }
0xad: {  	s3 =	sadd.s32 $0x2B80, s3;
	[sflag:s15] =	ssyncadd.s32 $0xFFFFF000  }
0xae: {  	[spmem:s2] =	stream.indirect.scatter.add.bf16 [tilespmem:s24], [sflag:$0x10], $0x20, s3, s16, $0xb8;
	[tilespmem:$0x132C0] =	vst v63  }
0xaf: {  	_ =	swait.ge [sflag:s0], $0x1000  }
0xb0: {  	[sflag:s0] =	ssyncset.done $0x0  }
0xb1: {  	[sflag:s0] =	ssyncadd.s32 $0xFFFFF000  }
0xb2: {  	_ =	swait.ge [sflag:s6], $0x1000  }
0xb3: {  	[sflag:s6] =	ssyncset.done $0x0  }
0xb4: {  	[sflag:s6] =	ssyncadd.s32 $0xFFFFF000  }
0xb5: {  	_ =	swait.ge [sflag:s7], $0x1000  }
0xb6: {  	[sflag:s7] =	ssyncset.done $0x0  }
0xb7: {  	[sflag:s7] =	ssyncadd.s32 $0xFFFFF000  }
0xb8: {  	_ =	swait.ge [sflag:s8], $0x1000  }
0xb9: {  	[sflag:s8] =	ssyncset.done $0x0  }
0xba: {  	[sflag:s8] =	ssyncadd.s32 $0xFFFFF000  }
0xbb: {  	_ =	swait.ge [sflag:s9], $0x1000  }
0xbc: {  	[sflag:s9] =	ssyncset.done $0x0  }
0xbd: {  	[sflag:s9] =	ssyncadd.s32 $0xFFFFF000  }
0xbe: {  	_ =	swait.ge [sflag:s10], $0x1000  }
0xbf: {  	[sflag:s10] =	ssyncset.done $0x0  }
0xc0: {  	[sflag:s10] =	ssyncadd.s32 $0xFFFFF000  }
.Ltmp1:
0xc1: {  	_ =	swait.ge [sflag:s11], $0x1000;
	(pc) =	sbr.rel @p0 .LBB2_4-.Ltmp1, $4  }
0xc2: {  	[sflag:s11] =	ssyncset.done $0x0  }
0xc3: {  	[sflag:s11] =	ssyncadd.s32 $0xFFFFF000  }
0xc4: {  	_ =	swait.ge [sflag:s12], $0x1000  }
0xc5: {  	s5 =	smov.u32 s14;
	[sflag:s12] =	ssyncset.done $0x0  }
0xc6: {  	s3 =	sshra.s32 s13, $0x2;
	[sflag:s12] =	ssyncadd.s32 $0xFFFFF000  }
0xc7: {  	[tilespmem:s17], [sflag:$0x1] =	stream.indirect.gather [hbm4b:s4+s16], $0x20, s3, s16, $0xb8;
	[tilespmem:$0x132C0] =	vst v63  }
0xc8: {  	s5 =	sadd.s32 $0x80, s3  }
0xc9: {  	[tilespmem:s18], [sflag:$0x2] =	stream.indirect.gather [hbm4b:s4+s16], $0x20, s5, s16, $0xb8;
	[tilespmem:$0x132C0] =	vst v63  }
0xca: {  	s13 =	sadd.s32 $0x100, s3  }
0xcb: {  	[tilespmem:s19], [sflag:$0x3] =	stream.indirect.gather [hbm4b:s4+s16], $0x20, s13, s16, $0xb8;
	[tilespmem:$0x132C0] =	vst v63  }
0xcc: {  	s14 =	sadd.s32 $0x180, s3  }
0xcd: {  	[tilespmem:s20], [sflag:$0x4] =	stream.indirect.gather [hbm4b:s4+s16], $0x20, s14, s16, $0xb8;
	[tilespmem:$0x132C0] =	vst v63  }
0xce: {  	s13 =	sadd.s32 $0x200, s3  }
0xcf: {  	[tilespmem:s21], [sflag:$0x5] =	stream.indirect.gather [hbm4b:s4+s16], $0x20, s13, s16, $0xb8;
	[tilespmem:$0x132C0] =	vst v63  }
0xd0: {  	s14 =	sadd.s32 $0x280, s3  }
0xd1: {  	[tilespmem:s22], [sflag:$0x6] =	stream.indirect.gather [hbm4b:s4+s16], $0x20, s14, s16, $0xb8;
	[tilespmem:$0x132C0] =	vst v63  }
0xd2: {  	s13 =	sadd.s32 $0x300, s3  }
0xd3: {  	[tilespmem:s23], [sflag:$0x7] =	stream.indirect.gather [hbm4b:s4+s16], $0x20, s13, s16, $0xb8;
	[tilespmem:$0x132C0] =	vst v63  }
0xd4: {  	s14 =	sadd.s32 $0x380, s3  }
0xd5: {  	[tilespmem:s24], [sflag:$0x8] =	stream.indirect.gather [hbm4b:s4+s16], $0x20, s14, s16, $0xb8;
	[tilespmem:$0x132C0] =	vst v63  }
0xd6: {  	_ =	swait.ge [sflag:s25], $0x1000  }
0xd7: {  	[sflag:s25] =	ssyncset.done $0x0  }
0xd8: {  	s13 =	sadd.s32 $0x2800, s3;
	[sflag:s25] =	ssyncadd.s32 $0xFFFFF000  }
0xd9: {  	[spmem:s2] =	stream.indirect.scatter.add.bf16 [tilespmem:s17], [sflag:$0x9], $0x20, s13, s16, $0xb8;
	[tilespmem:$0x132C0] =	vst v63  }
0xda: {  	_ =	swait.ge [sflag:s26], $0x1000  }
0xdb: {  	[sflag:s26] =	ssyncset.done $0x0  }
0xdc: {  	s14 =	sadd.s32 $0x2880, s3;
	[sflag:s26] =	ssyncadd.s32 $0xFFFFF000  }
0xdd: {  	[spmem:s2] =	stream.indirect.scatter.add.bf16 [tilespmem:s18], [sflag:$0xA], $0x20, s14, s16, $0xb8;
	[tilespmem:$0x132C0] =	vst v63  }
0xde: {  	_ =	swait.ge [sflag:s28], $0x1000  }
0xdf: {  	[sflag:s28] =	ssyncset.done $0x0  }
0xe0: {  	s13 =	sadd.s32 $0x2900, s3;
	[sflag:s28] =	ssyncadd.s32 $0xFFFFF000  }
0xe1: {  	[spmem:s2] =	stream.indirect.scatter.add.bf16 [tilespmem:s19], [sflag:$0xB], $0x20, s13, s16, $0xb8;
	[tilespmem:$0x132C0] =	vst v63  }
0xe2: {  	_ =	swait.ge [sflag:s29], $0x1000  }
0xe3: {  	[sflag:s29] =	ssyncset.done $0x0  }
0xe4: {  	s14 =	sadd.s32 $0x2980, s3;
	[sflag:s29] =	ssyncadd.s32 $0xFFFFF000  }
0xe5: {  	[spmem:s2] =	stream.indirect.scatter.add.bf16 [tilespmem:s20], [sflag:$0xC], $0x20, s14, s16, $0xb8;
	[tilespmem:$0x132C0] =	vst v63  }
0xe6: {  	_ =	swait.ge [sflag:s30], $0x1000  }
0xe7: {  	[sflag:s30] =	ssyncset.done $0x0  }
0xe8: {  	s13 =	sadd.s32 $0x2A00, s3;
	[sflag:s30] =	ssyncadd.s32 $0xFFFFF000  }
0xe9: {  	[spmem:s2] =	stream.indirect.scatter.add.bf16 [tilespmem:s21], [sflag:$0xD], $0x20, s13, s16, $0xb8;
	[tilespmem:$0x132C0] =	vst v63  }
0xea: {  	_ =	swait.ge [sflag:s31], $0x1000  }
0xeb: {  	[sflag:s31] =	ssyncset.done $0x0  }
0xec: {  	s14 =	sadd.s32 $0x2A80, s3;
	[sflag:s31] =	ssyncadd.s32 $0xFFFFF000  }
0xed: {  	[spmem:s2] =	stream.indirect.scatter.add.bf16 [tilespmem:s22], [sflag:$0xE], $0x20, s14, s16, $0xb8;
	[tilespmem:$0x132C0] =	vst v63  }
0xee: {  	_ =	swait.ge [sflag:s1], $0x1000  }
0xef: {  	[sflag:s1] =	ssyncset.done $0x0  }
0xf0: {  	s13 =	sadd.s32 $0x2B00, s3;
	[sflag:s1] =	ssyncadd.s32 $0xFFFFF000  }
0xf1: {  	[spmem:s2] =	stream.indirect.scatter.add.bf16 [tilespmem:s23], [sflag:$0xF], $0x20, s13, s16, $0xb8;
	[tilespmem:$0x132C0] =	vst v63  }
0xf2: {  	_ =	swait.ge [sflag:s15], $0x1000  }
0xf3: {  	[sflag:s15] =	ssyncset.done $0x0  }
0xf4: {  	s3 =	sadd.s32 $0x2B80, s3;
	[sflag:s15] =	ssyncadd.s32 $0xFFFFF000  }
0xf5: {  	[spmem:s2] =	stream.indirect.scatter.add.bf16 [tilespmem:s24], [sflag:$0x10], $0x20, s3, s16, $0xb8;
	[tilespmem:$0x132C0] =	vst v63  }
0xf6: {  	_ =	swait.ge [sflag:s0], $0x1000  }
0xf7: {  	[sflag:s0] =	ssyncset.done $0x0  }
0xf8: {  	[sflag:s0] =	ssyncadd.s32 $0xFFFFF000  }
0xf9: {  	_ =	swait.ge [sflag:s6], $0x1000  }
0xfa: {  	[sflag:s6] =	ssyncset.done $0x0  }
0xfb: {  	[sflag:s6] =	ssyncadd.s32 $0xFFFFF000  }
0xfc: {  	_ =	swait.ge [sflag:s7], $0x1000  }
0xfd: {  	[sflag:s7] =	ssyncset.done $0x0  }
0xfe: {  	[sflag:s7] =	ssyncadd.s32 $0xFFFFF000  }
0xff: {  	_ =	swait.ge [sflag:s8], $0x1000  }
0x100: {  	[sflag:s8] =	ssyncset.done $0x0  }
0x101: {  	[sflag:s8] =	ssyncadd.s32 $0xFFFFF000  }
0x102: {  	_ =	swait.ge [sflag:s9], $0x1000  }
0x103: {  	[sflag:s9] =	ssyncset.done $0x0  }
0x104: {  	[sflag:s9] =	ssyncadd.s32 $0xFFFFF000  }
0x105: {  	_ =	swait.ge [sflag:s10], $0x1000  }
0x106: {  	[sflag:s10] =	ssyncset.done $0x0  }
0x107: {  	[sflag:s10] =	ssyncadd.s32 $0xFFFFF000  }
0x108: {  	_ =	swait.ge [sflag:s11], $0x1000  }
0x109: {  	[sflag:s11] =	ssyncset.done $0x0  }
0x10a: {  	[sflag:s11] =	ssyncadd.s32 $0xFFFFF000  }
0x10b: {  	_ =	swait.ge [sflag:s12], $0x1000  }
0x10c: {  	[sflag:s12] =	ssyncset.done $0x0  }
0x10d: {  	[sflag:s12] =	ssyncadd.s32 $0xFFFFF000  }
0x10e: {  	s14 =	stileid.u32;
	[bflag:$0x0] =	sbarrier.arrive $0xFFFF  }
0x10f: {  	s3 =	sshll.u32 s14, $0x6;
	s14 =	rddreg [dreg:$0x5]  }
0x110: {  	s3 =	sor.u32 $0x1C11, s3;
	s13 =	rddreg [dreg:$0xb];
	s5 =	sshrl.u32 s14, $0x3  }
0x111: {  	[hbm:s13], [sflag:s3] =	dma.local [spmem:s5], $0x9E0  }
0x112: {  	s5 =	simm.s32 $0x11  }
0x113: {  	_ =	swait.ge [sflag:s5], $0x9E0  }
0x114: {  	s3 =	rddreg [dreg:$0x4]  }
0x115: {  	s13 =	sadd.s32 $0x1, s3;
	s3 =	rddreg [dreg:$0xc]  }
0x116: {  	p0 =	sne.s32 s13, s3  }
.Ltmp2:
0x117: {  	_ = 	snop;
	(pc) =	sbr.rel @p0 .LBB2_1-.Ltmp2, $3  }
0x118: {  	_ =	sdelay $0x1  }
0x119: {  	[sflag:s5] =	ssyncset.done $0x0  }
0x11a: {  	[sflag:s5] =	ssyncadd.s32 $0xFFFFF620  }
0x11b: {  	_ =	sfence.sel $0x180000  }
0x11c: {  	[bflag:$0x0] =	sbarrier.arrive $0xFFFF  }
0x11d: {  	_ =	strace $0x9000004D  }
0x11e: {  	s0 =	stileid.u32;
	[bflag:$0x2] =	sbarrier.arrive $0xFFFF  }
0x11f: {  	p0 =	sne.s32 s0, $0x0;
	s0 =	rddreg [dreg:$0x3]  }
0x120: {  	s0 =	sadd.s32 @!p0 $0x100000, s0  }
0x121: {  	[sflag:s0] =	ssyncadd.tile.s32 @!p0 $0x1;
	_ =	shalt  }
.Lfunc_end2:
_tile_overlayer_lowered:
.L_overlay_start_2:
0x122: {  	(tag) =	ssettag $0x2  }
0x123: {  	s0 =	rddreg [dreg:$0x0];
	s2 =	stileid.u32  }
0x124: {  	s1 =	rddreg [dreg:$0x1];
	p0 =	sne.s32 s2, $0x0  }
0x125: {  	s3 =	rddreg [dreg:$0x2];
	[bflag:$0x3] =	sbarrier.arrive $0xFFFF;
	s2 =	simm.s32 @!p0 $0x1C11  }
0x126: {  	[timem:s3], [sflag:s2] =	dma.local @!p0 [hbm:s0], s1  }
0x127: {  	s0 =	simm.s32 @!p0 $0x11  }
0x128: {  	_ =	swait.ge @!p0 [sflag:s0], s1  }
0x129: {  	s1 =	ssub.s32 @!p0 $0x0, s1;
	[sflag:s0] =	ssyncset.done @!p0 $0x0  }
0x12a: {  	[sflag:s0] =	ssyncadd.s32 @!p0 s1  }
0x12b: {  	[bflag:$0x3] =	sbarrier.arrive $0xFFFF  }
0x12c: {  	_ =	shalt  }

// kernel: kernel.8.cloned.1.call-start
scs
__scs_entry_jumppad:
0x0: {  	(pc) =	sbr.rel $0x88, $3  }
0x1: {  	(tag) =	ssettag $0x0;
	lr =	simm.s32 $0x1  }
0x2: {  	[smem:$0x3F9B] =	sst lr;
	_ =	strace $0xD0000000  }
0x3: {  	_ = 	snop  }
0x4: {  	_ = 	snop  }
0x5: {  	_ = 	snop  }
0x6: {  	_ = 	snop  }
0x7: {  	_ = 	snop  }
__scs_overlays_trampoline_lowered:
0x8: {  	[smem:$0x3FAA] =	sst s0  }
0x9: {  	[smem:$0x3FAB] =	sst s1  }
0xa: {  	[smem:$0x3FAC] =	sst s2  }
0xb: {  	[smem:$0x3FAD] =	sst s3  }
0xc: {  	[smem:$0x3FAE] =	sst s4  }
0xd: {  	[smem:$0x3FAF] =	sst s5  }
0xe: {  	[smem:$0x3FB0] =	sst s6  }
0xf: {  	[smem:$0x3FB1] =	sst s7  }
0x10: {  	[smem:$0x3FB2] =	sst s8  }
0x11: {  	[smem:$0x3FB3] =	sst s9;
	s0 =	simm.s32 @!p0 $0x0  }
0x12: {  	s1 =	sld [smem:$0x3F99];
	s0 =	simm.s32 @p0 $0x1  }
0x13: {  	[smem:$0x3FB4] =	sst s0;
	s0 =	simm.s32 @!p1 $0x0  }
0x14: {  	s2 =	sld [smem:$0x3F98];
	s0 =	simm.s32 @p1 $0x1  }
0x15: {  	[smem:$0x3FB5] =	sst s0;
	s0 =	simm.s32 @!p2 $0x0  }
0x16: {  	s3 =	sld [smem:$0x3FDB];
	s0 =	simm.s32 @p2 $0x1  }
0x17: {  	s4 =	simm.s32 $0x1BF5;
	[smem:$0x3FB7] =	sst s0  }
0x18: {  	s0 =	sld [smem:$0x3F9A];
	_ =	swait.ge [sflag:s4], $0x0  }
0x19: {  	s7 =	sld [smem:$0x3F9B]  }
0x1a: {  	s8 =	sadd.s32 $0xFFFFE003, lr  }
0x1b: {  	s9 =	sadd.s32 $0xFFFFFEF7, lr;
	s5 =	simm.s32 $0xFFFFFFFF;
	p2 =	slt.u32 s8, $0xFFFFF086  }
0x1c: {  	p1 =	slt.u32 s9, $0xF7A;
	s5 =	simm.s32 @!p2 $0x0  }
0x1d: {  	s5 =	simm.s32 @p1 $0x1;
	p0 =	seq.s32 s7, s2  }
0x1e: {  	s7 =	smul.u32 @!p0 $0xF7A, s2;
	p2 =	seq.s32 @!p0 s5, $0x0  }
0x1f: {  	s9 =	smul.u32 $0xF7A, s1;
	s8 =	simm.s32 @!p0 $0x1BF5;
	p2 =	por !p2, p0  }
0x20: {  	[sflag:s8] =	ssyncset.s32 @!p0 $0xFFFFF086;
	s6 =	sadd.s32 @!p0 s3, s7;
	s7 =	simm.s32 @!p0 $0x108  }
0x21: {  	s3 =	sadd.s32 s3, s9;
	s6 =	sadd.s32 @!p0 $0x88, s6;
	s7 =	simm.s32 @p2 $0x1082  }
0x22: {  	[simem:s7], [sflag:s8] =	dma.local @!p0 [hbm:s6], $0xF7A  }
0x23: {  	s9 =	sor.u32 $0xD0000000, s2;
	s6 =	simm.s32 $0x108;
	_ =	swait.ge @!p0 [sflag:s8], $0x0  }
0x24: {  	s3 =	sadd.s32 $0x88, s3;
	s6 =	simm.s32 @!p1 $0x1082;
	[sflag:s4] =	ssyncset.s32 $0xFFFFF086  }
0x25: {  	[simem:s6], [sflag:s4] =	dma.local [hbm:s3], $0xF7A  }
0x26: {  	[smem:$0x3F9B] =	sst s1;
	(tag) =	ssettag s2;
	_ =	strace s9  }
0x27: {  	s1 =	sld [smem:$0x3FAB]  }
0x28: {  	s2 =	sld [smem:$0x3FAC]  }
0x29: {  	s4 =	sld [smem:$0x3FAE]  }
0x2a: {  	p0 =	seq.s32 s5, $0x0;
	s5 =	sld [smem:$0x3FAF]  }
0x2b: {  	s6 =	sld [smem:$0x3FB0]  }
0x2c: {  	s7 =	sld [smem:$0x3FB1]  }
0x2d: {  	s3 =	simm.s32 $0x108;
	s8 =	sld [smem:$0x3FB2]  }
0x2e: {  	s3 =	simm.s32 @!p0 $0x1082;
	s9 =	sld [smem:$0x3FB3]  }
0x2f: {  	lr =	sadd.s32 s0, s3;
	s0 =	sld [smem:$0x3FAA]  }
0x30: {  	s3 =	sld [smem:$0x3FAD]  }
0x31: {  	[smem:$0x3FB6] =	sst s10  }
0x32: {  	s10 =	sld [smem:$0x3FB4];
	_ =	sdelay $0x3  }
0x33: {  	p0 =	seq.s32 s10, $0x1;
	s10 =	sld [smem:$0x3FB6];
	_ =	sdelay $0x3  }
0x34: {  	[smem:$0x3FB6] =	sst s10  }
0x35: {  	s10 =	sld [smem:$0x3FB5];
	_ =	sdelay $0x3  }
0x36: {  	p1 =	seq.s32 s10, $0x1;
	s10 =	sld [smem:$0x3FB6];
	_ =	sdelay $0x3  }
0x37: {  	[smem:$0x3FB6] =	sst s10  }
0x38: {  	s10 =	sld [smem:$0x3FB7]  }
0x39: {  	_ = 	snop;
	(pc) =	sbr.ind lr, $3  }
0x3a: {  	_ = 	snop  }
0x3b: {  	_ = 	snop  }
0x3c: {  	p2 =	seq.s32 s10, $0x1;
	s10 =	sld [smem:$0x3FB6]  }
0x3d: {  	_ =	shalt  }
0x3e: {  	_ =	shalt  }
0x3f: {  	_ =	shalt  }
0x40: {  	_ =	shalt  }
0x41: {  	_ =	shalt  }
0x42: {  	_ =	shalt  }
0x43: {  	_ =	shalt  }
0x44: {  	_ =	shalt  }
0x45: {  	_ =	shalt  }
0x46: {  	_ =	shalt  }
0x47: {  	_ =	shalt  }
0x48: {  	_ =	shalt  }
0x49: {  	_ =	shalt  }
0x4a: {  	_ =	shalt  }
0x4b: {  	_ =	shalt  }
0x4c: {  	_ =	shalt  }
0x4d: {  	_ =	shalt  }
0x4e: {  	_ =	shalt  }
0x4f: {  	_ =	shalt  }
0x50: {  	_ =	shalt  }
0x51: {  	_ =	shalt  }
0x52: {  	_ =	shalt  }
0x53: {  	_ =	shalt  }
0x54: {  	_ =	shalt  }
0x55: {  	_ =	shalt  }
0x56: {  	_ =	shalt  }
0x57: {  	_ =	shalt  }
0x58: {  	_ =	shalt  }
0x59: {  	_ =	shalt  }
0x5a: {  	_ =	shalt  }
0x5b: {  	_ =	shalt  }
0x5c: {  	_ =	shalt  }
0x5d: {  	_ =	shalt  }
0x5e: {  	_ =	shalt  }
0x5f: {  	_ =	shalt  }
0x60: {  	_ =	shalt  }
0x61: {  	_ =	shalt  }
0x62: {  	_ =	shalt  }
0x63: {  	_ =	shalt  }
0x64: {  	_ =	shalt  }
0x65: {  	_ =	shalt  }
0x66: {  	_ =	shalt  }
0x67: {  	_ =	shalt  }
0x68: {  	_ =	shalt  }
0x69: {  	_ =	shalt  }
0x6a: {  	_ =	shalt  }
0x6b: {  	_ =	shalt  }
0x6c: {  	_ =	shalt  }
0x6d: {  	_ =	shalt  }
0x6e: {  	_ =	shalt  }
0x6f: {  	_ =	shalt  }
0x70: {  	_ =	shalt  }
0x71: {  	_ =	shalt  }
0x72: {  	_ =	shalt  }
0x73: {  	_ =	shalt  }
0x74: {  	_ =	shalt  }
0x75: {  	_ =	shalt  }
0x76: {  	_ =	shalt  }
0x77: {  	_ =	shalt  }
0x78: {  	_ =	shalt  }
0x79: {  	_ =	shalt  }
0x7a: {  	_ =	shalt  }
0x7b: {  	_ =	shalt  }
0x7c: {  	_ =	shalt  }
0x7d: {  	_ =	shalt  }
0x7e: {  	_ =	shalt  }
0x7f: {  	_ =	shalt  }
0x80: {  	_ =	shalt  }
0x81: {  	_ =	shalt  }
0x82: {  	_ =	shalt  }
0x83: {  	_ =	shalt  }
0x84: {  	_ =	shalt  }
0x85: {  	_ =	shalt  }
0x86: {  	_ =	shalt  }
0x87: {  	_ =	shalt  }
.Lfunc_end0:
.L_simem_size_0:
called_computation_lowered:
.L_overlay_start_0:
0x88: {  	s2 =	sld [smem:$0x3FD9]  }
0x89: {  	s3 =	sld [smem:$0x3FFE];
	_ =	sdelay $0x1  }
0x8a: {  	s1 =	srdreg.scid  }
0x8b: {  	s0 =	sand.u32 $0x1, s1  }
0x8c: {  	s17 =	sshll.u32 s0, $0xA;
	s2 =	sadd.s32 s3, s2  }
0x8d: {  	s2 =	sadd.s32 s2, s17  }
0x8e: {  	[smem:$0x3FC2] =	sst s2  }
0x8f: {  	_ = 	snop  }
0x90: {  	s2 =	sld [smem:$0x3FD0];
	(tm) =	ssettm $0x1  }
0x91: {  	s18 =	sld [smem:$0x3FFB];
	_ =	sdelay $0x3  }
0x92: {  	_ =	strace s18  }
0x93: {  	s3 =	sld [smem:$0x3FFC];
	_ =	sdelay $0x3  }
0x94: {  	_ =	strace s3  }
0x95: {  	s3 =	sld [smem:$0x3FFD];
	_ =	sdelay $0x3  }
0x96: {  	_ =	strace s3  }
0x97: {  	_ =	strace $0x8FFFFFFF  }
0x98: {  	s19 =	sld [smem:$0x3FDB];
	_ =	sdelay $0x1  }
0x99: {  	s4 =	simm.s32 $_scs_section_size  }
0x9a: {  	s5 =	simm.s32 $_size__tile_overlayer_lowered;
	s6 =	simm.s32 $_tile_overlayer_lowered  }
0x9b: {  	s22 =	simm.s32 $0x1BFF;
	s21 =	sshll.u32 s6, $0x1;
	s3 =	sadd.s32 s4, s19  }
0x9c: {  	s7 =	simm.s32 $0x0;
	s20 =	sshll.u32 s5, $0x1;
	s5 =	sadd.s32 s21, s3  }
0x9d: {  	[timem:s7], [sflag:s22] =	dma.local [hbm:s5], s20  }
0x9e: {  	_ =	swait.ge [sflag:s22], s20  }
0x9f: {  	s4 =	ssub.s32 $0x0, s20;
	[sflag:s22] =	ssyncset.done $0x0  }
0xa0: {  	[sflag:s22] =	ssyncadd.s32 s4;
	_ =	sdelay $0x1  }
0xa1: {  	s23 =	simm.s32 $0x1B8B  }
0xa2: {  	_ =	swait.ge [sflag:s23], $0x1  }
0xa3: {  	[sflag:s23] =	ssyncset.done $0x0  }
0xa4: {  	s25 =	simm.s32 $0x1B8E;
	s24 =	sld [smem:$0x3FFE];
	[sflag:s23] =	ssyncadd.s32 $0xFFFFFFFF  }
0xa5: {  	s26 =	simm.s32 $execute0_lowered;
	[smem:$0x3FD2] =	sst s25  }
0xa6: {  	s5 =	sshll.u32 s26, $0x1;
	_ =	strace $0x80000046;
	[dreg:$0x1] =	wrdreg $0xFFFFFFFF  }
0xa7: {  	s28 =	simm.s32 $_size_execute0_lowered;
	s3 =	sadd.s32 s3, s5;
	[dreg:$0x0] =	wrdreg $0x0  }
0xa8: {  	s5 =	sshll.u32 s28, $0x1;
	[dreg:$0x2] =	wrdreg s3  }
0xa9: {  	[dreg:$0x3] =	wrdreg s5  }
0xaa: {  	[dreg:$0x4] =	wrdreg $0xC0  }
0xab: {  	_ =	task [dreg:s7], $0x5FFFF  }
0xac: {  	[dreg:$0x1] =	wrdreg $0xFFFFFFFF  }
0xad: {  	[dreg:$0x0] =	wrdreg $0x60  }
0xae: {  	[dreg:$0x2] =	wrdreg s2  }
0xaf: {  	[dreg:$0x3] =	wrdreg s24  }
0xb0: {  	[dreg:$0x4] =	wrdreg $0x39E00  }
0xb1: {  	[dreg:$0x5] =	wrdreg $0x9  }
0xb2: {  	_ =	task.clear_ibuf [dreg:s7], $0x6FFFF;
	_ =	strace $0x90000046  }
0xb3: {  	s29 =	simm.s32 $0x9;
	_ =	strace $0x80000048  }
0xb4: {  	_ =	swait.ge [sflag:s29], $0x1  }
0xb5: {  	[sflag:s29] =	ssyncadd.s32 $0xFFFFFFFF  }
0xb6: {  	_ =	strace $0x90000048  }
0xb7: {  	_ =	sfence  }
0xb8: {  	s30 =	sld [smem:$0x0];
	_ =	sdelay $0x2  }
0xb9: {  	s31 =	sshll.u32 s1, $0xD;
	s1 =	sshrl.u32 s1, $0x2  }
0xba: {  	s3 =	sand.u32 $0x4000, s31;
	s1 =	sadd.s32 s1, s30  }
0xbb: {  	s0 =	sor.u32 s3, s0;
	s1 =	sshll.u32 s1, $0x11  }
0xbc: {  	s0 =	sor.u32 s1, s0  }
0xbd: {  	s0 =	sadd.s32 $0x8F2B, s0  }
0xbe: {  	[sflag:s0] =	ssyncadd.remote.s32 $0x1  }
0xbf: {  	_ =	sfence.sel $0xFFFF  }
0xc0: {  	[dreg:$0x0] =	wrdreg $0xFFFFFFFF;
	(pc) =	sbr.abs _section_cstart, $3  }
0xc1: {  	[dreg:$0x1] =	wrdreg $0xFFFFFFFF  }
0xc2: {  	_ =	task.clear_ibuf [dreg:s7], $0x2FFFF;
	_ =	strace $0x9FFFFFFF  }
0xc3: {  	(tm) =	ssettm $0x7FFFFFFF  }
tec
execute0_lowered:
.L_overlay_start_1:
0x0: {  	(tag) =	ssettag $0x1  }
0x1: {  	s8 =	rddreg [dreg:$0x0];
	s1 =	srdreg.scid  }
0x2: {  	s0 =	stileid.u32;
	s4 =	rddreg [dreg:$0x1]  }
0x3: {  	s2 =	rddreg [dreg:$0x2];
	s3 =	simm.s32 $0x0;
	s12 =	simm.s32 $0x2  }
0x4: {  	s13 =	simm.s32 $0x80;
	s14 =	simm.s32 $0x2800;
	s15 =	simm.s32 $0x1  }
0x5: {  	s5 =	sand.u32 $0x1, s1;
	s6 =	smul.u32 $0x4F0, s0;
	s1 =	rddreg [dreg:$0x3]  }
0x6: {  	[smem:$0x7FF] =	sst s3;
	s26 =	smul.u32 $0x9E00, s0;
	s16 =	sshll.u32 s0, $0x6  }
0x7: {  	s7 =	smul.u32 $0x4F00, s5;
	_ =	strace $0x80000047;
	s28 =	sshll.u32 s5, $0x4  }
0x8: {  	s5 =	ssub.s32 $0x2, s5;
	s16 =	sor.u32 $0x1C02, s16;
	s29 =	sor.u32 s0, s28  }
0x9: {  	s30 =	sshrl.u32 s26, $0x2;
	s31 =	sshrl.u32 s5, $0x1;
	s6 =	sadd.s32 s6, s7  }
0xa: {  	s10 =	smul.u32 $0x500, s29;
	s9 =	sadd.s32 s6, s4;
	s4 =	sadd.s32 s30, s2  }
0xb: {  	s11 =	ssub.s32 s5, s31;
	s5 =	sadd.s32 $0x9E0, s4;
	s6 =	sadd.s32 $0x13C0, s4  }
0xc: {  	s7 =	sadd.s32 $0x1DA0, s4;
	s8 =	sadd.s32 s8, s10;
	s9 =	sadd.s32 $0xCC00, s9  }
0xd: {  	v0 =	vimm.f32 $1.000000000e+00;
	v1 =	vimm.f32 $0.0e+00;
	s10 =	smax.u32 s11, $0x1;
	s11 =	simm.s32 $0x3000;
	s17 =	sshrl.u32 s4, $0x3  }
.LBB2_1:
0xe: {  	s18 =	simm.s32 $0x0  }
.LBB2_2:
0xf: {  	p0 =	sne.s32 s18, $0x1FC0  }
.Ltmp0:
0x10: {  	_ = 	snop;
	(pc) =	sbr.rel @p0 .LBB2_2-.Ltmp0, $3  }
0x11: {  	_ =	sdelay $0x1  }
0x12: {  	s19 =	sshra.s32 s18, $0x2  }
0x13: {  	s18 =	sadd.s32 $0x40, s18;
	[tilespmem:s19+$0x2800] =	vst v0  }
0x14: {  	s18 =	simm.s32 $0x40;
	s19 =	simm.s32 $0x0  }
.LBB2_4:
0x15: {  	p0 =	sne.s32 s18, $0x2740;
	[tilespmem:s19+$0x3000] =	vst v1;
	s19 =	smov.u32 s18;
	s18 =	sadd.s32 $0x40, s18  }
.Ltmp1:
0x16: {  	(pc) =	sbr.rel @p0 .LBB2_4-.Ltmp1, $2  }
0x17: {  	_ =	sdelay $0x2  }
0x18: {  	s19 =	sshra.s32 s19, $0x2  }
0x19: {  	[tilespmem:s19+$0x3000] =	vst v1  }
0x1a: {  	[spmem:s4] =	stream.linear.scatter [tilespmem:s11], [sflag:$0x2], $0x9E0, $0x38;
	[tilespmem:$0x6160] =	vst v63  }
0x1b: {  	_ =	swait.ge [sflag:s12], $0x9E0  }
0x1c: {  	[sflag:s12] =	ssyncset.done $0x0  }
0x1d: {  	[sflag:s12] =	ssyncadd.s32 $0xFFFFF620  }
0x1e: {  	[spmem:s5] =	stream.linear.scatter [tilespmem:s11], [sflag:$0x2], $0x9E0, $0x38;
	[tilespmem:$0x6160] =	vst v63  }
0x1f: {  	_ =	swait.ge [sflag:s12], $0x9E0  }
0x20: {  	[sflag:s12] =	ssyncset.done $0x0  }
0x21: {  	[sflag:s12] =	ssyncadd.s32 $0xFFFFF620  }
0x22: {  	[spmem:s6] =	stream.linear.scatter [tilespmem:s11], [sflag:$0x2], $0x9E0, $0x38;
	[tilespmem:$0x6160] =	vst v63  }
0x23: {  	_ =	swait.ge [sflag:s12], $0x9E0  }
0x24: {  	[sflag:s12] =	ssyncset.done $0x0  }
0x25: {  	[sflag:s12] =	ssyncadd.s32 $0xFFFFF620  }
0x26: {  	[spmem:s7] =	stream.linear.scatter [tilespmem:s11], [sflag:$0x2], $0x9E0, $0x38;
	[tilespmem:$0x6160] =	vst v63  }
0x27: {  	_ =	swait.ge [sflag:s12], $0x9E0  }
0x28: {  	[sflag:s12] =	ssyncset.done $0x0  }
0x29: {  	[sflag:s12] =	ssyncadd.s32 $0xFFFFF620  }
0x2a: {  	s18 =	simm.s32 $0x0;
	[bflag:$0x0] =	sbarrier.arrive $0xFFFF  }
0x2b: {  	[tilespmem:s18], [sflag:$0x2] =	stream.linear.gather [hbm4b:s8+s18], $0x2800, $0x38;
	[tilespmem:$0x6160] =	vst v63  }
0x2c: {  	_ =	swait.ge [sflag:s12], $0x2800  }
0x2d: {  	[sflag:s12] =	ssyncset.done $0x0  }
0x2e: {  	s28 =	simm.s32 $0x0;
	[sflag:s12] =	ssyncadd.s32 $0xFFFFD800  }
0x2f: {  	[spmem:s2] =	stream.indirect.scatter.add.f32 [tilespmem:s14], [sflag:$0x1], $0x10, s28, s13, $0xb8;
	[tilespmem:$0x6160] =	vst v63  }
0x30: {  	s29 =	simm.s32 $0x80  }
0x31: {  	[spmem:s2] =	stream.indirect.scatter.add.f32 [tilespmem:s14], [sflag:$0x1], $0x10, s29, s13, $0xb8;
	[tilespmem:$0x6160] =	vst v63  }
0x32: {  	s30 =	simm.s32 $0x100  }
0x33: {  	[spmem:s2] =	stream.indirect.scatter.add.f32 [tilespmem:s14], [sflag:$0x1], $0x10, s30, s13, $0xb8;
	[tilespmem:$0x6160] =	vst v63  }
0x34: {  	s31 =	simm.s32 $0x180  }
0x35: {  	[spmem:s2] =	stream.indirect.scatter.add.f32 [tilespmem:s14], [sflag:$0x1], $0x10, s31, s13, $0xb8;
	[tilespmem:$0x6160] =	vst v63  }
0x36: {  	_ =	swait.ge [sflag:s15], $0x800  }
0x37: {  	[sflag:s15] =	ssyncset.done $0x0  }
0x38: {  	[sflag:s15] =	ssyncadd.s32 $0xFFFFF800  }
0x39: {  	_ =	swait.ge [sflag:s15], $0x800  }
0x3a: {  	[sflag:s15] =	ssyncset.done $0x0  }
0x3b: {  	[sflag:s15] =	ssyncadd.s32 $0xFFFFF800  }
0x3c: {  	_ =	swait.ge [sflag:s15], $0x800  }
0x3d: {  	[sflag:s15] =	ssyncset.done $0x0  }
0x3e: {  	[sflag:s15] =	ssyncadd.s32 $0xFFFFF800  }
0x3f: {  	_ =	swait.ge [sflag:s15], $0x800  }
0x40: {  	s19 =	simm.s32 $0x1000;
	s18 =	simm.s32 $0x800;
	[sflag:s15] =	ssyncset.done $0x0  }
.LBB2_6:
0x41: {  	s20 =	sshra.s32 s18, $0x2  }
0x42: {  	[sflag:s15] =	ssyncadd.s32 $0xFFFFF800;
	s18 =	smov.u32 s19;
	s21 =	sadd.s32 $0x800, s19  }
0x43: {  	[spmem:s2] =	stream.indirect.scatter.add.f32 [tilespmem:s14], [sflag:$0x1], $0x10, s20, s13, $0xb8;
	[tilespmem:$0x6160] =	vst v63  }
0x44: {  	p0 =	sne.s32 s19, $0x9800;
	s19 =	sadd.s32 $0x80, s20  }
0x45: {  	[spmem:s2] =	stream.indirect.scatter.add.f32 [tilespmem:s14], [sflag:$0x1], $0x10, s19, s13, $0xb8;
	[tilespmem:$0x6160] =	vst v63  }
0x46: {  	s19 =	sadd.s32 $0x100, s20  }
0x47: {  	[spmem:s2] =	stream.indirect.scatter.add.f32 [tilespmem:s14], [sflag:$0x1], $0x10, s19, s13, $0xb8;
	[tilespmem:$0x6160] =	vst v63  }
0x48: {  	s19 =	sadd.s32 $0x180, s20  }
0x49: {  	[spmem:s2] =	stream.indirect.scatter.add.f32 [tilespmem:s14], [sflag:$0x1], $0x10, s19, s13, $0xb8;
	[tilespmem:$0x6160] =	vst v63  }
0x4a: {  	_ =	swait.ge [sflag:s15], $0x800  }
0x4b: {  	[sflag:s15] =	ssyncset.done $0x0  }
0x4c: {  	[sflag:s15] =	ssyncadd.s32 $0xFFFFF800  }
0x4d: {  	_ =	swait.ge [sflag:s15], $0x800  }
0x4e: {  	[sflag:s15] =	ssyncset.done $0x0  }
0x4f: {  	[sflag:s15] =	ssyncadd.s32 $0xFFFFF800  }
.Ltmp2:
0x50: {  	_ =	swait.ge [sflag:s15], $0x800;
	(pc) =	sbr.rel @p0 .LBB2_6-.Ltmp2, $4  }
0x51: {  	[sflag:s15] =	ssyncset.done $0x0  }
0x52: {  	[sflag:s15] =	ssyncadd.s32 $0xFFFFF800  }
0x53: {  	_ =	swait.ge [sflag:s15], $0x800  }
0x54: {  	s19 =	smov.u32 s21;
	[sflag:s15] =	ssyncset.done $0x0  }
0x55: {  	s18 =	sshra.s32 s18, $0x2;
	[sflag:s15] =	ssyncadd.s32 $0xFFFFF800  }
0x56: {  	[spmem:s2] =	stream.indirect.scatter.add.f32 [tilespmem:s14], [sflag:$0x1], $0x10, s18, s13, $0xb8;
	[tilespmem:$0x6160] =	vst v63  }
0x57: {  	s19 =	sadd.s32 $0x80, s18  }
0x58: {  	[spmem:s2] =	stream.indirect.scatter.add.f32 [tilespmem:s14], [sflag:$0x1], $0x10, s19, s13, $0xb8;
	[tilespmem:$0x6160] =	vst v63  }
0x59: {  	s31 =	sadd.s32 $0x100, s18  }
0x5a: {  	[spmem:s2] =	stream.indirect.scatter.add.f32 [tilespmem:s14], [sflag:$0x1], $0x10, s31, s13, $0xb8;
	[tilespmem:$0x6160] =	vst v63  }
0x5b: {  	s18 =	sadd.s32 $0x180, s18  }
0x5c: {  	[spmem:s2] =	stream.indirect.scatter.add.f32 [tilespmem:s14], [sflag:$0x1], $0x10, s18, s13, $0xb8;
	[tilespmem:$0x6160] =	vst v63  }
0x5d: {  	_ =	swait.ge [sflag:s15], $0x800  }
0x5e: {  	[sflag:s15] =	ssyncset.done $0x0  }
0x5f: {  	[sflag:s15] =	ssyncadd.s32 $0xFFFFF800  }
0x60: {  	_ =	swait.ge [sflag:s15], $0x800  }
0x61: {  	[sflag:s15] =	ssyncset.done $0x0  }
0x62: {  	[sflag:s15] =	ssyncadd.s32 $0xFFFFF800  }
0x63: {  	_ =	swait.ge [sflag:s15], $0x800  }
0x64: {  	[sflag:s15] =	ssyncset.done $0x0  }
0x65: {  	[sflag:s15] =	ssyncadd.s32 $0xFFFFF800  }
0x66: {  	_ =	swait.ge [sflag:s15], $0x800  }
0x67: {  	s3 =	sadd.s32 $0x1, s3;
	[sflag:s15] =	ssyncset.done $0x0  }
0x68: {  	p0 =	sne.s32 s3, s10;
	[sflag:s15] =	ssyncadd.s32 $0xFFFFF800  }
.Ltmp3:
0x69: {  	[bflag:$0x0] =	sbarrier.arrive $0xFFFF;
	(pc) =	sbr.rel @p0 .LBB2_1-.Ltmp3, $4  }
0x6a: {  	[hbm:s9], [sflag:s16] =	dma.local [spmem:s17], $0x4F0  }
0x6b: {  	_ =	swait.ge [sflag:s12], $0x4F0  }
0x6c: {  	[sflag:s12] =	ssyncset.done $0x0  }
0x6d: {  	[sflag:s12] =	ssyncadd.s32 $0xFFFFFB10  }
0x6e: {  	_ =	sfence.sel $0x180000  }
0x6f: {  	[bflag:$0x0] =	sbarrier.arrive $0xFFFF  }
0x70: {  	p0 =	sne.s32 s0, $0x0;
	_ =	strace $0x90000047  }
0x71: {  	s0 =	sadd.s32 @!p0 $0x100000, s1;
	[bflag:$0x2] =	sbarrier.arrive $0xFFFF  }
0x72: {  	[sflag:s0] =	ssyncadd.tile.s32 @!p0 $0x1;
	_ =	shalt  }
.Lfunc_end2:
_tile_overlayer_lowered:
.L_overlay_start_2:
0x73: {  	(tag) =	ssettag $0x2  }
0x74: {  	s0 =	rddreg [dreg:$0x0];
	s2 =	stileid.u32  }
0x75: {  	s1 =	rddreg [dreg:$0x1];
	p0 =	sne.s32 s2, $0x0  }
0x76: {  	s3 =	rddreg [dreg:$0x2];
	[bflag:$0x3] =	sbarrier.arrive $0xFFFF;
	s2 =	simm.s32 @!p0 $0x1C02  }
0x77: {  	[timem:s3], [sflag:s2] =	dma.local @!p0 [hbm:s0], s1  }
0x78: {  	s0 =	simm.s32 @!p0 $0x2  }
0x79: {  	_ =	swait.ge @!p0 [sflag:s0], s1  }
0x7a: {  	s1 =	ssub.s32 @!p0 $0x0, s1;
	[sflag:s0] =	ssyncset.done @!p0 $0x0  }
0x7b: {  	[sflag:s0] =	ssyncadd.s32 @!p0 s1  }
0x7c: {  	[bflag:$0x3] =	sbarrier.arrive $0xFFFF  }
0x7d: {  	_ =	shalt  }

</sc_bundles>
